<compile_context>
chip_gen: v7x
topology: tpu7x:2x2x1
jax: 0.10.2.dev20260603
libtpu: 0.0.44.dev20260713+nightly
codegen_flags: <defaults>
</compile_context>

<pallas_src>
import functools

import jax
import jax.numpy as jnp
from jax import lax
from jax.experimental import pallas as pl
from jax.experimental.pallas import tpu as pltpu
from jax.experimental.pallas import tpu_sc as plsc

N = 10000
H = 8
E = 320000
ETOT = E + N
NW = 32
B = 128
CH = 1
NB = 2 * (-(-ETOT // (2 * CH * NW * B)))
NB_TOT = CH * NB
EPAD = NW * B * NB_TOT
EPC = NW * B * NB
ROWS_PER_TILE = 8 * (-(-(N + 1) // (16 * 8)))
ACC_ROWS = 16 * ROWS_PER_TILE
R = 128
BN = 400
BE = 1024



def _proj_body(x_ref, w_ref, o_ref):
    o_ref[...] = jnp.dot(x_ref[...], w_ref[...], preferred_element_type=jnp.float32)


def _project(x, wt):
    k, r = wt.shape
    return pl.pallas_call(
        _proj_body,
        grid=(N // BN,),
        in_specs=[pl.BlockSpec((BN, k), lambda i: (i, 0)),
                  pl.BlockSpec((k, r), lambda i: (0, 0))],
        out_specs=pl.BlockSpec((BN, r), lambda i: (i, 0)),
        out_shape=jax.ShapeDtypeStruct((N, r), jnp.float32),
    )(x, wt)


def _edge1_body(xj_ref, xi_ref, m_ref, s_ref, rx_ref, o_ref):
    xj = xj_ref[...]
    xi = xi_ref[...]
    xjf = xj[:, :64]
    t = xjf * xi[:, :64]
    lg = jnp.dot(t, s_ref[...], preferred_element_type=jnp.float32)
    base = xj[:, 64:72] + xi[:, 72:80]
    sig = 1.0 / (1.0 + jnp.exp(-lg))
    a = base * sig
    a = jnp.where(a >= 0.0, a, 0.2 * a)
    ex = jnp.exp(a - m_ref[...])
    exr = jnp.dot(ex, rx_ref[...], preferred_element_type=jnp.float32)
    o_ref[...] = jnp.concatenate(
        [xjf * exr, ex, jnp.zeros((xj.shape[0], 56), jnp.float32)], axis=1)


def _edge2_body(xj_ref, xi_ref, m_ref, s_ref, al_ref, ar_ref, rx_ref,
                oa_ref, ob_ref):
    xj = xj_ref[...]
    xi = xi_ref[...]
    t = xj * xi
    lg = jnp.dot(t, s_ref[...], preferred_element_type=jnp.float32)
    base = (jnp.dot(xj, al_ref[...], preferred_element_type=jnp.float32)
            + jnp.dot(xi, ar_ref[...], preferred_element_type=jnp.float32))
    sig = 1.0 / (1.0 + jnp.exp(-lg))
    a = base * sig
    a = jnp.where(a >= 0.0, a, 0.2 * a)
    ex = jnp.exp(a - m_ref[...])
    z = jnp.zeros((xj.shape[0], 60), jnp.float32)
    exa = ex[:, :4]
    exb = ex[:, 4:]
    rxm = rx_ref[...]
    oa_ref[...] = jnp.concatenate(
        [xj[:, :64] * jnp.dot(exa, rxm, preferred_element_type=jnp.float32),
         exa, z], axis=1)
    ob_ref[...] = jnp.concatenate(
        [xj[:, 64:] * jnp.dot(exb, rxm, preferred_element_type=jnp.float32),
         exb, z], axis=1)


def _mid_body(acc_ref, b_ref, exp8_ref, w_ref, o1_ref, o2_ref):
    a = jnp.sum(acc_ref[...], axis=0)
    num = a[:, :64]
    den = a[:, 64:72]
    den_e = jnp.dot(den, exp8_ref[...], preferred_element_type=jnp.float32) + 1e-16
    hb = num / den_e + b_ref[...]
    hb = jnp.where(hb > 0, hb, jnp.exp(hb) - 1.0)
    z = jnp.dot(hb, w_ref[...], preferred_element_type=jnp.float32)
    o1_ref[...] = z[:, :128]
    o2_ref[...] = z[:, 128:]


def _post_body(aa_ref, ab_ref, b_ref, exp4_ref, mean_ref, o_ref):
    aa = jnp.sum(aa_ref[...], axis=0)
    ab = jnp.sum(ab_ref[...], axis=0)
    num_a = aa[:, :64]
    den_a = aa[:, 64:68]
    num_b = ab[:, :64]
    den_b = ab[:, 64:68]
    e4 = exp4_ref[...]
    r_a = num_a / (jnp.dot(den_a, e4, preferred_element_type=jnp.float32) + 1e-16)
    r_b = num_b / (jnp.dot(den_b, e4, preferred_element_type=jnp.float32) + 1e-16)
    mn = mean_ref[...]
    z = (jnp.dot(r_a, mn, preferred_element_type=jnp.float32)
         + jnp.dot(r_b, mn, preferred_element_type=jnp.float32) + b_ref[...])
    m = jnp.max(z, axis=1, keepdims=True)
    s = jnp.sum(jnp.exp(z - m), axis=1, keepdims=True)
    o_ref[...] = z - m - jnp.log(s)



@functools.lru_cache(maxsize=None)
def _make_gather_kernel():
    mesh = plsc.VectorSubcoreMesh(core_axis_name="c", subcore_axis_name="s")

    @functools.partial(
        pl.kernel,
        out_type=(jax.ShapeDtypeStruct((EPC, R), jnp.float32),
                  jax.ShapeDtypeStruct((EPC, R), jnp.float32)),
        mesh=mesh,
        scratch_types=[
            pltpu.VMEM((NB, B), jnp.int32),
            pltpu.VMEM((NB, B), jnp.int32),
            pltpu.VMEM((B, R), jnp.float32),
            pltpu.VMEM((B, R), jnp.float32),
            pltpu.VMEM((B, R), jnp.float32),
            pltpu.VMEM((B, R), jnp.float32),
            pltpu.SemaphoreType.DMA,
            pltpu.SemaphoreType.DMA,
            pltpu.SemaphoreType.DMA,
            pltpu.SemaphoreType.DMA,
        ],
    )
    def gather_kernel(table_hbm, src_hbm, dst_hbm, oj_hbm, oi_hbm,
                      src_v, dst_v, rj0, ri0, rj1, ri1, sg0, sg1, sw0, sw1):
        cid = lax.axis_index("c")
        sid = lax.axis_index("s")
        wid = cid * 16 + sid
        pltpu.sync_copy(src_hbm.at[wid], src_v)
        pltpu.sync_copy(dst_hbm.at[wid], dst_v)

        def g_issue(t, rj, ri, sg):
            pltpu.async_copy(table_hbm.at[src_v.at[t]], rj, sg)
            pltpu.async_copy(table_hbm.at[dst_v.at[t]], ri, sg)

        def g_drain(t, rj, ri, sg):
            pltpu.make_async_copy(table_hbm.at[src_v.at[t]], rj, sg).wait()
            pltpu.make_async_copy(table_hbm.at[dst_v.at[t]], ri, sg).wait()

        def w_issue(t, rj, ri, sw):
            base = (wid * NB + t) * B
            pltpu.async_copy(rj, oj_hbm.at[pl.ds(base, B)], sw)
            pltpu.async_copy(ri, oi_hbm.at[pl.ds(base, B)], sw)

        def w_drain(t, rj, ri, sw):
            base = (wid * NB + t) * B
            pltpu.make_async_copy(rj, oj_hbm.at[pl.ds(base, B)], sw).wait()
            pltpu.make_async_copy(ri, oi_hbm.at[pl.ds(base, B)], sw).wait()

        g_issue(0, rj0, ri0, sg0)

        def pair(jj, carry):
            t0 = 2 * jj
            t1 = t0 + 1
            g_issue(t1, rj1, ri1, sg1)
            g_drain(t0, rj0, ri0, sg0)
            w_issue(t0, rj0, ri0, sw0)
            g_drain(t1, rj1, ri1, sg1)
            w_issue(t1, rj1, ri1, sw1)
            w_drain(t0, rj0, ri0, sw0)
            g_issue(t0 + 2, rj0, ri0, sg0)
            w_drain(t1, rj1, ri1, sw1)
            return carry

        lax.fori_loop(0, NB // 2 - 1, pair, 0)
        t0 = NB - 2
        t1 = NB - 1
        g_issue(t1, rj1, ri1, sg1)
        g_drain(t0, rj0, ri0, sg0)
        w_issue(t0, rj0, ri0, sw0)
        g_drain(t1, rj1, ri1, sg1)
        w_issue(t1, rj1, ri1, sw1)
        w_drain(t0, rj0, ri0, sw0)
        w_drain(t1, rj1, ri1, sw1)

    return gather_kernel


@functools.lru_cache(maxsize=None)
def _make_scatter_kernel():
    mesh = plsc.VectorSubcoreMesh(core_axis_name="c", subcore_axis_name="s")

    @functools.partial(
        pl.kernel,
        out_type=jax.ShapeDtypeStruct((2, ACC_ROWS, R), jnp.float32),
        mesh=mesh,
        scratch_types=[
            pltpu.VMEM((NB, B), jnp.int32),
            pltpu.VMEM((B, R), jnp.float32),
            pltpu.VMEM((B, R), jnp.float32),
            pltpu.VMEM_SHARED((ACC_ROWS, R), jnp.float32),
            pltpu.SemaphoreType.DMA,
            pltpu.SemaphoreType.DMA,
            pltpu.SemaphoreType.DMA,
            pltpu.SemaphoreType.DMA,
        ],
    )
    def scatter_kernel(prod_hbm, dst_hbm, zeros_hbm, out_hbm,
                       dst_v, p0, p1, acc, sl0, sl1, sa0, sa1):
        cid = lax.axis_index("c")
        sid = lax.axis_index("s")
        wid = cid * 16 + sid
        slab = pl.ds(sid * ROWS_PER_TILE, ROWS_PER_TILE)
        pltpu.sync_copy(zeros_hbm, acc.at[slab])
        pltpu.sync_copy(dst_hbm.at[wid], dst_v)
        plsc.subcore_barrier()

        def l_issue(t, p, sl):
            base = (wid * NB + t) * B
            pltpu.async_copy(prod_hbm.at[pl.ds(base, B)], p, sl)

        def l_drain(t, p, sl):
            base = (wid * NB + t) * B
            pltpu.make_async_copy(prod_hbm.at[pl.ds(base, B)], p, sl).wait()

        def a_issue(t, p, sa):
            pltpu.async_copy(p, acc.at[dst_v.at[t]], sa, add=True)

        def a_drain(t, p, sa):
            pltpu.make_async_copy(p, acc.at[dst_v.at[t]], sa).wait()

        l_issue(0, p0, sl0)

        def pair(jj, carry):
            t0 = 2 * jj
            t1 = t0 + 1
            l_issue(t1, p1, sl1)
            l_drain(t0, p0, sl0)
            a_issue(t0, p0, sa0)
            l_drain(t1, p1, sl1)
            a_issue(t1, p1, sa1)
            a_drain(t0, p0, sa0)
            l_issue(t0 + 2, p0, sl0)
            a_drain(t1, p1, sa1)
            return carry

        lax.fori_loop(0, NB // 2 - 1, pair, 0)
        t0 = NB - 2
        t1 = NB - 1
        l_issue(t1, p1, sl1)
        l_drain(t0, p0, sl0)
        a_issue(t0, p0, sa0)
        l_drain(t1, p1, sl1)
        a_issue(t1, p1, sa1)
        a_drain(t0, p0, sa0)
        a_drain(t1, p1, sa1)
        plsc.subcore_barrier()
        pltpu.sync_copy(acc.at[slab], out_hbm.at[cid, slab])

    return scatter_kernel



def _att_block(att, C):
    a = att.reshape(H, C)
    eye = jnp.eye(H, dtype=jnp.float32)
    return (a[:, :, None] * eye[:, None, :]).reshape(H * C, H)


def _scatter(prod, dst_p):
    zeros = jnp.zeros((ROWS_PER_TILE, R), jnp.float32)
    return _make_scatter_kernel()(prod, dst_p, zeros)


def kernel(x, edge_index, W1, att_l1, att_r1, b1, W2, att_l2, att_r2, b2):
    src, dst = edge_index[0], edge_index[1]
    loop = jnp.arange(N, dtype=src.dtype)
    valid = jnp.concatenate([src != dst, jnp.ones((N,), bool)])
    src_all = jnp.concatenate([src, loop])
    dst_all = jnp.concatenate([dst, loop])
    dst_g = jnp.where(valid, dst_all, 0)
    dst_s = jnp.where(valid, dst_all, N)
    pad = EPAD - ETOT
    src_p = jnp.concatenate([src_all, jnp.zeros((pad,), src.dtype)]).reshape(NW, NB_TOT, B)
    dstg_p = jnp.concatenate([dst_g, jnp.zeros((pad,), src.dtype)]).reshape(NW, NB_TOT, B)
    dsts_p = jnp.concatenate([dst_s, jnp.full((pad,), N, src.dtype)]).reshape(NW, NB_TOT, B)
    chunk = lambda a, c: a[:, c * NB:(c + 1) * NB, :]

    W1T = W1.T
    wt1 = jnp.concatenate(
        [W1T, W1T @ _att_block(att_l1, 8), W1T @ _att_block(att_r1, 8),
         jnp.zeros((128, 48), jnp.float32)], axis=1)
    W2T = W2.T
    wt2 = jnp.concatenate(
        [W2T, W2T @ _att_block(att_l2, 16), W2T @ _att_block(att_r2, 16)],
        axis=1)
    al2 = _att_block(att_l2, 16)
    ar2 = _att_block(att_r2, 16)

    table1 = _project(x, wt1)
    m1 = jnp.maximum(jnp.max(table1[:, 64:72], 0) + jnp.max(table1[:, 72:80], 0), 0.0)
    seg1 = jnp.kron(jnp.eye(8), jnp.ones((8, 1))).astype(jnp.float32)
    rx1 = jnp.kron(jnp.eye(8), jnp.ones((1, 8))).astype(jnp.float32)
    acc1_parts = []
    for c in range(CH):
        rows_j1, rows_i1 = _make_gather_kernel()(
            table1, chunk(src_p, c), chunk(dstg_p, c))
        prod1 = pl.pallas_call(
            _edge1_body,
            grid=(EPC // BE,),
            in_specs=[pl.BlockSpec((BE, R), lambda i: (i, 0)),
                      pl.BlockSpec((BE, R), lambda i: (i, 0)),
                      pl.BlockSpec((1, 8), lambda i: (0, 0)),
                      pl.BlockSpec((64, 8), lambda i: (0, 0)),
                      pl.BlockSpec((8, 64), lambda i: (0, 0))],
            out_specs=pl.BlockSpec((BE, R), lambda i: (i, 0)),
            out_shape=jax.ShapeDtypeStruct((EPC, R), jnp.float32),
        )(rows_j1, rows_i1, m1.reshape(1, 8), seg1, rx1)
        acc1_parts.append(_scatter(prod1, chunk(dsts_p, c)))
    acc1 = jnp.concatenate(acc1_parts, axis=0)

    exp8 = jnp.kron(jnp.eye(8), jnp.ones((1, 8))).astype(jnp.float32)
    table2, att2 = pl.pallas_call(
        _mid_body,
        grid=(N // BN,),
        in_specs=[pl.BlockSpec((2 * CH, BN, R), lambda i: (0, i, 0)),
                  pl.BlockSpec((1, 64), lambda i: (0, 0)),
                  pl.BlockSpec((8, 64), lambda i: (0, 0)),
                  pl.BlockSpec((64, 144), lambda i: (0, 0))],
        out_specs=[pl.BlockSpec((BN, 128), lambda i: (i, 0)),
                   pl.BlockSpec((BN, 16), lambda i: (i, 0))],
        out_shape=[jax.ShapeDtypeStruct((N, 128), jnp.float32),
                   jax.ShapeDtypeStruct((N, 16), jnp.float32)],
    )(acc1, b1.reshape(1, 64), exp8, wt2)

    m2 = jnp.maximum(jnp.max(att2[:, :8], 0) + jnp.max(att2[:, 8:], 0), 0.0)
    seg2 = jnp.kron(jnp.eye(8), jnp.ones((16, 1))).astype(jnp.float32)
    rx2 = jnp.kron(jnp.eye(4), jnp.ones((1, 16))).astype(jnp.float32)
    acc2a_parts = []
    acc2b_parts = []
    for c in range(CH):
        rows_j2, rows_i2 = _make_gather_kernel()(
            table2, chunk(src_p, c), chunk(dstg_p, c))
        prod2a, prod2b = pl.pallas_call(
            _edge2_body,
            grid=(EPC // BE,),
            in_specs=[pl.BlockSpec((BE, R), lambda i: (i, 0)),
                      pl.BlockSpec((BE, R), lambda i: (i, 0)),
                      pl.BlockSpec((1, 8), lambda i: (0, 0)),
                      pl.BlockSpec((128, 8), lambda i: (0, 0)),
                      pl.BlockSpec((128, 8), lambda i: (0, 0)),
                      pl.BlockSpec((128, 8), lambda i: (0, 0)),
                      pl.BlockSpec((4, 64), lambda i: (0, 0))],
            out_specs=[pl.BlockSpec((BE, R), lambda i: (i, 0)),
                       pl.BlockSpec((BE, R), lambda i: (i, 0))],
            out_shape=[jax.ShapeDtypeStruct((EPC, R), jnp.float32),
                       jax.ShapeDtypeStruct((EPC, R), jnp.float32)],
        )(rows_j2, rows_i2, m2.reshape(1, 8), seg2, al2, ar2, rx2)
        acc2a_parts.append(_scatter(prod2a, chunk(dsts_p, c)))
        acc2b_parts.append(_scatter(prod2b, chunk(dsts_p, c)))
    acc2a = jnp.concatenate(acc2a_parts, axis=0)
    acc2b = jnp.concatenate(acc2b_parts, axis=0)

    exp4 = jnp.kron(jnp.eye(4), jnp.ones((1, 16))).astype(jnp.float32)
    meanm = (jnp.kron(jnp.ones((4, 1)), jnp.eye(16)) / 8.0).astype(jnp.float32)
    logp = pl.pallas_call(
        _post_body,
        grid=(N // BN,),
        in_specs=[pl.BlockSpec((2 * CH, BN, R), lambda i: (0, i, 0)),
                  pl.BlockSpec((2 * CH, BN, R), lambda i: (0, i, 0)),
                  pl.BlockSpec((1, 16), lambda i: (0, 0)),
                  pl.BlockSpec((4, 64), lambda i: (0, 0)),
                  pl.BlockSpec((64, 16), lambda i: (0, 0))],
        out_specs=pl.BlockSpec((BN, 16), lambda i: (i, 0)),
        out_shape=jax.ShapeDtypeStruct((N, 16), jnp.float32),
    )(acc2a, acc2b, b2.reshape(1, 16), exp4, meanm)

    return logp, jnp.zeros((), jnp.float32)

# --- scband reference (transcript-rebuilt; emitter-appended) ---
"""Pipeline reference for scband-super-gat-54881092108451 (READ-ONLY COPY).

The authoritative reference and input builder live on the scoring server;
editing this copy changes nothing except your own understanding.
"""

import jax, jax.numpy as jnp
import numpy as np

N = 10000
E = 320000
IN_CH = 128
OUT_CH = 16
H = 8
C1 = 8
C2 = OUT_CH


def setup_inputs(seed: int = 0) -> dict:
    key = jax.random.key(seed)
    ks = jax.random.split(key, 10)
    x = jax.random.normal(ks[0], (N, IN_CH), dtype=jnp.float32)
    edge_index = jax.random.randint(ks[1], (2, E), 0, N, dtype=jnp.int32)
    W1 = jax.random.normal(ks[2], (H * C1, IN_CH), dtype=jnp.float32) * (1.0 / np.sqrt(IN_CH))
    att_l1 = jax.random.normal(ks[3], (1, H, C1), dtype=jnp.float32) * 0.1
    att_r1 = jax.random.normal(ks[4], (1, H, C1), dtype=jnp.float32) * 0.1
    b1 = jnp.zeros((H * C1,), dtype=jnp.float32)
    W2 = jax.random.normal(ks[5], (H * C2, H * C1), dtype=jnp.float32) * (1.0 / np.sqrt(H * C1))
    att_l2 = jax.random.normal(ks[6], (1, H, C2), dtype=jnp.float32) * 0.1
    att_r2 = jax.random.normal(ks[7], (1, H, C2), dtype=jnp.float32) * 0.1
    b2 = jnp.zeros((C2,), dtype=jnp.float32)
    return {"x": x, "edge_index": edge_index, "W1": W1, "att_l1": att_l1, "att_r1": att_r1, "b1": b1, "W2": W2, "att_l2": att_l2, "att_r2": att_r2, "b2": b2}


def _add_self_loops(edge_index, n):
    src, dst = edge_index[0], edge_index[1]
    mask = src != dst
    loop = jnp.arange(n, dtype=src.dtype)
    valid = jnp.concatenate([mask, jnp.ones((n,), dtype=bool)])
    return jnp.concatenate([src, loop]), jnp.concatenate([dst, loop]), valid


def _supergat_conv(x, src, dst, valid, W, att_l, att_r, bias, heads, out_ch, concat):
    n = x.shape[0]
    xp = (x @ W.T).reshape(n, heads, out_ch)
    x_j = xp[src]
    x_i = xp[dst]
    # MX attention: GO-style logits gate the GAT-style attention
    logits = jnp.sum(x_i * x_j, axis=-1)  # [E, H]
    alpha = jnp.sum(x_j * att_l, axis=-1) + jnp.sum(x_i * att_r, axis=-1)
    alpha = alpha * jax.nn.sigmoid(logits)
    alpha = jax.nn.leaky_relu(alpha, 0.2)
    alpha = jnp.where(valid[:, None], alpha, -jnp.inf)
    # segment softmax over destination nodes
    amax = jax.lax.stop_gradient(jax.ops.segment_max(alpha, dst, num_segments=n))
    ex = jnp.exp(alpha - amax[dst])
    denom = jax.ops.segment_sum(ex, dst, num_segments=n)
    alpha = ex / (denom[dst] + 1e-16)
    out = jax.ops.segment_sum(x_j * alpha[..., None], dst, num_segments=n)
    if concat:
        out = out.reshape(n, heads * out_ch)
    else:
        out = out.mean(axis=1)
    return out + bias


def reference(x, edge_index, W1, att_l1, att_r1, b1, W2, att_l2, att_r2, b2):
    # eval mode: dropout is identity, attention loss is 0
    src, dst, valid = _add_self_loops(edge_index, N)
    h = _supergat_conv(x, src, dst, valid, W1, att_l1, att_r1, b1, H, C1, True)
    h = jax.nn.elu(h)
    out = _supergat_conv(h, src, dst, valid, W2, att_l2, att_r2, b2, H, C2, False)
    logp = jax.nn.log_softmax(out, axis=-1)
    att_loss = jnp.zeros((), dtype=jnp.float32)
    return logp, att_loss

if __name__ == "__main__":
    import jax
    _d = setup_inputs()
    print(jax.jit(kernel)(*tuple(_d.values())))

</pallas_src>

<mosaic_0001>
#map = affine_map<(d0, d1) -> (0, 0)>
#map1 = affine_map<(d0, d1) -> (0, 0, 0)>
module attributes {stable_mosaic.version = 14 : i64} {
  func.func @scatter_kernel(%arg0: i32, %arg1: i32, %arg2: memref<335872x128xf32, #tpu.memory_space<hbm>>, %arg3: memref<32x82x128xi32, #tpu.memory_space<hbm>>, %arg4: memref<632x128xf32, #tpu.memory_space<hbm>>, %arg5: memref<2x10112x128xf32, #tpu.memory_space<hbm>>, %arg6: memref<82x128xi32, #tpu.memory_space<vmem>>, %arg7: memref<128x128xf32, #tpu.memory_space<vmem>>, %arg8: memref<128x128xf32, #tpu.memory_space<vmem>>, %arg9: memref<10112x128xf32, #tpu.memory_space<vmem_shared>>, %arg10: memref<!tpu.dma_semaphore, #tpu.memory_space<semaphore_mem>>, %arg11: memref<!tpu.dma_semaphore, #tpu.memory_space<semaphore_mem>>, %arg12: memref<!tpu.dma_semaphore, #tpu.memory_space<semaphore_mem>>, %arg13: memref<!tpu.dma_semaphore, #tpu.memory_space<semaphore_mem>>) attributes {dimension_semantics = [#tpu.dimension_semantics<core_parallel>, #tpu.dimension_semantics<subcore_parallel>], iteration_bounds = array<i64: 2, 16>, scalar_prefetch = 0 : i64, scratch_operands = 8 : i64, tpu.core_type = #tpu.core_type<sc_vector_subcore>, window_params = [{transform_indices = #map}, {transform_indices = #map1}, {transform_indices = #map}, {transform_indices = #map1}]} {
    %mul3A = arith.constant 16 : i32
    %mul3A_0 = arith.muli %arg0, %mul3A : i32
    %add3A = arith.addi %mul3A_0, %arg1 : i32
    %mul3A_1 = arith.constant 632 : i32
    %mul3A_2 = arith.muli %arg1, %mul3A_1 : i32
    "tpu.region"() ({
      %run_scoped3A = tpu.sem_alloc : memref<!tpu.dma_semaphore, #tpu.memory_space<semaphore_mem>>
      %dma_start3A_75 = arith.constant 0 : i32
      %dma_start3A_76 = tpu.memref_slice %arg9[%mul3A_2, %dma_start3A_75] : memref<10112x128xf32, #tpu.memory_space<vmem_shared>> -> memref<632x128xf32, #tpu.memory_space<vmem_shared>>
      tpu.enqueue_dma source(%arg4 : memref<632x128xf32, #tpu.memory_space<hbm>>) target(%dma_start3A_76 : memref<632x128xf32, #tpu.memory_space<vmem_shared>>) target_semaphore(%run_scoped3A : memref<!tpu.dma_semaphore, #tpu.memory_space<semaphore_mem>>)
      %dma_wait3A_77 = arith.constant 0 : i32
      %dma_wait3A_78 = tpu.memref_slice %arg9[%mul3A_2, %dma_wait3A_77] : memref<10112x128xf32, #tpu.memory_space<vmem_shared>> -> memref<632x128xf32, #tpu.memory_space<vmem_shared>>
      tpu.wait_dma2 semaphore(%run_scoped3A : memref<!tpu.dma_semaphore, #tpu.memory_space<semaphore_mem>>) src(%arg4 : memref<632x128xf32, #tpu.memory_space<hbm>>) dst(%dma_wait3A_78 : memref<632x128xf32, #tpu.memory_space<vmem_shared>>)
      tpu.yield
    }) : () -> ()
    "tpu.region"() ({
      %run_scoped3A = tpu.sem_alloc : memref<!tpu.dma_semaphore, #tpu.memory_space<semaphore_mem>>
      %dma_start3A_75 = arith.constant 0 : i32
      %dma_start3A_76 = arith.constant 0 : i32
      %dma_start3A_77 = tpu.memref_slice %arg3[%add3A, %dma_start3A_75, %dma_start3A_76] : memref<32x82x128xi32, #tpu.memory_space<hbm>> -> memref<1x82x128xi32, #tpu.memory_space<hbm>>
      %dma_start3A_78 = tpu.memref_squeeze %dma_start3A_77 : memref<1x82x128xi32, #tpu.memory_space<hbm>> -> memref<82x128xi32, #tpu.memory_space<hbm>>
      %dma_start3A_79 = arith.constant 0 : i32
      %dma_start3A_80 = arith.constant 0 : i32
      %dma_start3A_81 = tpu.memref_slice %arg3[%add3A, %dma_start3A_79, %dma_start3A_80] : memref<32x82x128xi32, #tpu.memory_space<hbm>> -> memref<1x82x128xi32, #tpu.memory_space<hbm>>
      %dma_start3A_82 = tpu.memref_squeeze %dma_start3A_81 : memref<1x82x128xi32, #tpu.memory_space<hbm>> -> memref<82x128xi32, #tpu.memory_space<hbm>>
      tpu.enqueue_dma source(%dma_start3A_82 : memref<82x128xi32, #tpu.memory_space<hbm>>) target(%arg6 : memref<82x128xi32, #tpu.memory_space<vmem>>) target_semaphore(%run_scoped3A : memref<!tpu.dma_semaphore, #tpu.memory_space<semaphore_mem>>)
      %dma_wait3A_83 = arith.constant 0 : i32
      %dma_wait3A_84 = arith.constant 0 : i32
      %dma_wait3A_85 = tpu.memref_slice %arg3[%add3A, %dma_wait3A_83, %dma_wait3A_84] : memref<32x82x128xi32, #tpu.memory_space<hbm>> -> memref<1x82x128xi32, #tpu.memory_space<hbm>>
      %dma_wait3A_86 = tpu.memref_squeeze %dma_wait3A_85 : memref<1x82x128xi32, #tpu.memory_space<hbm>> -> memref<82x128xi32, #tpu.memory_space<hbm>>
      %dma_wait3A_87 = arith.constant 0 : i32
      %dma_wait3A_88 = arith.constant 0 : i32
      %dma_wait3A_89 = tpu.memref_slice %arg3[%add3A, %dma_wait3A_87, %dma_wait3A_88] : memref<32x82x128xi32, #tpu.memory_space<hbm>> -> memref<1x82x128xi32, #tpu.memory_space<hbm>>
      %dma_wait3A_90 = tpu.memref_squeeze %dma_wait3A_89 : memref<1x82x128xi32, #tpu.memory_space<hbm>> -> memref<82x128xi32, #tpu.memory_space<hbm>>
      tpu.wait_dma2 semaphore(%run_scoped3A : memref<!tpu.dma_semaphore, #tpu.memory_space<semaphore_mem>>) src(%dma_wait3A_90 : memref<82x128xi32, #tpu.memory_space<hbm>>) dst(%arg6 : memref<82x128xi32, #tpu.memory_space<vmem>>)
      tpu.yield
    }) : () -> ()
    %barrier3A = arith.constant 0 : index
    tpu.barrier barrier_id(%barrier3A)
    %mul3A_3 = arith.constant 82 : i32
    %mul3A_4 = arith.muli %add3A, %mul3A_3 : i32
    %add3A_5 = arith.constant 0 : i32
    %add3A_6 = arith.addi %mul3A_4, %add3A_5 : i32
    %mul3A_7 = arith.constant 128 : i32
    %mul3A_8 = arith.muli %add3A_6, %mul3A_7 : i32
    %dma_start3A = arith.constant 0 : i32
    %dma_start3A_9 = tpu.memref_slice %arg2[%mul3A_8, %dma_start3A] : memref<335872x128xf32, #tpu.memory_space<hbm>> -> memref<128x128xf32, #tpu.memory_space<hbm>>
    %dma_start3A_10 = arith.constant 0 : i32
    %dma_start3A_11 = tpu.memref_slice %arg2[%mul3A_8, %dma_start3A_10] : memref<335872x128xf32, #tpu.memory_space<hbm>> -> memref<128x128xf32, #tpu.memory_space<hbm>>
    tpu.enqueue_dma source(%dma_start3A_11 : memref<128x128xf32, #tpu.memory_space<hbm>>) target(%arg7 : memref<128x128xf32, #tpu.memory_space<vmem>>) target_semaphore(%arg10 : memref<!tpu.dma_semaphore, #tpu.memory_space<semaphore_mem>>)
    %scan3A = arith.constant 0 : i32
    %scan3A_12 = arith.constant 0 : i32
    %scan3A_13 = arith.constant 40 : i32
    %scan3A_14 = arith.addi %scan3A_12, %scan3A_13 : i32
    %scan3A_15 = arith.constant 1 : i32
    scf.for %scan3A_75 = %scan3A_12 to %scan3A_14 step %scan3A_15  : i32 {
      %mul3A_76 = arith.constant 2 : i32
      %mul3A_77 = arith.muli %mul3A_76, %scan3A_75 : i32
      %add3A_78 = arith.constant 1 : i32
      %add3A_79 = arith.addi %mul3A_77, %add3A_78 : i32
      %mul3A_80 = arith.constant 82 : i32
      %mul3A_81 = arith.muli %add3A, %mul3A_80 : i32
      %add3A_82 = arith.addi %mul3A_81, %add3A_79 : i32
      %mul3A_83 = arith.constant 128 : i32
      %mul3A_84 = arith.muli %add3A_82, %mul3A_83 : i32
      %dma_start3A_85 = arith.constant 0 : i32
      %dma_start3A_86 = tpu.memref_slice %arg2[%mul3A_84, %dma_start3A_85] : memref<335872x128xf32, #tpu.memory_space<hbm>> -> memref<128x128xf32, #tpu.memory_space<hbm>>
      %dma_start3A_87 = arith.constant 0 : i32
      %dma_start3A_88 = tpu.memref_slice %arg2[%mul3A_84, %dma_start3A_87] : memref<335872x128xf32, #tpu.memory_space<hbm>> -> memref<128x128xf32, #tpu.memory_space<hbm>>
      tpu.enqueue_dma source(%dma_start3A_88 : memref<128x128xf32, #tpu.memory_space<hbm>>) target(%arg8 : memref<128x128xf32, #tpu.memory_space<vmem>>) target_semaphore(%arg11 : memref<!tpu.dma_semaphore, #tpu.memory_space<semaphore_mem>>)
      %mul3A_89 = arith.constant 82 : i32
      %mul3A_90 = arith.muli %add3A, %mul3A_89 : i32
      %add3A_91 = arith.addi %mul3A_90, %mul3A_77 : i32
      %mul3A_92 = arith.constant 128 : i32
      %mul3A_93 = arith.muli %add3A_91, %mul3A_92 : i32
      %dma_wait3A_94 = arith.constant 0 : i32
      %dma_wait3A_95 = tpu.memref_slice %arg2[%mul3A_93, %dma_wait3A_94] : memref<335872x128xf32, #tpu.memory_space<hbm>> -> memref<128x128xf32, #tpu.memory_space<hbm>>
      %dma_wait3A_96 = arith.constant 0 : i32
      %dma_wait3A_97 = tpu.memref_slice %arg2[%mul3A_93, %dma_wait3A_96] : memref<335872x128xf32, #tpu.memory_space<hbm>> -> memref<128x128xf32, #tpu.memory_space<hbm>>
      tpu.wait_dma2 semaphore(%arg10 : memref<!tpu.dma_semaphore, #tpu.memory_space<semaphore_mem>>) src(%dma_wait3A_97 : memref<128x128xf32, #tpu.memory_space<hbm>>) dst(%arg7 : memref<128x128xf32, #tpu.memory_space<vmem>>)
      %dma_start3A_98 = arith.constant 0 : i32
      %dma_start3A_99 = tpu.memref_slice %arg6[%mul3A_77, %dma_start3A_98] : memref<82x128xi32, #tpu.memory_space<vmem>> -> memref<1x128xi32, #tpu.memory_space<vmem>>
      %dma_start3A_100 = tpu.memref_squeeze %dma_start3A_99 : memref<1x128xi32, #tpu.memory_space<vmem>> -> memref<128xi32, #tpu.memory_space<vmem>>
      %dma_start3A_101 = arith.constant 0 : i32
      %dma_start3A_102 = arith.constant 0 : i32
      %dma_start3A_103 = tpu.memref_slice %arg9[%dma_start3A_101, %dma_start3A_102] : memref<10112x128xf32, #tpu.memory_space<vmem_shared>> -> memref<10112x128xf32, #tpu.memory_space<vmem_shared>>
      tpu.enqueue_indirect_dma source(%arg7 : memref<128x128xf32, #tpu.memory_space<vmem>>) target(%dma_start3A_103 : memref<10112x128xf32, #tpu.memory_space<vmem_shared>>) offsets(%dma_start3A_100 : memref<128xi32, #tpu.memory_space<vmem>>) semaphore(%arg12 : memref<!tpu.dma_semaphore, #tpu.memory_space<semaphore_mem>>) {add = true}
      %mul3A_104 = arith.constant 82 : i32
      %mul3A_105 = arith.muli %add3A, %mul3A_104 : i32
      %add3A_106 = arith.addi %mul3A_105, %add3A_79 : i32
      %mul3A_107 = arith.constant 128 : i32
      %mul3A_108 = arith.muli %add3A_106, %mul3A_107 : i32
      %dma_wait3A_109 = arith.constant 0 : i32
      %dma_wait3A_110 = tpu.memref_slice %arg2[%mul3A_108, %dma_wait3A_109] : memref<335872x128xf32, #tpu.memory_space<hbm>> -> memref<128x128xf32, #tpu.memory_space<hbm>>
      %dma_wait3A_111 = arith.constant 0 : i32
      %dma_wait3A_112 = tpu.memref_slice %arg2[%mul3A_108, %dma_wait3A_111] : memref<335872x128xf32, #tpu.memory_space<hbm>> -> memref<128x128xf32, #tpu.memory_space<hbm>>
      tpu.wait_dma2 semaphore(%arg11 : memref<!tpu.dma_semaphore, #tpu.memory_space<semaphore_mem>>) src(%dma_wait3A_112 : memref<128x128xf32, #tpu.memory_space<hbm>>) dst(%arg8 : memref<128x128xf32, #tpu.memory_space<vmem>>)
      %dma_start3A_113 = arith.constant 0 : i32
      %dma_start3A_114 = tpu.memref_slice %arg6[%add3A_79, %dma_start3A_113] : memref<82x128xi32, #tpu.memory_space<vmem>> -> memref<1x128xi32, #tpu.memory_space<vmem>>
      %dma_start3A_115 = tpu.memref_squeeze %dma_start3A_114 : memref<1x128xi32, #tpu.memory_space<vmem>> -> memref<128xi32, #tpu.memory_space<vmem>>
      %dma_start3A_116 = arith.constant 0 : i32
      %dma_start3A_117 = arith.constant 0 : i32
      %dma_start3A_118 = tpu.memref_slice %arg9[%dma_start3A_116, %dma_start3A_117] : memref<10112x128xf32, #tpu.memory_space<vmem_shared>> -> memref<10112x128xf32, #tpu.memory_space<vmem_shared>>
      tpu.enqueue_indirect_dma source(%arg8 : memref<128x128xf32, #tpu.memory_space<vmem>>) target(%dma_start3A_118 : memref<10112x128xf32, #tpu.memory_space<vmem_shared>>) offsets(%dma_start3A_115 : memref<128xi32, #tpu.memory_space<vmem>>) semaphore(%arg13 : memref<!tpu.dma_semaphore, #tpu.memory_space<semaphore_mem>>) {add = true}
      %dma_wait3A_119 = arith.constant 0 : i32
      %dma_wait3A_120 = tpu.memref_slice %arg6[%mul3A_77, %dma_wait3A_119] : memref<82x128xi32, #tpu.memory_space<vmem>> -> memref<1x128xi32, #tpu.memory_space<vmem>>
      %dma_wait3A_121 = tpu.memref_squeeze %dma_wait3A_120 : memref<1x128xi32, #tpu.memory_space<vmem>> -> memref<128xi32, #tpu.memory_space<vmem>>
      %dma_wait3A_122 = arith.constant 0 : i32
      %dma_wait3A_123 = arith.constant 0 : i32
      %dma_wait3A_124 = tpu.memref_slice %arg9[%dma_wait3A_122, %dma_wait3A_123] : memref<10112x128xf32, #tpu.memory_space<vmem_shared>> -> memref<10112x128xf32, #tpu.memory_space<vmem_shared>>
      tpu.wait_indirect_dma semaphore(%arg12 : memref<!tpu.dma_semaphore, #tpu.memory_space<semaphore_mem>>) src(%arg7 : memref<128x128xf32, #tpu.memory_space<vmem>>) dst(%dma_wait3A_124 : memref<10112x128xf32, #tpu.memory_space<vmem_shared>>)
      %add3A_125 = arith.constant 2 : i32
      %add3A_126 = arith.addi %mul3A_77, %add3A_125 : i32
      %mul3A_127 = arith.constant 82 : i32
      %mul3A_128 = arith.muli %add3A, %mul3A_127 : i32
      %add3A_129 = arith.addi %mul3A_128, %add3A_126 : i32
      %mul3A_130 = arith.constant 128 : i32
      %mul3A_131 = arith.muli %add3A_129, %mul3A_130 : i32
      %dma_start3A_132 = arith.constant 0 : i32
      %dma_start3A_133 = tpu.memref_slice %arg2[%mul3A_131, %dma_start3A_132] : memref<335872x128xf32, #tpu.memory_space<hbm>> -> memref<128x128xf32, #tpu.memory_space<hbm>>
      %dma_start3A_134 = arith.constant 0 : i32
      %dma_start3A_135 = tpu.memref_slice %arg2[%mul3A_131, %dma_start3A_134] : memref<335872x128xf32, #tpu.memory_space<hbm>> -> memref<128x128xf32, #tpu.memory_space<hbm>>
      tpu.enqueue_dma source(%dma_start3A_135 : memref<128x128xf32, #tpu.memory_space<hbm>>) target(%arg7 : memref<128x128xf32, #tpu.memory_space<vmem>>) target_semaphore(%arg10 : memref<!tpu.dma_semaphore, #tpu.memory_space<semaphore_mem>>)
      %dma_wait3A_136 = arith.constant 0 : i32
      %dma_wait3A_137 = tpu.memref_slice %arg6[%add3A_79, %dma_wait3A_136] : memref<82x128xi32, #tpu.memory_space<vmem>> -> memref<1x128xi32, #tpu.memory_space<vmem>>
      %dma_wait3A_138 = tpu.memref_squeeze %dma_wait3A_137 : memref<1x128xi32, #tpu.memory_space<vmem>> -> memref<128xi32, #tpu.memory_space<vmem>>
      %dma_wait3A_139 = arith.constant 0 : i32
      %dma_wait3A_140 = arith.constant 0 : i32
      %dma_wait3A_141 = tpu.memref_slice %arg9[%dma_wait3A_139, %dma_wait3A_140] : memref<10112x128xf32, #tpu.memory_space<vmem_shared>> -> memref<10112x128xf32, #tpu.memory_space<vmem_shared>>
      tpu.wait_indirect_dma semaphore(%arg13 : memref<!tpu.dma_semaphore, #tpu.memory_space<semaphore_mem>>) src(%arg8 : memref<128x128xf32, #tpu.memory_space<vmem>>) dst(%dma_wait3A_141 : memref<10112x128xf32, #tpu.memory_space<vmem_shared>>)
    }
    %scan3A_16 = arith.constant 40 : i32
    %mul3A_17 = arith.constant 82 : i32
    %mul3A_18 = arith.muli %add3A, %mul3A_17 : i32
    %add3A_19 = arith.constant 81 : i32
    %add3A_20 = arith.addi %mul3A_18, %add3A_19 : i32
    %mul3A_21 = arith.constant 128 : i32
    %mul3A_22 = arith.muli %add3A_20, %mul3A_21 : i32
    %dma_start3A_23 = arith.constant 0 : i32
    %dma_start3A_24 = tpu.memref_slice %arg2[%mul3A_22, %dma_start3A_23] : memref<335872x128xf32, #tpu.memory_space<hbm>> -> memref<128x128xf32, #tpu.memory_space<hbm>>
    %dma_start3A_25 = arith.constant 0 : i32
    %dma_start3A_26 = tpu.memref_slice %arg2[%mul3A_22, %dma_start3A_25] : memref<335872x128xf32, #tpu.memory_space<hbm>> -> memref<128x128xf32, #tpu.memory_space<hbm>>
    tpu.enqueue_dma source(%dma_start3A_26 : memref<128x128xf32, #tpu.memory_space<hbm>>) target(%arg8 : memref<128x128xf32, #tpu.memory_space<vmem>>) target_semaphore(%arg11 : memref<!tpu.dma_semaphore, #tpu.memory_space<semaphore_mem>>)
    %mul3A_27 = arith.constant 82 : i32
    %mul3A_28 = arith.muli %add3A, %mul3A_27 : i32
    %add3A_29 = arith.constant 80 : i32
    %add3A_30 = arith.addi %mul3A_28, %add3A_29 : i32
    %mul3A_31 = arith.constant 128 : i32
    %mul3A_32 = arith.muli %add3A_30, %mul3A_31 : i32
    %dma_wait3A = arith.constant 0 : i32
    %dma_wait3A_33 = tpu.memref_slice %arg2[%mul3A_32, %dma_wait3A] : memref<335872x128xf32, #tpu.memory_space<hbm>> -> memref<128x128xf32, #tpu.memory_space<hbm>>
    %dma_wait3A_34 = arith.constant 0 : i32
    %dma_wait3A_35 = tpu.memref_slice %arg2[%mul3A_32, %dma_wait3A_34] : memref<335872x128xf32, #tpu.memory_space<hbm>> -> memref<128x128xf32, #tpu.memory_space<hbm>>
    tpu.wait_dma2 semaphore(%arg10 : memref<!tpu.dma_semaphore, #tpu.memory_space<semaphore_mem>>) src(%dma_wait3A_35 : memref<128x128xf32, #tpu.memory_space<hbm>>) dst(%arg7 : memref<128x128xf32, #tpu.memory_space<vmem>>)
    %dma_start3A_36 = arith.constant 80 : i32
    %dma_start3A_37 = arith.constant 0 : i32
    %dma_start3A_38 = tpu.memref_slice %arg6[%dma_start3A_36, %dma_start3A_37] : memref<82x128xi32, #tpu.memory_space<vmem>> -> memref<1x128xi32, #tpu.memory_space<vmem>>
    %dma_start3A_39 = tpu.memref_squeeze %dma_start3A_38 : memref<1x128xi32, #tpu.memory_space<vmem>> -> memref<128xi32, #tpu.memory_space<vmem>>
    %dma_start3A_40 = arith.constant 0 : i32
    %dma_start3A_41 = arith.constant 0 : i32
    %dma_start3A_42 = tpu.memref_slice %arg9[%dma_start3A_40, %dma_start3A_41] : memref<10112x128xf32, #tpu.memory_space<vmem_shared>> -> memref<10112x128xf32, #tpu.memory_space<vmem_shared>>
    tpu.enqueue_indirect_dma source(%arg7 : memref<128x128xf32, #tpu.memory_space<vmem>>) target(%dma_start3A_42 : memref<10112x128xf32, #tpu.memory_space<vmem_shared>>) offsets(%dma_start3A_39 : memref<128xi32, #tpu.memory_space<vmem>>) semaphore(%arg12 : memref<!tpu.dma_semaphore, #tpu.memory_space<semaphore_mem>>) {add = true}
    %mul3A_43 = arith.constant 82 : i32
    %mul3A_44 = arith.muli %add3A, %mul3A_43 : i32
    %add3A_45 = arith.constant 81 : i32
    %add3A_46 = arith.addi %mul3A_44, %add3A_45 : i32
    %mul3A_47 = arith.constant 128 : i32
    %mul3A_48 = arith.muli %add3A_46, %mul3A_47 : i32
    %dma_wait3A_49 = arith.constant 0 : i32
    %dma_wait3A_50 = tpu.memref_slice %arg2[%mul3A_48, %dma_wait3A_49] : memref<335872x128xf32, #tpu.memory_space<hbm>> -> memref<128x128xf32, #tpu.memory_space<hbm>>
    %dma_wait3A_51 = arith.constant 0 : i32
    %dma_wait3A_52 = tpu.memref_slice %arg2[%mul3A_48, %dma_wait3A_51] : memref<335872x128xf32, #tpu.memory_space<hbm>> -> memref<128x128xf32, #tpu.memory_space<hbm>>
    tpu.wait_dma2 semaphore(%arg11 : memref<!tpu.dma_semaphore, #tpu.memory_space<semaphore_mem>>) src(%dma_wait3A_52 : memref<128x128xf32, #tpu.memory_space<hbm>>) dst(%arg8 : memref<128x128xf32, #tpu.memory_space<vmem>>)
    %dma_start3A_53 = arith.constant 81 : i32
    %dma_start3A_54 = arith.constant 0 : i32
    %dma_start3A_55 = tpu.memref_slice %arg6[%dma_start3A_53, %dma_start3A_54] : memref<82x128xi32, #tpu.memory_space<vmem>> -> memref<1x128xi32, #tpu.memory_space<vmem>>
    %dma_start3A_56 = tpu.memref_squeeze %dma_start3A_55 : memref<1x128xi32, #tpu.memory_space<vmem>> -> memref<128xi32, #tpu.memory_space<vmem>>
    %dma_start3A_57 = arith.constant 0 : i32
    %dma_start3A_58 = arith.constant 0 : i32
    %dma_start3A_59 = tpu.memref_slice %arg9[%dma_start3A_57, %dma_start3A_58] : memref<10112x128xf32, #tpu.memory_space<vmem_shared>> -> memref<10112x128xf32, #tpu.memory_space<vmem_shared>>
    tpu.enqueue_indirect_dma source(%arg8 : memref<128x128xf32, #tpu.memory_space<vmem>>) target(%dma_start3A_59 : memref<10112x128xf32, #tpu.memory_space<vmem_shared>>) offsets(%dma_start3A_56 : memref<128xi32, #tpu.memory_space<vmem>>) semaphore(%arg13 : memref<!tpu.dma_semaphore, #tpu.memory_space<semaphore_mem>>) {add = true}
    %dma_wait3A_60 = arith.constant 80 : i32
    %dma_wait3A_61 = arith.constant 0 : i32
    %dma_wait3A_62 = tpu.memref_slice %arg6[%dma_wait3A_60, %dma_wait3A_61] : memref<82x128xi32, #tpu.memory_space<vmem>> -> memref<1x128xi32, #tpu.memory_space<vmem>>
    %dma_wait3A_63 = tpu.memref_squeeze %dma_wait3A_62 : memref<1x128xi32, #tpu.memory_space<vmem>> -> memref<128xi32, #tpu.memory_space<vmem>>
    %dma_wait3A_64 = arith.constant 0 : i32
    %dma_wait3A_65 = arith.constant 0 : i32
    %dma_wait3A_66 = tpu.memref_slice %arg9[%dma_wait3A_64, %dma_wait3A_65] : memref<10112x128xf32, #tpu.memory_space<vmem_shared>> -> memref<10112x128xf32, #tpu.memory_space<vmem_shared>>
    tpu.wait_indirect_dma semaphore(%arg12 : memref<!tpu.dma_semaphore, #tpu.memory_space<semaphore_mem>>) src(%arg7 : memref<128x128xf32, #tpu.memory_space<vmem>>) dst(%dma_wait3A_66 : memref<10112x128xf32, #tpu.memory_space<vmem_shared>>)
    %dma_wait3A_67 = arith.constant 81 : i32
    %dma_wait3A_68 = arith.constant 0 : i32
    %dma_wait3A_69 = tpu.memref_slice %arg6[%dma_wait3A_67, %dma_wait3A_68] : memref<82x128xi32, #tpu.memory_space<vmem>> -> memref<1x128xi32, #tpu.memory_space<vmem>>
    %dma_wait3A_70 = tpu.memref_squeeze %dma_wait3A_69 : memref<1x128xi32, #tpu.memory_space<vmem>> -> memref<128xi32, #tpu.memory_space<vmem>>
    %dma_wait3A_71 = arith.constant 0 : i32
    %dma_wait3A_72 = arith.constant 0 : i32
    %dma_wait3A_73 = tpu.memref_slice %arg9[%dma_wait3A_71, %dma_wait3A_72] : memref<10112x128xf32, #tpu.memory_space<vmem_shared>> -> memref<10112x128xf32, #tpu.memory_space<vmem_shared>>
    tpu.wait_indirect_dma semaphore(%arg13 : memref<!tpu.dma_semaphore, #tpu.memory_space<semaphore_mem>>) src(%arg8 : memref<128x128xf32, #tpu.memory_space<vmem>>) dst(%dma_wait3A_73 : memref<10112x128xf32, #tpu.memory_space<vmem_shared>>)
    %barrier3A_74 = arith.constant 0 : index
    tpu.barrier barrier_id(%barrier3A_74)
    "tpu.region"() ({
      %run_scoped3A = tpu.sem_alloc : memref<!tpu.dma_semaphore, #tpu.memory_space<semaphore_mem>>
      %dma_start3A_75 = arith.constant 0 : i32
      %dma_start3A_76 = tpu.memref_slice %arg5[%arg0, %mul3A_2, %dma_start3A_75] : memref<2x10112x128xf32, #tpu.memory_space<hbm>> -> memref<1x632x128xf32, #tpu.memory_space<hbm>>
      %dma_start3A_77 = tpu.memref_squeeze %dma_start3A_76 : memref<1x632x128xf32, #tpu.memory_space<hbm>> -> memref<632x128xf32, #tpu.memory_space<hbm>>
      %dma_start3A_78 = arith.constant 0 : i32
      %dma_start3A_79 = tpu.memref_slice %arg9[%mul3A_2, %dma_start3A_78] : memref<10112x128xf32, #tpu.memory_space<vmem_shared>> -> memref<632x128xf32, #tpu.memory_space<vmem_shared>>
      tpu.enqueue_dma source(%dma_start3A_79 : memref<632x128xf32, #tpu.memory_space<vmem_shared>>) target(%dma_start3A_77 : memref<632x128xf32, #tpu.memory_space<hbm>>) target_semaphore(%run_scoped3A : memref<!tpu.dma_semaphore, #tpu.memory_space<semaphore_mem>>)
      %dma_wait3A_80 = arith.constant 0 : i32
      %dma_wait3A_81 = tpu.memref_slice %arg5[%arg0, %mul3A_2, %dma_wait3A_80] : memref<2x10112x128xf32, #tpu.memory_space<hbm>> -> memref<1x632x128xf32, #tpu.memory_space<hbm>>
      %dma_wait3A_82 = tpu.memref_squeeze %dma_wait3A_81 : memref<1x632x128xf32, #tpu.memory_space<hbm>> -> memref<632x128xf32, #tpu.memory_space<hbm>>
      %dma_wait3A_83 = arith.constant 0 : i32
      %dma_wait3A_84 = tpu.memref_slice %arg9[%mul3A_2, %dma_wait3A_83] : memref<10112x128xf32, #tpu.memory_space<vmem_shared>> -> memref<632x128xf32, #tpu.memory_space<vmem_shared>>
      tpu.wait_dma2 semaphore(%run_scoped3A : memref<!tpu.dma_semaphore, #tpu.memory_space<semaphore_mem>>) src(%dma_wait3A_84 : memref<632x128xf32, #tpu.memory_space<vmem_shared>>) dst(%dma_wait3A_82 : memref<632x128xf32, #tpu.memory_space<hbm>>)
      tpu.yield
    }) : () -> ()
    return
  }
}

#map = affine_map<(d0, d1) -> (0, 0)>
#map1 = affine_map<(d0, d1) -> (0, 0, 0)>
module attributes {stable_mosaic.version = 14 : i64} {
  func.func @gather_kernel(%arg0: i32, %arg1: i32, %arg2: memref<10000x128xf32, #tpu.memory_space<hbm>>, %arg3: memref<32x82x128xi32, #tpu.memory_space<hbm>>, %arg4: memref<32x82x128xi32, #tpu.memory_space<hbm>>, %arg5: memref<335872x128xf32, #tpu.memory_space<hbm>>, %arg6: memref<335872x128xf32, #tpu.memory_space<hbm>>, %arg7: memref<82x128xi32, #tpu.memory_space<vmem>>, %arg8: memref<82x128xi32, #tpu.memory_space<vmem>>, %arg9: memref<128x128xf32, #tpu.memory_space<vmem>>, %arg10: memref<128x128xf32, #tpu.memory_space<vmem>>, %arg11: memref<128x128xf32, #tpu.memory_space<vmem>>, %arg12: memref<128x128xf32, #tpu.memory_space<vmem>>, %arg13: memref<!tpu.dma_semaphore, #tpu.memory_space<semaphore_mem>>, %arg14: memref<!tpu.dma_semaphore, #tpu.memory_space<semaphore_mem>>, %arg15: memref<!tpu.dma_semaphore, #tpu.memory_space<semaphore_mem>>, %arg16: memref<!tpu.dma_semaphore, #tpu.memory_space<semaphore_mem>>) attributes {dimension_semantics = [#tpu.dimension_semantics<core_parallel>, #tpu.dimension_semantics<subcore_parallel>], iteration_bounds = array<i64: 2, 16>, scalar_prefetch = 0 : i64, scratch_operands = 10 : i64, tpu.core_type = #tpu.core_type<sc_vector_subcore>, window_params = [{transform_indices = #map}, {transform_indices = #map1}, {transform_indices = #map1}, {transform_indices = #map}, {transform_indices = #map}]} {
    %mul3A = arith.constant 16 : i32
    %mul3A_0 = arith.muli %arg0, %mul3A : i32
    %add3A = arith.addi %mul3A_0, %arg1 : i32
    "tpu.region"() ({
      %run_scoped3A = tpu.sem_alloc : memref<!tpu.dma_semaphore, #tpu.memory_space<semaphore_mem>>
      %dma_start3A_116 = arith.constant 0 : i32
      %dma_start3A_117 = arith.constant 0 : i32
      %dma_start3A_118 = tpu.memref_slice %arg3[%add3A, %dma_start3A_116, %dma_start3A_117] : memref<32x82x128xi32, #tpu.memory_space<hbm>> -> memref<1x82x128xi32, #tpu.memory_space<hbm>>
      %dma_start3A_119 = tpu.memref_squeeze %dma_start3A_118 : memref<1x82x128xi32, #tpu.memory_space<hbm>> -> memref<82x128xi32, #tpu.memory_space<hbm>>
      %dma_start3A_120 = arith.constant 0 : i32
      %dma_start3A_121 = arith.constant 0 : i32
      %dma_start3A_122 = tpu.memref_slice %arg3[%add3A, %dma_start3A_120, %dma_start3A_121] : memref<32x82x128xi32, #tpu.memory_space<hbm>> -> memref<1x82x128xi32, #tpu.memory_space<hbm>>
      %dma_start3A_123 = tpu.memref_squeeze %dma_start3A_122 : memref<1x82x128xi32, #tpu.memory_space<hbm>> -> memref<82x128xi32, #tpu.memory_space<hbm>>
      tpu.enqueue_dma source(%dma_start3A_123 : memref<82x128xi32, #tpu.memory_space<hbm>>) target(%arg7 : memref<82x128xi32, #tpu.memory_space<vmem>>) target_semaphore(%run_scoped3A : memref<!tpu.dma_semaphore, #tpu.memory_space<semaphore_mem>>)
      %dma_wait3A_124 = arith.constant 0 : i32
      %dma_wait3A_125 = arith.constant 0 : i32
      %dma_wait3A_126 = tpu.memref_slice %arg3[%add3A, %dma_wait3A_124, %dma_wait3A_125] : memref<32x82x128xi32, #tpu.memory_space<hbm>> -> memref<1x82x128xi32, #tpu.memory_space<hbm>>
      %dma_wait3A_127 = tpu.memref_squeeze %dma_wait3A_126 : memref<1x82x128xi32, #tpu.memory_space<hbm>> -> memref<82x128xi32, #tpu.memory_space<hbm>>
      %dma_wait3A_128 = arith.constant 0 : i32
      %dma_wait3A_129 = arith.constant 0 : i32
      %dma_wait3A_130 = tpu.memref_slice %arg3[%add3A, %dma_wait3A_128, %dma_wait3A_129] : memref<32x82x128xi32, #tpu.memory_space<hbm>> -> memref<1x82x128xi32, #tpu.memory_space<hbm>>
      %dma_wait3A_131 = tpu.memref_squeeze %dma_wait3A_130 : memref<1x82x128xi32, #tpu.memory_space<hbm>> -> memref<82x128xi32, #tpu.memory_space<hbm>>
      tpu.wait_dma2 semaphore(%run_scoped3A : memref<!tpu.dma_semaphore, #tpu.memory_space<semaphore_mem>>) src(%dma_wait3A_131 : memref<82x128xi32, #tpu.memory_space<hbm>>) dst(%arg7 : memref<82x128xi32, #tpu.memory_space<vmem>>)
      tpu.yield
    }) : () -> ()
    "tpu.region"() ({
      %run_scoped3A = tpu.sem_alloc : memref<!tpu.dma_semaphore, #tpu.memory_space<semaphore_mem>>
      %dma_start3A_116 = arith.constant 0 : i32
      %dma_start3A_117 = arith.constant 0 : i32
      %dma_start3A_118 = tpu.memref_slice %arg4[%add3A, %dma_start3A_116, %dma_start3A_117] : memref<32x82x128xi32, #tpu.memory_space<hbm>> -> memref<1x82x128xi32, #tpu.memory_space<hbm>>
      %dma_start3A_119 = tpu.memref_squeeze %dma_start3A_118 : memref<1x82x128xi32, #tpu.memory_space<hbm>> -> memref<82x128xi32, #tpu.memory_space<hbm>>
      %dma_start3A_120 = arith.constant 0 : i32
      %dma_start3A_121 = arith.constant 0 : i32
      %dma_start3A_122 = tpu.memref_slice %arg4[%add3A, %dma_start3A_120, %dma_start3A_121] : memref<32x82x128xi32, #tpu.memory_space<hbm>> -> memref<1x82x128xi32, #tpu.memory_space<hbm>>
      %dma_start3A_123 = tpu.memref_squeeze %dma_start3A_122 : memref<1x82x128xi32, #tpu.memory_space<hbm>> -> memref<82x128xi32, #tpu.memory_space<hbm>>
      tpu.enqueue_dma source(%dma_start3A_123 : memref<82x128xi32, #tpu.memory_space<hbm>>) target(%arg8 : memref<82x128xi32, #tpu.memory_space<vmem>>) target_semaphore(%run_scoped3A : memref<!tpu.dma_semaphore, #tpu.memory_space<semaphore_mem>>)
      %dma_wait3A_124 = arith.constant 0 : i32
      %dma_wait3A_125 = arith.constant 0 : i32
      %dma_wait3A_126 = tpu.memref_slice %arg4[%add3A, %dma_wait3A_124, %dma_wait3A_125] : memref<32x82x128xi32, #tpu.memory_space<hbm>> -> memref<1x82x128xi32, #tpu.memory_space<hbm>>
      %dma_wait3A_127 = tpu.memref_squeeze %dma_wait3A_126 : memref<1x82x128xi32, #tpu.memory_space<hbm>> -> memref<82x128xi32, #tpu.memory_space<hbm>>
      %dma_wait3A_128 = arith.constant 0 : i32
      %dma_wait3A_129 = arith.constant 0 : i32
      %dma_wait3A_130 = tpu.memref_slice %arg4[%add3A, %dma_wait3A_128, %dma_wait3A_129] : memref<32x82x128xi32, #tpu.memory_space<hbm>> -> memref<1x82x128xi32, #tpu.memory_space<hbm>>
      %dma_wait3A_131 = tpu.memref_squeeze %dma_wait3A_130 : memref<1x82x128xi32, #tpu.memory_space<hbm>> -> memref<82x128xi32, #tpu.memory_space<hbm>>
      tpu.wait_dma2 semaphore(%run_scoped3A : memref<!tpu.dma_semaphore, #tpu.memory_space<semaphore_mem>>) src(%dma_wait3A_131 : memref<82x128xi32, #tpu.memory_space<hbm>>) dst(%arg8 : memref<82x128xi32, #tpu.memory_space<vmem>>)
      tpu.yield
    }) : () -> ()
    %dma_start3A = arith.constant 0 : i32
    %dma_start3A_1 = arith.constant 0 : i32
    %dma_start3A_2 = tpu.memref_slice %arg7[%dma_start3A, %dma_start3A_1] : memref<82x128xi32, #tpu.memory_space<vmem>> -> memref<1x128xi32, #tpu.memory_space<vmem>>
    %dma_start3A_3 = tpu.memref_squeeze %dma_start3A_2 : memref<1x128xi32, #tpu.memory_space<vmem>> -> memref<128xi32, #tpu.memory_space<vmem>>
    %dma_start3A_4 = arith.constant 0 : i32
    %dma_start3A_5 = arith.constant 0 : i32
    %dma_start3A_6 = tpu.memref_slice %arg2[%dma_start3A_4, %dma_start3A_5] : memref<10000x128xf32, #tpu.memory_space<hbm>> -> memref<10000x128xf32, #tpu.memory_space<hbm>>
    tpu.enqueue_indirect_dma source(%dma_start3A_6 : memref<10000x128xf32, #tpu.memory_space<hbm>>) target(%arg9 : memref<128x128xf32, #tpu.memory_space<vmem>>) offsets(%dma_start3A_3 : memref<128xi32, #tpu.memory_space<vmem>>) semaphore(%arg13 : memref<!tpu.dma_semaphore, #tpu.memory_space<semaphore_mem>>)
    %dma_start3A_7 = arith.constant 0 : i32
    %dma_start3A_8 = arith.constant 0 : i32
    %dma_start3A_9 = tpu.memref_slice %arg8[%dma_start3A_7, %dma_start3A_8] : memref<82x128xi32, #tpu.memory_space<vmem>> -> memref<1x128xi32, #tpu.memory_space<vmem>>
    %dma_start3A_10 = tpu.memref_squeeze %dma_start3A_9 : memref<1x128xi32, #tpu.memory_space<vmem>> -> memref<128xi32, #tpu.memory_space<vmem>>
    %dma_start3A_11 = arith.constant 0 : i32
    %dma_start3A_12 = arith.constant 0 : i32
    %dma_start3A_13 = tpu.memref_slice %arg2[%dma_start3A_11, %dma_start3A_12] : memref<10000x128xf32, #tpu.memory_space<hbm>> -> memref<10000x128xf32, #tpu.memory_space<hbm>>
    tpu.enqueue_indirect_dma source(%dma_start3A_13 : memref<10000x128xf32, #tpu.memory_space<hbm>>) target(%arg10 : memref<128x128xf32, #tpu.memory_space<vmem>>) offsets(%dma_start3A_10 : memref<128xi32, #tpu.memory_space<vmem>>) semaphore(%arg13 : memref<!tpu.dma_semaphore, #tpu.memory_space<semaphore_mem>>)
    %scan3A = arith.constant 0 : i32
    %scan3A_14 = arith.constant 0 : i32
    %scan3A_15 = arith.constant 40 : i32
    %scan3A_16 = arith.addi %scan3A_14, %scan3A_15 : i32
    %scan3A_17 = arith.constant 1 : i32
    scf.for %scan3A_116 = %scan3A_14 to %scan3A_16 step %scan3A_17  : i32 {
      %mul3A_117 = arith.constant 2 : i32
      %mul3A_118 = arith.muli %mul3A_117, %scan3A_116 : i32
      %add3A_119 = arith.constant 1 : i32
      %add3A_120 = arith.addi %mul3A_118, %add3A_119 : i32
      %dma_start3A_121 = arith.constant 0 : i32
      %dma_start3A_122 = tpu.memref_slice %arg7[%add3A_120, %dma_start3A_121] : memref<82x128xi32, #tpu.memory_space<vmem>> -> memref<1x128xi32, #tpu.memory_space<vmem>>
      %dma_start3A_123 = tpu.memref_squeeze %dma_start3A_122 : memref<1x128xi32, #tpu.memory_space<vmem>> -> memref<128xi32, #tpu.memory_space<vmem>>
      %dma_start3A_124 = arith.constant 0 : i32
      %dma_start3A_125 = arith.constant 0 : i32
      %dma_start3A_126 = tpu.memref_slice %arg2[%dma_start3A_124, %dma_start3A_125] : memref<10000x128xf32, #tpu.memory_space<hbm>> -> memref<10000x128xf32, #tpu.memory_space<hbm>>
      tpu.enqueue_indirect_dma source(%dma_start3A_126 : memref<10000x128xf32, #tpu.memory_space<hbm>>) target(%arg11 : memref<128x128xf32, #tpu.memory_space<vmem>>) offsets(%dma_start3A_123 : memref<128xi32, #tpu.memory_space<vmem>>) semaphore(%arg14 : memref<!tpu.dma_semaphore, #tpu.memory_space<semaphore_mem>>)
      %dma_start3A_127 = arith.constant 0 : i32
      %dma_start3A_128 = tpu.memref_slice %arg8[%add3A_120, %dma_start3A_127] : memref<82x128xi32, #tpu.memory_space<vmem>> -> memref<1x128xi32, #tpu.memory_space<vmem>>
      %dma_start3A_129 = tpu.memref_squeeze %dma_start3A_128 : memref<1x128xi32, #tpu.memory_space<vmem>> -> memref<128xi32, #tpu.memory_space<vmem>>
      %dma_start3A_130 = arith.constant 0 : i32
      %dma_start3A_131 = arith.constant 0 : i32
      %dma_start3A_132 = tpu.memref_slice %arg2[%dma_start3A_130, %dma_start3A_131] : memref<10000x128xf32, #tpu.memory_space<hbm>> -> memref<10000x128xf32, #tpu.memory_space<hbm>>
      tpu.enqueue_indirect_dma source(%dma_start3A_132 : memref<10000x128xf32, #tpu.memory_space<hbm>>) target(%arg12 : memref<128x128xf32, #tpu.memory_space<vmem>>) offsets(%dma_start3A_129 : memref<128xi32, #tpu.memory_space<vmem>>) semaphore(%arg14 : memref<!tpu.dma_semaphore, #tpu.memory_space<semaphore_mem>>)
      %dma_wait3A_133 = arith.constant 0 : i32
      %dma_wait3A_134 = tpu.memref_slice %arg7[%mul3A_118, %dma_wait3A_133] : memref<82x128xi32, #tpu.memory_space<vmem>> -> memref<1x128xi32, #tpu.memory_space<vmem>>
      %dma_wait3A_135 = tpu.memref_squeeze %dma_wait3A_134 : memref<1x128xi32, #tpu.memory_space<vmem>> -> memref<128xi32, #tpu.memory_space<vmem>>
      %dma_wait3A_136 = arith.constant 0 : i32
      %dma_wait3A_137 = arith.constant 0 : i32
      %dma_wait3A_138 = tpu.memref_slice %arg2[%dma_wait3A_136, %dma_wait3A_137] : memref<10000x128xf32, #tpu.memory_space<hbm>> -> memref<10000x128xf32, #tpu.memory_space<hbm>>
      tpu.wait_indirect_dma semaphore(%arg13 : memref<!tpu.dma_semaphore, #tpu.memory_space<semaphore_mem>>) src(%dma_wait3A_138 : memref<10000x128xf32, #tpu.memory_space<hbm>>) dst(%arg9 : memref<128x128xf32, #tpu.memory_space<vmem>>)
      %dma_wait3A_139 = arith.constant 0 : i32
      %dma_wait3A_140 = tpu.memref_slice %arg8[%mul3A_118, %dma_wait3A_139] : memref<82x128xi32, #tpu.memory_space<vmem>> -> memref<1x128xi32, #tpu.memory_space<vmem>>
      %dma_wait3A_141 = tpu.memref_squeeze %dma_wait3A_140 : memref<1x128xi32, #tpu.memory_space<vmem>> -> memref<128xi32, #tpu.memory_space<vmem>>
      %dma_wait3A_142 = arith.constant 0 : i32
      %dma_wait3A_143 = arith.constant 0 : i32
      %dma_wait3A_144 = tpu.memref_slice %arg2[%dma_wait3A_142, %dma_wait3A_143] : memref<10000x128xf32, #tpu.memory_space<hbm>> -> memref<10000x128xf32, #tpu.memory_space<hbm>>
      tpu.wait_indirect_dma semaphore(%arg13 : memref<!tpu.dma_semaphore, #tpu.memory_space<semaphore_mem>>) src(%dma_wait3A_144 : memref<10000x128xf32, #tpu.memory_space<hbm>>) dst(%arg10 : memref<128x128xf32, #tpu.memory_space<vmem>>)
      %mul3A_145 = arith.constant 82 : i32
      %mul3A_146 = arith.muli %add3A, %mul3A_145 : i32
      %add3A_147 = arith.addi %mul3A_146, %mul3A_118 : i32
      %mul3A_148 = arith.constant 128 : i32
      %mul3A_149 = arith.muli %add3A_147, %mul3A_148 : i32
      %dma_start3A_150 = arith.constant 0 : i32
      %dma_start3A_151 = tpu.memref_slice %arg5[%mul3A_149, %dma_start3A_150] : memref<335872x128xf32, #tpu.memory_space<hbm>> -> memref<128x128xf32, #tpu.memory_space<hbm>>
      %dma_start3A_152 = arith.constant 0 : i32
      %dma_start3A_153 = tpu.memref_slice %arg5[%mul3A_149, %dma_start3A_152] : memref<335872x128xf32, #tpu.memory_space<hbm>> -> memref<128x128xf32, #tpu.memory_space<hbm>>
      tpu.enqueue_dma source(%arg9 : memref<128x128xf32, #tpu.memory_space<vmem>>) target(%dma_start3A_153 : memref<128x128xf32, #tpu.memory_space<hbm>>) target_semaphore(%arg15 : memref<!tpu.dma_semaphore, #tpu.memory_space<semaphore_mem>>)
      %dma_start3A_154 = arith.constant 0 : i32
      %dma_start3A_155 = tpu.memref_slice %arg6[%mul3A_149, %dma_start3A_154] : memref<335872x128xf32, #tpu.memory_space<hbm>> -> memref<128x128xf32, #tpu.memory_space<hbm>>
      %dma_start3A_156 = arith.constant 0 : i32
      %dma_start3A_157 = tpu.memref_slice %arg6[%mul3A_149, %dma_start3A_156] : memref<335872x128xf32, #tpu.memory_space<hbm>> -> memref<128x128xf32, #tpu.memory_space<hbm>>
      tpu.enqueue_dma source(%arg10 : memref<128x128xf32, #tpu.memory_space<vmem>>) target(%dma_start3A_157 : memref<128x128xf32, #tpu.memory_space<hbm>>) target_semaphore(%arg15 : memref<!tpu.dma_semaphore, #tpu.memory_space<semaphore_mem>>)
      %dma_wait3A_158 = arith.constant 0 : i32
      %dma_wait3A_159 = tpu.memref_slice %arg7[%add3A_120, %dma_wait3A_158] : memref<82x128xi32, #tpu.memory_space<vmem>> -> memref<1x128xi32, #tpu.memory_space<vmem>>
      %dma_wait3A_160 = tpu.memref_squeeze %dma_wait3A_159 : memref<1x128xi32, #tpu.memory_space<vmem>> -> memref<128xi32, #tpu.memory_space<vmem>>
      %dma_wait3A_161 = arith.constant 0 : i32
      %dma_wait3A_162 = arith.constant 0 : i32
      %dma_wait3A_163 = tpu.memref_slice %arg2[%dma_wait3A_161, %dma_wait3A_162] : memref<10000x128xf32, #tpu.memory_space<hbm>> -> memref<10000x128xf32, #tpu.memory_space<hbm>>
      tpu.wait_indirect_dma semaphore(%arg14 : memref<!tpu.dma_semaphore, #tpu.memory_space<semaphore_mem>>) src(%dma_wait3A_163 : memref<10000x128xf32, #tpu.memory_space<hbm>>) dst(%arg11 : memref<128x128xf32, #tpu.memory_space<vmem>>)
      %dma_wait3A_164 = arith.constant 0 : i32
      %dma_wait3A_165 = tpu.memref_slice %arg8[%add3A_120, %dma_wait3A_164] : memref<82x128xi32, #tpu.memory_space<vmem>> -> memref<1x128xi32, #tpu.memory_space<vmem>>
      %dma_wait3A_166 = tpu.memref_squeeze %dma_wait3A_165 : memref<1x128xi32, #tpu.memory_space<vmem>> -> memref<128xi32, #tpu.memory_space<vmem>>
      %dma_wait3A_167 = arith.constant 0 : i32
      %dma_wait3A_168 = arith.constant 0 : i32
      %dma_wait3A_169 = tpu.memref_slice %arg2[%dma_wait3A_167, %dma_wait3A_168] : memref<10000x128xf32, #tpu.memory_space<hbm>> -> memref<10000x128xf32, #tpu.memory_space<hbm>>
      tpu.wait_indirect_dma semaphore(%arg14 : memref<!tpu.dma_semaphore, #tpu.memory_space<semaphore_mem>>) src(%dma_wait3A_169 : memref<10000x128xf32, #tpu.memory_space<hbm>>) dst(%arg12 : memref<128x128xf32, #tpu.memory_space<vmem>>)
      %mul3A_170 = arith.constant 82 : i32
      %mul3A_171 = arith.muli %add3A, %mul3A_170 : i32
      %add3A_172 = arith.addi %mul3A_171, %add3A_120 : i32
      %mul3A_173 = arith.constant 128 : i32
      %mul3A_174 = arith.muli %add3A_172, %mul3A_173 : i32
      %dma_start3A_175 = arith.constant 0 : i32
      %dma_start3A_176 = tpu.memref_slice %arg5[%mul3A_174, %dma_start3A_175] : memref<335872x128xf32, #tpu.memory_space<hbm>> -> memref<128x128xf32, #tpu.memory_space<hbm>>
      %dma_start3A_177 = arith.constant 0 : i32
      %dma_start3A_178 = tpu.memref_slice %arg5[%mul3A_174, %dma_start3A_177] : memref<335872x128xf32, #tpu.memory_space<hbm>> -> memref<128x128xf32, #tpu.memory_space<hbm>>
      tpu.enqueue_dma source(%arg11 : memref<128x128xf32, #tpu.memory_space<vmem>>) target(%dma_start3A_178 : memref<128x128xf32, #tpu.memory_space<hbm>>) target_semaphore(%arg16 : memref<!tpu.dma_semaphore, #tpu.memory_space<semaphore_mem>>)
      %dma_start3A_179 = arith.constant 0 : i32
      %dma_start3A_180 = tpu.memref_slice %arg6[%mul3A_174, %dma_start3A_179] : memref<335872x128xf32, #tpu.memory_space<hbm>> -> memref<128x128xf32, #tpu.memory_space<hbm>>
      %dma_start3A_181 = arith.constant 0 : i32
      %dma_start3A_182 = tpu.memref_slice %arg6[%mul3A_174, %dma_start3A_181] : memref<335872x128xf32, #tpu.memory_space<hbm>> -> memref<128x128xf32, #tpu.memory_space<hbm>>
      tpu.enqueue_dma source(%arg12 : memref<128x128xf32, #tpu.memory_space<vmem>>) target(%dma_start3A_182 : memref<128x128xf32, #tpu.memory_space<hbm>>) target_semaphore(%arg16 : memref<!tpu.dma_semaphore, #tpu.memory_space<semaphore_mem>>)
      %mul3A_183 = arith.constant 82 : i32
      %mul3A_184 = arith.muli %add3A, %mul3A_183 : i32
      %add3A_185 = arith.addi %mul3A_184, %mul3A_118 : i32
      %mul3A_186 = arith.constant 128 : i32
      %mul3A_187 = arith.muli %add3A_185, %mul3A_186 : i32
      %dma_wait3A_188 = arith.constant 0 : i32
      %dma_wait3A_189 = tpu.memref_slice %arg5[%mul3A_187, %dma_wait3A_188] : memref<335872x128xf32, #tpu.memory_space<hbm>> -> memref<128x128xf32, #tpu.memory_space<hbm>>
      %dma_wait3A_190 = arith.constant 0 : i32
      %dma_wait3A_191 = tpu.memref_slice %arg5[%mul3A_187, %dma_wait3A_190] : memref<335872x128xf32, #tpu.memory_space<hbm>> -> memref<128x128xf32, #tpu.memory_space<hbm>>
      tpu.wait_dma2 semaphore(%arg15 : memref<!tpu.dma_semaphore, #tpu.memory_space<semaphore_mem>>) src(%arg9 : memref<128x128xf32, #tpu.memory_space<vmem>>) dst(%dma_wait3A_191 : memref<128x128xf32, #tpu.memory_space<hbm>>)
      %dma_wait3A_192 = arith.constant 0 : i32
      %dma_wait3A_193 = tpu.memref_slice %arg6[%mul3A_187, %dma_wait3A_192] : memref<335872x128xf32, #tpu.memory_space<hbm>> -> memref<128x128xf32, #tpu.memory_space<hbm>>
      %dma_wait3A_194 = arith.constant 0 : i32
      %dma_wait3A_195 = tpu.memref_slice %arg6[%mul3A_187, %dma_wait3A_194] : memref<335872x128xf32, #tpu.memory_space<hbm>> -> memref<128x128xf32, #tpu.memory_space<hbm>>
      tpu.wait_dma2 semaphore(%arg15 : memref<!tpu.dma_semaphore, #tpu.memory_space<semaphore_mem>>) src(%arg10 : memref<128x128xf32, #tpu.memory_space<vmem>>) dst(%dma_wait3A_195 : memref<128x128xf32, #tpu.memory_space<hbm>>)
      %add3A_196 = arith.constant 2 : i32
      %add3A_197 = arith.addi %mul3A_118, %add3A_196 : i32
      %dma_start3A_198 = arith.constant 0 : i32
      %dma_start3A_199 = tpu.memref_slice %arg7[%add3A_197, %dma_start3A_198] : memref<82x128xi32, #tpu.memory_space<vmem>> -> memref<1x128xi32, #tpu.memory_space<vmem>>
      %dma_start3A_200 = tpu.memref_squeeze %dma_start3A_199 : memref<1x128xi32, #tpu.memory_space<vmem>> -> memref<128xi32, #tpu.memory_space<vmem>>
      %dma_start3A_201 = arith.constant 0 : i32
      %dma_start3A_202 = arith.constant 0 : i32
      %dma_start3A_203 = tpu.memref_slice %arg2[%dma_start3A_201, %dma_start3A_202] : memref<10000x128xf32, #tpu.memory_space<hbm>> -> memref<10000x128xf32, #tpu.memory_space<hbm>>
      tpu.enqueue_indirect_dma source(%dma_start3A_203 : memref<10000x128xf32, #tpu.memory_space<hbm>>) target(%arg9 : memref<128x128xf32, #tpu.memory_space<vmem>>) offsets(%dma_start3A_200 : memref<128xi32, #tpu.memory_space<vmem>>) semaphore(%arg13 : memref<!tpu.dma_semaphore, #tpu.memory_space<semaphore_mem>>)
      %dma_start3A_204 = arith.constant 0 : i32
      %dma_start3A_205 = tpu.memref_slice %arg8[%add3A_197, %dma_start3A_204] : memref<82x128xi32, #tpu.memory_space<vmem>> -> memref<1x128xi32, #tpu.memory_space<vmem>>
      %dma_start3A_206 = tpu.memref_squeeze %dma_start3A_205 : memref<1x128xi32, #tpu.memory_space<vmem>> -> memref<128xi32, #tpu.memory_space<vmem>>
      %dma_start3A_207 = arith.constant 0 : i32
      %dma_start3A_208 = arith.constant 0 : i32
      %dma_start3A_209 = tpu.memref_slice %arg2[%dma_start3A_207, %dma_start3A_208] : memref<10000x128xf32, #tpu.memory_space<hbm>> -> memref<10000x128xf32, #tpu.memory_space<hbm>>
      tpu.enqueue_indirect_dma source(%dma_start3A_209 : memref<10000x128xf32, #tpu.memory_space<hbm>>) target(%arg10 : memref<128x128xf32, #tpu.memory_space<vmem>>) offsets(%dma_start3A_206 : memref<128xi32, #tpu.memory_space<vmem>>) semaphore(%arg13 : memref<!tpu.dma_semaphore, #tpu.memory_space<semaphore_mem>>)
      %mul3A_210 = arith.constant 82 : i32
      %mul3A_211 = arith.muli %add3A, %mul3A_210 : i32
      %add3A_212 = arith.addi %mul3A_211, %add3A_120 : i32
      %mul3A_213 = arith.constant 128 : i32
      %mul3A_214 = arith.muli %add3A_212, %mul3A_213 : i32
      %dma_wait3A_215 = arith.constant 0 : i32
      %dma_wait3A_216 = tpu.memref_slice %arg5[%mul3A_214, %dma_wait3A_215] : memref<335872x128xf32, #tpu.memory_space<hbm>> -> memref<128x128xf32, #tpu.memory_space<hbm>>
      %dma_wait3A_217 = arith.constant 0 : i32
      %dma_wait3A_218 = tpu.memref_slice %arg5[%mul3A_214, %dma_wait3A_217] : memref<335872x128xf32, #tpu.memory_space<hbm>> -> memref<128x128xf32, #tpu.memory_space<hbm>>
      tpu.wait_dma2 semaphore(%arg16 : memref<!tpu.dma_semaphore, #tpu.memory_space<semaphore_mem>>) src(%arg11 : memref<128x128xf32, #tpu.memory_space<vmem>>) dst(%dma_wait3A_218 : memref<128x128xf32, #tpu.memory_space<hbm>>)
      %dma_wait3A_219 = arith.constant 0 : i32
      %dma_wait3A_220 = tpu.memref_slice %arg6[%mul3A_214, %dma_wait3A_219] : memref<335872x128xf32, #tpu.memory_space<hbm>> -> memref<128x128xf32, #tpu.memory_space<hbm>>
      %dma_wait3A_221 = arith.constant 0 : i32
      %dma_wait3A_222 = tpu.memref_slice %arg6[%mul3A_214, %dma_wait3A_221] : memref<335872x128xf32, #tpu.memory_space<hbm>> -> memref<128x128xf32, #tpu.memory_space<hbm>>
      tpu.wait_dma2 semaphore(%arg16 : memref<!tpu.dma_semaphore, #tpu.memory_space<semaphore_mem>>) src(%arg12 : memref<128x128xf32, #tpu.memory_space<vmem>>) dst(%dma_wait3A_222 : memref<128x128xf32, #tpu.memory_space<hbm>>)
    }
    %scan3A_18 = arith.constant 40 : i32
    %dma_start3A_19 = arith.constant 81 : i32
    %dma_start3A_20 = arith.constant 0 : i32
    %dma_start3A_21 = tpu.memref_slice %arg7[%dma_start3A_19, %dma_start3A_20] : memref<82x128xi32, #tpu.memory_space<vmem>> -> memref<1x128xi32, #tpu.memory_space<vmem>>
    %dma_start3A_22 = tpu.memref_squeeze %dma_start3A_21 : memref<1x128xi32, #tpu.memory_space<vmem>> -> memref<128xi32, #tpu.memory_space<vmem>>
    %dma_start3A_23 = arith.constant 0 : i32
    %dma_start3A_24 = arith.constant 0 : i32
    %dma_start3A_25 = tpu.memref_slice %arg2[%dma_start3A_23, %dma_start3A_24] : memref<10000x128xf32, #tpu.memory_space<hbm>> -> memref<10000x128xf32, #tpu.memory_space<hbm>>
    tpu.enqueue_indirect_dma source(%dma_start3A_25 : memref<10000x128xf32, #tpu.memory_space<hbm>>) target(%arg11 : memref<128x128xf32, #tpu.memory_space<vmem>>) offsets(%dma_start3A_22 : memref<128xi32, #tpu.memory_space<vmem>>) semaphore(%arg14 : memref<!tpu.dma_semaphore, #tpu.memory_space<semaphore_mem>>)
    %dma_start3A_26 = arith.constant 81 : i32
    %dma_start3A_27 = arith.constant 0 : i32
    %dma_start3A_28 = tpu.memref_slice %arg8[%dma_start3A_26, %dma_start3A_27] : memref<82x128xi32, #tpu.memory_space<vmem>> -> memref<1x128xi32, #tpu.memory_space<vmem>>
    %dma_start3A_29 = tpu.memref_squeeze %dma_start3A_28 : memref<1x128xi32, #tpu.memory_space<vmem>> -> memref<128xi32, #tpu.memory_space<vmem>>
    %dma_start3A_30 = arith.constant 0 : i32
    %dma_start3A_31 = arith.constant 0 : i32
    %dma_start3A_32 = tpu.memref_slice %arg2[%dma_start3A_30, %dma_start3A_31] : memref<10000x128xf32, #tpu.memory_space<hbm>> -> memref<10000x128xf32, #tpu.memory_space<hbm>>
    tpu.enqueue_indirect_dma source(%dma_start3A_32 : memref<10000x128xf32, #tpu.memory_space<hbm>>) target(%arg12 : memref<128x128xf32, #tpu.memory_space<vmem>>) offsets(%dma_start3A_29 : memref<128xi32, #tpu.memory_space<vmem>>) semaphore(%arg14 : memref<!tpu.dma_semaphore, #tpu.memory_space<semaphore_mem>>)
    %dma_wait3A = arith.constant 80 : i32
    %dma_wait3A_33 = arith.constant 0 : i32
    %dma_wait3A_34 = tpu.memref_slice %arg7[%dma_wait3A, %dma_wait3A_33] : memref<82x128xi32, #tpu.memory_space<vmem>> -> memref<1x128xi32, #tpu.memory_space<vmem>>
    %dma_wait3A_35 = tpu.memref_squeeze %dma_wait3A_34 : memref<1x128xi32, #tpu.memory_space<vmem>> -> memref<128xi32, #tpu.memory_space<vmem>>
    %dma_wait3A_36 = arith.constant 0 : i32
    %dma_wait3A_37 = arith.constant 0 : i32
    %dma_wait3A_38 = tpu.memref_slice %arg2[%dma_wait3A_36, %dma_wait3A_37] : memref<10000x128xf32, #tpu.memory_space<hbm>> -> memref<10000x128xf32, #tpu.memory_space<hbm>>
    tpu.wait_indirect_dma semaphore(%arg13 : memref<!tpu.dma_semaphore, #tpu.memory_space<semaphore_mem>>) src(%dma_wait3A_38 : memref<10000x128xf32, #tpu.memory_space<hbm>>) dst(%arg9 : memref<128x128xf32, #tpu.memory_space<vmem>>)
    %dma_wait3A_39 = arith.constant 80 : i32
    %dma_wait3A_40 = arith.constant 0 : i32
    %dma_wait3A_41 = tpu.memref_slice %arg8[%dma_wait3A_39, %dma_wait3A_40] : memref<82x128xi32, #tpu.memory_space<vmem>> -> memref<1x128xi32, #tpu.memory_space<vmem>>
    %dma_wait3A_42 = tpu.memref_squeeze %dma_wait3A_41 : memref<1x128xi32, #tpu.memory_space<vmem>> -> memref<128xi32, #tpu.memory_space<vmem>>
    %dma_wait3A_43 = arith.constant 0 : i32
    %dma_wait3A_44 = arith.constant 0 : i32
    %dma_wait3A_45 = tpu.memref_slice %arg2[%dma_wait3A_43, %dma_wait3A_44] : memref<10000x128xf32, #tpu.memory_space<hbm>> -> memref<10000x128xf32, #tpu.memory_space<hbm>>
    tpu.wait_indirect_dma semaphore(%arg13 : memref<!tpu.dma_semaphore, #tpu.memory_space<semaphore_mem>>) src(%dma_wait3A_45 : memref<10000x128xf32, #tpu.memory_space<hbm>>) dst(%arg10 : memref<128x128xf32, #tpu.memory_space<vmem>>)
    %mul3A_46 = arith.constant 82 : i32
    %mul3A_47 = arith.muli %add3A, %mul3A_46 : i32
    %add3A_48 = arith.constant 80 : i32
    %add3A_49 = arith.addi %mul3A_47, %add3A_48 : i32
    %mul3A_50 = arith.constant 128 : i32
    %mul3A_51 = arith.muli %add3A_49, %mul3A_50 : i32
    %dma_start3A_52 = arith.constant 0 : i32
    %dma_start3A_53 = tpu.memref_slice %arg5[%mul3A_51, %dma_start3A_52] : memref<335872x128xf32, #tpu.memory_space<hbm>> -> memref<128x128xf32, #tpu.memory_space<hbm>>
    %dma_start3A_54 = arith.constant 0 : i32
    %dma_start3A_55 = tpu.memref_slice %arg5[%mul3A_51, %dma_start3A_54] : memref<335872x128xf32, #tpu.memory_space<hbm>> -> memref<128x128xf32, #tpu.memory_space<hbm>>
    tpu.enqueue_dma source(%arg9 : memref<128x128xf32, #tpu.memory_space<vmem>>) target(%dma_start3A_55 : memref<128x128xf32, #tpu.memory_space<hbm>>) target_semaphore(%arg15 : memref<!tpu.dma_semaphore, #tpu.memory_space<semaphore_mem>>)
    %dma_start3A_56 = arith.constant 0 : i32
    %dma_start3A_57 = tpu.memref_slice %arg6[%mul3A_51, %dma_start3A_56] : memref<335872x128xf32, #tpu.memory_space<hbm>> -> memref<128x128xf32, #tpu.memory_space<hbm>>
    %dma_start3A_58 = arith.constant 0 : i32
    %dma_start3A_59 = tpu.memref_slice %arg6[%mul3A_51, %dma_start3A_58] : memref<335872x128xf32, #tpu.memory_space<hbm>> -> memref<128x128xf32, #tpu.memory_space<hbm>>
    tpu.enqueue_dma source(%arg10 : memref<128x128xf32, #tpu.memory_space<vmem>>) target(%dma_start3A_59 : memref<128x128xf32, #tpu.memory_space<hbm>>) target_semaphore(%arg15 : memref<!tpu.dma_semaphore, #tpu.memory_space<semaphore_mem>>)
    %dma_wait3A_60 = arith.constant 81 : i32
    %dma_wait3A_61 = arith.constant 0 : i32
    %dma_wait3A_62 = tpu.memref_slice %arg7[%dma_wait3A_60, %dma_wait3A_61] : memref<82x128xi32, #tpu.memory_space<vmem>> -> memref<1x128xi32, #tpu.memory_space<vmem>>
    %dma_wait3A_63 = tpu.memref_squeeze %dma_wait3A_62 : memref<1x128xi32, #tpu.memory_space<vmem>> -> memref<128xi32, #tpu.memory_space<vmem>>
    %dma_wait3A_64 = arith.constant 0 : i32
    %dma_wait3A_65 = arith.constant 0 : i32
    %dma_wait3A_66 = tpu.memref_slice %arg2[%dma_wait3A_64, %dma_wait3A_65] : memref<10000x128xf32, #tpu.memory_space<hbm>> -> memref<10000x128xf32, #tpu.memory_space<hbm>>
    tpu.wait_indirect_dma semaphore(%arg14 : memref<!tpu.dma_semaphore, #tpu.memory_space<semaphore_mem>>) src(%dma_wait3A_66 : memref<10000x128xf32, #tpu.memory_space<hbm>>) dst(%arg11 : memref<128x128xf32, #tpu.memory_space<vmem>>)
    %dma_wait3A_67 = arith.constant 81 : i32
    %dma_wait3A_68 = arith.constant 0 : i32
    %dma_wait3A_69 = tpu.memref_slice %arg8[%dma_wait3A_67, %dma_wait3A_68] : memref<82x128xi32, #tpu.memory_space<vmem>> -> memref<1x128xi32, #tpu.memory_space<vmem>>
    %dma_wait3A_70 = tpu.memref_squeeze %dma_wait3A_69 : memref<1x128xi32, #tpu.memory_space<vmem>> -> memref<128xi32, #tpu.memory_space<vmem>>
    %dma_wait3A_71 = arith.constant 0 : i32
    %dma_wait3A_72 = arith.constant 0 : i32
    %dma_wait3A_73 = tpu.memref_slice %arg2[%dma_wait3A_71, %dma_wait3A_72] : memref<10000x128xf32, #tpu.memory_space<hbm>> -> memref<10000x128xf32, #tpu.memory_space<hbm>>
    tpu.wait_indirect_dma semaphore(%arg14 : memref<!tpu.dma_semaphore, #tpu.memory_space<semaphore_mem>>) src(%dma_wait3A_73 : memref<10000x128xf32, #tpu.memory_space<hbm>>) dst(%arg12 : memref<128x128xf32, #tpu.memory_space<vmem>>)
    %mul3A_74 = arith.constant 82 : i32
    %mul3A_75 = arith.muli %add3A, %mul3A_74 : i32
    %add3A_76 = arith.constant 81 : i32
    %add3A_77 = arith.addi %mul3A_75, %add3A_76 : i32
    %mul3A_78 = arith.constant 128 : i32
    %mul3A_79 = arith.muli %add3A_77, %mul3A_78 : i32
    %dma_start3A_80 = arith.constant 0 : i32
    %dma_start3A_81 = tpu.memref_slice %arg5[%mul3A_79, %dma_start3A_80] : memref<335872x128xf32, #tpu.memory_space<hbm>> -> memref<128x128xf32, #tpu.memory_space<hbm>>
    %dma_start3A_82 = arith.constant 0 : i32
    %dma_start3A_83 = tpu.memref_slice %arg5[%mul3A_79, %dma_start3A_82] : memref<335872x128xf32, #tpu.memory_space<hbm>> -> memref<128x128xf32, #tpu.memory_space<hbm>>
    tpu.enqueue_dma source(%arg11 : memref<128x128xf32, #tpu.memory_space<vmem>>) target(%dma_start3A_83 : memref<128x128xf32, #tpu.memory_space<hbm>>) target_semaphore(%arg16 : memref<!tpu.dma_semaphore, #tpu.memory_space<semaphore_mem>>)
    %dma_start3A_84 = arith.constant 0 : i32
    %dma_start3A_85 = tpu.memref_slice %arg6[%mul3A_79, %dma_start3A_84] : memref<335872x128xf32, #tpu.memory_space<hbm>> -> memref<128x128xf32, #tpu.memory_space<hbm>>
    %dma_start3A_86 = arith.constant 0 : i32
    %dma_start3A_87 = tpu.memref_slice %arg6[%mul3A_79, %dma_start3A_86] : memref<335872x128xf32, #tpu.memory_space<hbm>> -> memref<128x128xf32, #tpu.memory_space<hbm>>
    tpu.enqueue_dma source(%arg12 : memref<128x128xf32, #tpu.memory_space<vmem>>) target(%dma_start3A_87 : memref<128x128xf32, #tpu.memory_space<hbm>>) target_semaphore(%arg16 : memref<!tpu.dma_semaphore, #tpu.memory_space<semaphore_mem>>)
    %mul3A_88 = arith.constant 82 : i32
    %mul3A_89 = arith.muli %add3A, %mul3A_88 : i32
    %add3A_90 = arith.constant 80 : i32
    %add3A_91 = arith.addi %mul3A_89, %add3A_90 : i32
    %mul3A_92 = arith.constant 128 : i32
    %mul3A_93 = arith.muli %add3A_91, %mul3A_92 : i32
    %dma_wait3A_94 = arith.constant 0 : i32
    %dma_wait3A_95 = tpu.memref_slice %arg5[%mul3A_93, %dma_wait3A_94] : memref<335872x128xf32, #tpu.memory_space<hbm>> -> memref<128x128xf32, #tpu.memory_space<hbm>>
    %dma_wait3A_96 = arith.constant 0 : i32
    %dma_wait3A_97 = tpu.memref_slice %arg5[%mul3A_93, %dma_wait3A_96] : memref<335872x128xf32, #tpu.memory_space<hbm>> -> memref<128x128xf32, #tpu.memory_space<hbm>>
    tpu.wait_dma2 semaphore(%arg15 : memref<!tpu.dma_semaphore, #tpu.memory_space<semaphore_mem>>) src(%arg9 : memref<128x128xf32, #tpu.memory_space<vmem>>) dst(%dma_wait3A_97 : memref<128x128xf32, #tpu.memory_space<hbm>>)
    %dma_wait3A_98 = arith.constant 0 : i32
    %dma_wait3A_99 = tpu.memref_slice %arg6[%mul3A_93, %dma_wait3A_98] : memref<335872x128xf32, #tpu.memory_space<hbm>> -> memref<128x128xf32, #tpu.memory_space<hbm>>
    %dma_wait3A_100 = arith.constant 0 : i32
    %dma_wait3A_101 = tpu.memref_slice %arg6[%mul3A_93, %dma_wait3A_100] : memref<335872x128xf32, #tpu.memory_space<hbm>> -> memref<128x128xf32, #tpu.memory_space<hbm>>
    tpu.wait_dma2 semaphore(%arg15 : memref<!tpu.dma_semaphore, #tpu.memory_space<semaphore_mem>>) src(%arg10 : memref<128x128xf32, #tpu.memory_space<vmem>>) dst(%dma_wait3A_101 : memref<128x128xf32, #tpu.memory_space<hbm>>)
    %mul3A_102 = arith.constant 82 : i32
    %mul3A_103 = arith.muli %add3A, %mul3A_102 : i32
    %add3A_104 = arith.constant 81 : i32
    %add3A_105 = arith.addi %mul3A_103, %add3A_104 : i32
    %mul3A_106 = arith.constant 128 : i32
    %mul3A_107 = arith.muli %add3A_105, %mul3A_106 : i32
    %dma_wait3A_108 = arith.constant 0 : i32
    %dma_wait3A_109 = tpu.memref_slice %arg5[%mul3A_107, %dma_wait3A_108] : memref<335872x128xf32, #tpu.memory_space<hbm>> -> memref<128x128xf32, #tpu.memory_space<hbm>>
    %dma_wait3A_110 = arith.constant 0 : i32
    %dma_wait3A_111 = tpu.memref_slice %arg5[%mul3A_107, %dma_wait3A_110] : memref<335872x128xf32, #tpu.memory_space<hbm>> -> memref<128x128xf32, #tpu.memory_space<hbm>>
    tpu.wait_dma2 semaphore(%arg16 : memref<!tpu.dma_semaphore, #tpu.memory_space<semaphore_mem>>) src(%arg11 : memref<128x128xf32, #tpu.memory_space<vmem>>) dst(%dma_wait3A_111 : memref<128x128xf32, #tpu.memory_space<hbm>>)
    %dma_wait3A_112 = arith.constant 0 : i32
    %dma_wait3A_113 = tpu.memref_slice %arg6[%mul3A_107, %dma_wait3A_112] : memref<335872x128xf32, #tpu.memory_space<hbm>> -> memref<128x128xf32, #tpu.memory_space<hbm>>
    %dma_wait3A_114 = arith.constant 0 : i32
    %dma_wait3A_115 = tpu.memref_slice %arg6[%mul3A_107, %dma_wait3A_114] : memref<335872x128xf32, #tpu.memory_space<hbm>> -> memref<128x128xf32, #tpu.memory_space<hbm>>
    tpu.wait_dma2 semaphore(%arg16 : memref<!tpu.dma_semaphore, #tpu.memory_space<semaphore_mem>>) src(%arg12 : memref<128x128xf32, #tpu.memory_space<vmem>>) dst(%dma_wait3A_115 : memref<128x128xf32, #tpu.memory_space<hbm>>)
    return
  }
}

#map = affine_map<(d0, d1) -> (0, 0)>
#map1 = affine_map<(d0, d1) -> (0, 0, 0)>
module attributes {stable_mosaic.version = 14 : i64} {
  func.func @gather_kernel(%arg0: i32, %arg1: i32, %arg2: memref<10000x128xf32, #tpu.memory_space<hbm>>, %arg3: memref<32x82x128xi32, #tpu.memory_space<hbm>>, %arg4: memref<32x82x128xi32, #tpu.memory_space<hbm>>, %arg5: memref<335872x128xf32, #tpu.memory_space<hbm>>, %arg6: memref<335872x128xf32, #tpu.memory_space<hbm>>, %arg7: memref<82x128xi32, #tpu.memory_space<vmem>>, %arg8: memref<82x128xi32, #tpu.memory_space<vmem>>, %arg9: memref<128x128xf32, #tpu.memory_space<vmem>>, %arg10: memref<128x128xf32, #tpu.memory_space<vmem>>, %arg11: memref<128x128xf32, #tpu.memory_space<vmem>>, %arg12: memref<128x128xf32, #tpu.memory_space<vmem>>, %arg13: memref<!tpu.dma_semaphore, #tpu.memory_space<semaphore_mem>>, %arg14: memref<!tpu.dma_semaphore, #tpu.memory_space<semaphore_mem>>, %arg15: memref<!tpu.dma_semaphore, #tpu.memory_space<semaphore_mem>>, %arg16: memref<!tpu.dma_semaphore, #tpu.memory_space<semaphore_mem>>) attributes {dimension_semantics = [#tpu.dimension_semantics<core_parallel>, #tpu.dimension_semantics<subcore_parallel>], iteration_bounds = array<i64: 2, 16>, scalar_prefetch = 0 : i64, scratch_operands = 10 : i64, tpu.core_type = #tpu.core_type<sc_vector_subcore>, window_params = [{transform_indices = #map}, {transform_indices = #map1}, {transform_indices = #map1}, {transform_indices = #map}, {transform_indices = #map}]} {
    %mul3A = arith.constant 16 : i32
    %mul3A_0 = arith.muli %arg0, %mul3A : i32
    %add3A = arith.addi %mul3A_0, %arg1 : i32
    "tpu.region"() ({
      %run_scoped3A = tpu.sem_alloc : memref<!tpu.dma_semaphore, #tpu.memory_space<semaphore_mem>>
      %dma_start3A_116 = arith.constant 0 : i32
      %dma_start3A_117 = arith.constant 0 : i32
      %dma_start3A_118 = tpu.memref_slice %arg3[%add3A, %dma_start3A_116, %dma_start3A_117] : memref<32x82x128xi32, #tpu.memory_space<hbm>> -> memref<1x82x128xi32, #tpu.memory_space<hbm>>
      %dma_start3A_119 = tpu.memref_squeeze %dma_start3A_118 : memref<1x82x128xi32, #tpu.memory_space<hbm>> -> memref<82x128xi32, #tpu.memory_space<hbm>>
      %dma_start3A_120 = arith.constant 0 : i32
      %dma_start3A_121 = arith.constant 0 : i32
      %dma_start3A_122 = tpu.memref_slice %arg3[%add3A, %dma_start3A_120, %dma_start3A_121] : memref<32x82x128xi32, #tpu.memory_space<hbm>> -> memref<1x82x128xi32, #tpu.memory_space<hbm>>
      %dma_start3A_123 = tpu.memref_squeeze %dma_start3A_122 : memref<1x82x128xi32, #tpu.memory_space<hbm>> -> memref<82x128xi32, #tpu.memory_space<hbm>>
      tpu.enqueue_dma source(%dma_start3A_123 : memref<82x128xi32, #tpu.memory_space<hbm>>) target(%arg7 : memref<82x128xi32, #tpu.memory_space<vmem>>) target_semaphore(%run_scoped3A : memref<!tpu.dma_semaphore, #tpu.memory_space<semaphore_mem>>)
      %dma_wait3A_124 = arith.constant 0 : i32
      %dma_wait3A_125 = arith.constant 0 : i32
      %dma_wait3A_126 = tpu.memref_slice %arg3[%add3A, %dma_wait3A_124, %dma_wait3A_125] : memref<32x82x128xi32, #tpu.memory_space<hbm>> -> memref<1x82x128xi32, #tpu.memory_space<hbm>>
      %dma_wait3A_127 = tpu.memref_squeeze %dma_wait3A_126 : memref<1x82x128xi32, #tpu.memory_space<hbm>> -> memref<82x128xi32, #tpu.memory_space<hbm>>
      %dma_wait3A_128 = arith.constant 0 : i32
      %dma_wait3A_129 = arith.constant 0 : i32
      %dma_wait3A_130 = tpu.memref_slice %arg3[%add3A, %dma_wait3A_128, %dma_wait3A_129] : memref<32x82x128xi32, #tpu.memory_space<hbm>> -> memref<1x82x128xi32, #tpu.memory_space<hbm>>
      %dma_wait3A_131 = tpu.memref_squeeze %dma_wait3A_130 : memref<1x82x128xi32, #tpu.memory_space<hbm>> -> memref<82x128xi32, #tpu.memory_space<hbm>>
      tpu.wait_dma2 semaphore(%run_scoped3A : memref<!tpu.dma_semaphore, #tpu.memory_space<semaphore_mem>>) src(%dma_wait3A_131 : memref<82x128xi32, #tpu.memory_space<hbm>>) dst(%arg7 : memref<82x128xi32, #tpu.memory_space<vmem>>)
      tpu.yield
    }) : () -> ()
    "tpu.region"() ({
      %run_scoped3A = tpu.sem_alloc : memref<!tpu.dma_semaphore, #tpu.memory_space<semaphore_mem>>
      %dma_start3A_116 = arith.constant 0 : i32
      %dma_start3A_117 = arith.constant 0 : i32
      %dma_start3A_118 = tpu.memref_slice %arg4[%add3A, %dma_start3A_116, %dma_start3A_117] : memref<32x82x128xi32, #tpu.memory_space<hbm>> -> memref<1x82x128xi32, #tpu.memory_space<hbm>>
      %dma_start3A_119 = tpu.memref_squeeze %dma_start3A_118 : memref<1x82x128xi32, #tpu.memory_space<hbm>> -> memref<82x128xi32, #tpu.memory_space<hbm>>
      %dma_start3A_120 = arith.constant 0 : i32
      %dma_start3A_121 = arith.constant 0 : i32
      %dma_start3A_122 = tpu.memref_slice %arg4[%add3A, %dma_start3A_120, %dma_start3A_121] : memref<32x82x128xi32, #tpu.memory_space<hbm>> -> memref<1x82x128xi32, #tpu.memory_space<hbm>>
      %dma_start3A_123 = tpu.memref_squeeze %dma_start3A_122 : memref<1x82x128xi32, #tpu.memory_space<hbm>> -> memref<82x128xi32, #tpu.memory_space<hbm>>
      tpu.enqueue_dma source(%dma_start3A_123 : memref<82x128xi32, #tpu.memory_space<hbm>>) target(%arg8 : memref<82x128xi32, #tpu.memory_space<vmem>>) target_semaphore(%run_scoped3A : memref<!tpu.dma_semaphore, #tpu.memory_space<semaphore_mem>>)
      %dma_wait3A_124 = arith.constant 0 : i32
      %dma_wait3A_125 = arith.constant 0 : i32
      %dma_wait3A_126 = tpu.memref_slice %arg4[%add3A, %dma_wait3A_124, %dma_wait3A_125] : memref<32x82x128xi32, #tpu.memory_space<hbm>> -> memref<1x82x128xi32, #tpu.memory_space<hbm>>
      %dma_wait3A_127 = tpu.memref_squeeze %dma_wait3A_126 : memref<1x82x128xi32, #tpu.memory_space<hbm>> -> memref<82x128xi32, #tpu.memory_space<hbm>>
      %dma_wait3A_128 = arith.constant 0 : i32
      %dma_wait3A_129 = arith.constant 0 : i32
      %dma_wait3A_130 = tpu.memref_slice %arg4[%add3A, %dma_wait3A_128, %dma_wait3A_129] : memref<32x82x128xi32, #tpu.memory_space<hbm>> -> memref<1x82x128xi32, #tpu.memory_space<hbm>>
      %dma_wait3A_131 = tpu.memref_squeeze %dma_wait3A_130 : memref<1x82x128xi32, #tpu.memory_space<hbm>> -> memref<82x128xi32, #tpu.memory_space<hbm>>
      tpu.wait_dma2 semaphore(%run_scoped3A : memref<!tpu.dma_semaphore, #tpu.memory_space<semaphore_mem>>) src(%dma_wait3A_131 : memref<82x128xi32, #tpu.memory_space<hbm>>) dst(%arg8 : memref<82x128xi32, #tpu.memory_space<vmem>>)
      tpu.yield
    }) : () -> ()
    %dma_start3A = arith.constant 0 : i32
    %dma_start3A_1 = arith.constant 0 : i32
    %dma_start3A_2 = tpu.memref_slice %arg7[%dma_start3A, %dma_start3A_1] : memref<82x128xi32, #tpu.memory_space<vmem>> -> memref<1x128xi32, #tpu.memory_space<vmem>>
    %dma_start3A_3 = tpu.memref_squeeze %dma_start3A_2 : memref<1x128xi32, #tpu.memory_space<vmem>> -> memref<128xi32, #tpu.memory_space<vmem>>
    %dma_start3A_4 = arith.constant 0 : i32
    %dma_start3A_5 = arith.constant 0 : i32
    %dma_start3A_6 = tpu.memref_slice %arg2[%dma_start3A_4, %dma_start3A_5] : memref<10000x128xf32, #tpu.memory_space<hbm>> -> memref<10000x128xf32, #tpu.memory_space<hbm>>
    tpu.enqueue_indirect_dma source(%dma_start3A_6 : memref<10000x128xf32, #tpu.memory_space<hbm>>) target(%arg9 : memref<128x128xf32, #tpu.memory_space<vmem>>) offsets(%dma_start3A_3 : memref<128xi32, #tpu.memory_space<vmem>>) semaphore(%arg13 : memref<!tpu.dma_semaphore, #tpu.memory_space<semaphore_mem>>)
    %dma_start3A_7 = arith.constant 0 : i32
    %dma_start3A_8 = arith.constant 0 : i32
    %dma_start3A_9 = tpu.memref_slice %arg8[%dma_start3A_7, %dma_start3A_8] : memref<82x128xi32, #tpu.memory_space<vmem>> -> memref<1x128xi32, #tpu.memory_space<vmem>>
    %dma_start3A_10 = tpu.memref_squeeze %dma_start3A_9 : memref<1x128xi32, #tpu.memory_space<vmem>> -> memref<128xi32, #tpu.memory_space<vmem>>
    %dma_start3A_11 = arith.constant 0 : i32
    %dma_start3A_12 = arith.constant 0 : i32
    %dma_start3A_13 = tpu.memref_slice %arg2[%dma_start3A_11, %dma_start3A_12] : memref<10000x128xf32, #tpu.memory_space<hbm>> -> memref<10000x128xf32, #tpu.memory_space<hbm>>
    tpu.enqueue_indirect_dma source(%dma_start3A_13 : memref<10000x128xf32, #tpu.memory_space<hbm>>) target(%arg10 : memref<128x128xf32, #tpu.memory_space<vmem>>) offsets(%dma_start3A_10 : memref<128xi32, #tpu.memory_space<vmem>>) semaphore(%arg13 : memref<!tpu.dma_semaphore, #tpu.memory_space<semaphore_mem>>)
    %scan3A = arith.constant 0 : i32
    %scan3A_14 = arith.constant 0 : i32
    %scan3A_15 = arith.constant 40 : i32
    %scan3A_16 = arith.addi %scan3A_14, %scan3A_15 : i32
    %scan3A_17 = arith.constant 1 : i32
    scf.for %scan3A_116 = %scan3A_14 to %scan3A_16 step %scan3A_17  : i32 {
      %mul3A_117 = arith.constant 2 : i32
      %mul3A_118 = arith.muli %mul3A_117, %scan3A_116 : i32
      %add3A_119 = arith.constant 1 : i32
      %add3A_120 = arith.addi %mul3A_118, %add3A_119 : i32
      %dma_start3A_121 = arith.constant 0 : i32
      %dma_start3A_122 = tpu.memref_slice %arg7[%add3A_120, %dma_start3A_121] : memref<82x128xi32, #tpu.memory_space<vmem>> -> memref<1x128xi32, #tpu.memory_space<vmem>>
      %dma_start3A_123 = tpu.memref_squeeze %dma_start3A_122 : memref<1x128xi32, #tpu.memory_space<vmem>> -> memref<128xi32, #tpu.memory_space<vmem>>
      %dma_start3A_124 = arith.constant 0 : i32
      %dma_start3A_125 = arith.constant 0 : i32
      %dma_start3A_126 = tpu.memref_slice %arg2[%dma_start3A_124, %dma_start3A_125] : memref<10000x128xf32, #tpu.memory_space<hbm>> -> memref<10000x128xf32, #tpu.memory_space<hbm>>
      tpu.enqueue_indirect_dma source(%dma_start3A_126 : memref<10000x128xf32, #tpu.memory_space<hbm>>) target(%arg11 : memref<128x128xf32, #tpu.memory_space<vmem>>) offsets(%dma_start3A_123 : memref<128xi32, #tpu.memory_space<vmem>>) semaphore(%arg14 : memref<!tpu.dma_semaphore, #tpu.memory_space<semaphore_mem>>)
      %dma_start3A_127 = arith.constant 0 : i32
      %dma_start3A_128 = tpu.memref_slice %arg8[%add3A_120, %dma_start3A_127] : memref<82x128xi32, #tpu.memory_space<vmem>> -> memref<1x128xi32, #tpu.memory_space<vmem>>
      %dma_start3A_129 = tpu.memref_squeeze %dma_start3A_128 : memref<1x128xi32, #tpu.memory_space<vmem>> -> memref<128xi32, #tpu.memory_space<vmem>>
      %dma_start3A_130 = arith.constant 0 : i32
      %dma_start3A_131 = arith.constant 0 : i32
      %dma_start3A_132 = tpu.memref_slice %arg2[%dma_start3A_130, %dma_start3A_131] : memref<10000x128xf32, #tpu.memory_space<hbm>> -> memref<10000x128xf32, #tpu.memory_space<hbm>>
      tpu.enqueue_indirect_dma source(%dma_start3A_132 : memref<10000x128xf32, #tpu.memory_space<hbm>>) target(%arg12 : memref<128x128xf32, #tpu.memory_space<vmem>>) offsets(%dma_start3A_129 : memref<128xi32, #tpu.memory_space<vmem>>) semaphore(%arg14 : memref<!tpu.dma_semaphore, #tpu.memory_space<semaphore_mem>>)
      %dma_wait3A_133 = arith.constant 0 : i32
      %dma_wait3A_134 = tpu.memref_slice %arg7[%mul3A_118, %dma_wait3A_133] : memref<82x128xi32, #tpu.memory_space<vmem>> -> memref<1x128xi32, #tpu.memory_space<vmem>>
      %dma_wait3A_135 = tpu.memref_squeeze %dma_wait3A_134 : memref<1x128xi32, #tpu.memory_space<vmem>> -> memref<128xi32, #tpu.memory_space<vmem>>
      %dma_wait3A_136 = arith.constant 0 : i32
      %dma_wait3A_137 = arith.constant 0 : i32
      %dma_wait3A_138 = tpu.memref_slice %arg2[%dma_wait3A_136, %dma_wait3A_137] : memref<10000x128xf32, #tpu.memory_space<hbm>> -> memref<10000x128xf32, #tpu.memory_space<hbm>>
      tpu.wait_indirect_dma semaphore(%arg13 : memref<!tpu.dma_semaphore, #tpu.memory_space<semaphore_mem>>) src(%dma_wait3A_138 : memref<10000x128xf32, #tpu.memory_space<hbm>>) dst(%arg9 : memref<128x128xf32, #tpu.memory_space<vmem>>)
      %dma_wait3A_139 = arith.constant 0 : i32
      %dma_wait3A_140 = tpu.memref_slice %arg8[%mul3A_118, %dma_wait3A_139] : memref<82x128xi32, #tpu.memory_space<vmem>> -> memref<1x128xi32, #tpu.memory_space<vmem>>
      %dma_wait3A_141 = tpu.memref_squeeze %dma_wait3A_140 : memref<1x128xi32, #tpu.memory_space<vmem>> -> memref<128xi32, #tpu.memory_space<vmem>>
      %dma_wait3A_142 = arith.constant 0 : i32
      %dma_wait3A_143 = arith.constant 0 : i32
      %dma_wait3A_144 = tpu.memref_slice %arg2[%dma_wait3A_142, %dma_wait3A_143] : memref<10000x128xf32, #tpu.memory_space<hbm>> -> memref<10000x128xf32, #tpu.memory_space<hbm>>
      tpu.wait_indirect_dma semaphore(%arg13 : memref<!tpu.dma_semaphore, #tpu.memory_space<semaphore_mem>>) src(%dma_wait3A_144 : memref<10000x128xf32, #tpu.memory_space<hbm>>) dst(%arg10 : memref<128x128xf32, #tpu.memory_space<vmem>>)
      %mul3A_145 = arith.constant 82 : i32
      %mul3A_146 = arith.muli %add3A, %mul3A_145 : i32
      %add3A_147 = arith.addi %mul3A_146, %mul3A_118 : i32
      %mul3A_148 = arith.constant 128 : i32
      %mul3A_149 = arith.muli %add3A_147, %mul3A_148 : i32
      %dma_start3A_150 = arith.constant 0 : i32
      %dma_start3A_151 = tpu.memref_slice %arg5[%mul3A_149, %dma_start3A_150] : memref<335872x128xf32, #tpu.memory_space<hbm>> -> memref<128x128xf32, #tpu.memory_space<hbm>>
      %dma_start3A_152 = arith.constant 0 : i32
      %dma_start3A_153 = tpu.memref_slice %arg5[%mul3A_149, %dma_start3A_152] : memref<335872x128xf32, #tpu.memory_space<hbm>> -> memref<128x128xf32, #tpu.memory_space<hbm>>
      tpu.enqueue_dma source(%arg9 : memref<128x128xf32, #tpu.memory_space<vmem>>) target(%dma_start3A_153 : memref<128x128xf32, #tpu.memory_space<hbm>>) target_semaphore(%arg15 : memref<!tpu.dma_semaphore, #tpu.memory_space<semaphore_mem>>)
      %dma_start3A_154 = arith.constant 0 : i32
      %dma_start3A_155 = tpu.memref_slice %arg6[%mul3A_149, %dma_start3A_154] : memref<335872x128xf32, #tpu.memory_space<hbm>> -> memref<128x128xf32, #tpu.memory_space<hbm>>
      %dma_start3A_156 = arith.constant 0 : i32
      %dma_start3A_157 = tpu.memref_slice %arg6[%mul3A_149, %dma_start3A_156] : memref<335872x128xf32, #tpu.memory_space<hbm>> -> memref<128x128xf32, #tpu.memory_space<hbm>>
      tpu.enqueue_dma source(%arg10 : memref<128x128xf32, #tpu.memory_space<vmem>>) target(%dma_start3A_157 : memref<128x128xf32, #tpu.memory_space<hbm>>) target_semaphore(%arg15 : memref<!tpu.dma_semaphore, #tpu.memory_space<semaphore_mem>>)
      %dma_wait3A_158 = arith.constant 0 : i32
      %dma_wait3A_159 = tpu.memref_slice %arg7[%add3A_120, %dma_wait3A_158] : memref<82x128xi32, #tpu.memory_space<vmem>> -> memref<1x128xi32, #tpu.memory_space<vmem>>
      %dma_wait3A_160 = tpu.memref_squeeze %dma_wait3A_159 : memref<1x128xi32, #tpu.memory_space<vmem>> -> memref<128xi32, #tpu.memory_space<vmem>>
      %dma_wait3A_161 = arith.constant 0 : i32
      %dma_wait3A_162 = arith.constant 0 : i32
      %dma_wait3A_163 = tpu.memref_slice %arg2[%dma_wait3A_161, %dma_wait3A_162] : memref<10000x128xf32, #tpu.memory_space<hbm>> -> memref<10000x128xf32, #tpu.memory_space<hbm>>
      tpu.wait_indirect_dma semaphore(%arg14 : memref<!tpu.dma_semaphore, #tpu.memory_space<semaphore_mem>>) src(%dma_wait3A_163 : memref<10000x128xf32, #tpu.memory_space<hbm>>) dst(%arg11 : memref<128x128xf32, #tpu.memory_space<vmem>>)
      %dma_wait3A_164 = arith.constant 0 : i32
      %dma_wait3A_165 = tpu.memref_slice %arg8[%add3A_120, %dma_wait3A_164] : memref<82x128xi32, #tpu.memory_space<vmem>> -> memref<1x128xi32, #tpu.memory_space<vmem>>
      %dma_wait3A_166 = tpu.memref_squeeze %dma_wait3A_165 : memref<1x128xi32, #tpu.memory_space<vmem>> -> memref<128xi32, #tpu.memory_space<vmem>>
      %dma_wait3A_167 = arith.constant 0 : i32
      %dma_wait3A_168 = arith.constant 0 : i32
      %dma_wait3A_169 = tpu.memref_slice %arg2[%dma_wait3A_167, %dma_wait3A_168] : memref<10000x128xf32, #tpu.memory_space<hbm>> -> memref<10000x128xf32, #tpu.memory_space<hbm>>
      tpu.wait_indirect_dma semaphore(%arg14 : memref<!tpu.dma_semaphore, #tpu.memory_space<semaphore_mem>>) src(%dma_wait3A_169 : memref<10000x128xf32, #tpu.memory_space<hbm>>) dst(%arg12 : memref<128x128xf32, #tpu.memory_space<vmem>>)
      %mul3A_170 = arith.constant 82 : i32
      %mul3A_171 = arith.muli %add3A, %mul3A_170 : i32
      %add3A_172 = arith.addi %mul3A_171, %add3A_120 : i32
      %mul3A_173 = arith.constant 128 : i32
      %mul3A_174 = arith.muli %add3A_172, %mul3A_173 : i32
      %dma_start3A_175 = arith.constant 0 : i32
      %dma_start3A_176 = tpu.memref_slice %arg5[%mul3A_174, %dma_start3A_175] : memref<335872x128xf32, #tpu.memory_space<hbm>> -> memref<128x128xf32, #tpu.memory_space<hbm>>
      %dma_start3A_177 = arith.constant 0 : i32
      %dma_start3A_178 = tpu.memref_slice %arg5[%mul3A_174, %dma_start3A_177] : memref<335872x128xf32, #tpu.memory_space<hbm>> -> memref<128x128xf32, #tpu.memory_space<hbm>>
      tpu.enqueue_dma source(%arg11 : memref<128x128xf32, #tpu.memory_space<vmem>>) target(%dma_start3A_178 : memref<128x128xf32, #tpu.memory_space<hbm>>) target_semaphore(%arg16 : memref<!tpu.dma_semaphore, #tpu.memory_space<semaphore_mem>>)
      %dma_start3A_179 = arith.constant 0 : i32
      %dma_start3A_180 = tpu.memref_slice %arg6[%mul3A_174, %dma_start3A_179] : memref<335872x128xf32, #tpu.memory_space<hbm>> -> memref<128x128xf32, #tpu.memory_space<hbm>>
      %dma_start3A_181 = arith.constant 0 : i32
      %dma_start3A_182 = tpu.memref_slice %arg6[%mul3A_174, %dma_start3A_181] : memref<335872x128xf32, #tpu.memory_space<hbm>> -> memref<128x128xf32, #tpu.memory_space<hbm>>
      tpu.enqueue_dma source(%arg12 : memref<128x128xf32, #tpu.memory_space<vmem>>) target(%dma_start3A_182 : memref<128x128xf32, #tpu.memory_space<hbm>>) target_semaphore(%arg16 : memref<!tpu.dma_semaphore, #tpu.memory_space<semaphore_mem>>)
      %mul3A_183 = arith.constant 82 : i32
      %mul3A_184 = arith.muli %add3A, %mul3A_183 : i32
      %add3A_185 = arith.addi %mul3A_184, %mul3A_118 : i32
      %mul3A_186 = arith.constant 128 : i32
      %mul3A_187 = arith.muli %add3A_185, %mul3A_186 : i32
      %dma_wait3A_188 = arith.constant 0 : i32
      %dma_wait3A_189 = tpu.memref_slice %arg5[%mul3A_187, %dma_wait3A_188] : memref<335872x128xf32, #tpu.memory_space<hbm>> -> memref<128x128xf32, #tpu.memory_space<hbm>>
      %dma_wait3A_190 = arith.constant 0 : i32
      %dma_wait3A_191 = tpu.memref_slice %arg5[%mul3A_187, %dma_wait3A_190] : memref<335872x128xf32, #tpu.memory_space<hbm>> -> memref<128x128xf32, #tpu.memory_space<hbm>>
      tpu.wait_dma2 semaphore(%arg15 : memref<!tpu.dma_semaphore, #tpu.memory_space<semaphore_mem>>) src(%arg9 : memref<128x128xf32, #tpu.memory_space<vmem>>) dst(%dma_wait3A_191 : memref<128x128xf32, #tpu.memory_space<hbm>>)
      %dma_wait3A_192 = arith.constant 0 : i32
      %dma_wait3A_193 = tpu.memref_slice %arg6[%mul3A_187, %dma_wait3A_192] : memref<335872x128xf32, #tpu.memory_space<hbm>> -> memref<128x128xf32, #tpu.memory_space<hbm>>
      %dma_wait3A_194 = arith.constant 0 : i32
      %dma_wait3A_195 = tpu.memref_slice %arg6[%mul3A_187, %dma_wait3A_194] : memref<335872x128xf32, #tpu.memory_space<hbm>> -> memref<128x128xf32, #tpu.memory_space<hbm>>
      tpu.wait_dma2 semaphore(%arg15 : memref<!tpu.dma_semaphore, #tpu.memory_space<semaphore_mem>>) src(%arg10 : memref<128x128xf32, #tpu.memory_space<vmem>>) dst(%dma_wait3A_195 : memref<128x128xf32, #tpu.memory_space<hbm>>)
      %add3A_196 = arith.constant 2 : i32
      %add3A_197 = arith.addi %mul3A_118, %add3A_196 : i32
      %dma_start3A_198 = arith.constant 0 : i32
      %dma_start3A_199 = tpu.memref_slice %arg7[%add3A_197, %dma_start3A_198] : memref<82x128xi32, #tpu.memory_space<vmem>> -> memref<1x128xi32, #tpu.memory_space<vmem>>
      %dma_start3A_200 = tpu.memref_squeeze %dma_start3A_199 : memref<1x128xi32, #tpu.memory_space<vmem>> -> memref<128xi32, #tpu.memory_space<vmem>>
      %dma_start3A_201 = arith.constant 0 : i32
      %dma_start3A_202 = arith.constant 0 : i32
      %dma_start3A_203 = tpu.memref_slice %arg2[%dma_start3A_201, %dma_start3A_202] : memref<10000x128xf32, #tpu.memory_space<hbm>> -> memref<10000x128xf32, #tpu.memory_space<hbm>>
      tpu.enqueue_indirect_dma source(%dma_start3A_203 : memref<10000x128xf32, #tpu.memory_space<hbm>>) target(%arg9 : memref<128x128xf32, #tpu.memory_space<vmem>>) offsets(%dma_start3A_200 : memref<128xi32, #tpu.memory_space<vmem>>) semaphore(%arg13 : memref<!tpu.dma_semaphore, #tpu.memory_space<semaphore_mem>>)
      %dma_start3A_204 = arith.constant 0 : i32
      %dma_start3A_205 = tpu.memref_slice %arg8[%add3A_197, %dma_start3A_204] : memref<82x128xi32, #tpu.memory_space<vmem>> -> memref<1x128xi32, #tpu.memory_space<vmem>>
      %dma_start3A_206 = tpu.memref_squeeze %dma_start3A_205 : memref<1x128xi32, #tpu.memory_space<vmem>> -> memref<128xi32, #tpu.memory_space<vmem>>
      %dma_start3A_207 = arith.constant 0 : i32
      %dma_start3A_208 = arith.constant 0 : i32
      %dma_start3A_209 = tpu.memref_slice %arg2[%dma_start3A_207, %dma_start3A_208] : memref<10000x128xf32, #tpu.memory_space<hbm>> -> memref<10000x128xf32, #tpu.memory_space<hbm>>
      tpu.enqueue_indirect_dma source(%dma_start3A_209 : memref<10000x128xf32, #tpu.memory_space<hbm>>) target(%arg10 : memref<128x128xf32, #tpu.memory_space<vmem>>) offsets(%dma_start3A_206 : memref<128xi32, #tpu.memory_space<vmem>>) semaphore(%arg13 : memref<!tpu.dma_semaphore, #tpu.memory_space<semaphore_mem>>)
      %mul3A_210 = arith.constant 82 : i32
      %mul3A_211 = arith.muli %add3A, %mul3A_210 : i32
      %add3A_212 = arith.addi %mul3A_211, %add3A_120 : i32
      %mul3A_213 = arith.constant 128 : i32
      %mul3A_214 = arith.muli %add3A_212, %mul3A_213 : i32
      %dma_wait3A_215 = arith.constant 0 : i32
      %dma_wait3A_216 = tpu.memref_slice %arg5[%mul3A_214, %dma_wait3A_215] : memref<335872x128xf32, #tpu.memory_space<hbm>> -> memref<128x128xf32, #tpu.memory_space<hbm>>
      %dma_wait3A_217 = arith.constant 0 : i32
      %dma_wait3A_218 = tpu.memref_slice %arg5[%mul3A_214, %dma_wait3A_217] : memref<335872x128xf32, #tpu.memory_space<hbm>> -> memref<128x128xf32, #tpu.memory_space<hbm>>
      tpu.wait_dma2 semaphore(%arg16 : memref<!tpu.dma_semaphore, #tpu.memory_space<semaphore_mem>>) src(%arg11 : memref<128x128xf32, #tpu.memory_space<vmem>>) dst(%dma_wait3A_218 : memref<128x128xf32, #tpu.memory_space<hbm>>)
      %dma_wait3A_219 = arith.constant 0 : i32
      %dma_wait3A_220 = tpu.memref_slice %arg6[%mul3A_214, %dma_wait3A_219] : memref<335872x128xf32, #tpu.memory_space<hbm>> -> memref<128x128xf32, #tpu.memory_space<hbm>>
      %dma_wait3A_221 = arith.constant 0 : i32
      %dma_wait3A_222 = tpu.memref_slice %arg6[%mul3A_214, %dma_wait3A_221] : memref<335872x128xf32, #tpu.memory_space<hbm>> -> memref<128x128xf32, #tpu.memory_space<hbm>>
      tpu.wait_dma2 semaphore(%arg16 : memref<!tpu.dma_semaphore, #tpu.memory_space<semaphore_mem>>) src(%arg12 : memref<128x128xf32, #tpu.memory_space<vmem>>) dst(%dma_wait3A_222 : memref<128x128xf32, #tpu.memory_space<hbm>>)
    }
    %scan3A_18 = arith.constant 40 : i32
    %dma_start3A_19 = arith.constant 81 : i32
    %dma_start3A_20 = arith.constant 0 : i32
    %dma_start3A_21 = tpu.memref_slice %arg7[%dma_start3A_19, %dma_start3A_20] : memref<82x128xi32, #tpu.memory_space<vmem>> -> memref<1x128xi32, #tpu.memory_space<vmem>>
    %dma_start3A_22 = tpu.memref_squeeze %dma_start3A_21 : memref<1x128xi32, #tpu.memory_space<vmem>> -> memref<128xi32, #tpu.memory_space<vmem>>
    %dma_start3A_23 = arith.constant 0 : i32
    %dma_start3A_24 = arith.constant 0 : i32
    %dma_start3A_25 = tpu.memref_slice %arg2[%dma_start3A_23, %dma_start3A_24] : memref<10000x128xf32, #tpu.memory_space<hbm>> -> memref<10000x128xf32, #tpu.memory_space<hbm>>
    tpu.enqueue_indirect_dma source(%dma_start3A_25 : memref<10000x128xf32, #tpu.memory_space<hbm>>) target(%arg11 : memref<128x128xf32, #tpu.memory_space<vmem>>) offsets(%dma_start3A_22 : memref<128xi32, #tpu.memory_space<vmem>>) semaphore(%arg14 : memref<!tpu.dma_semaphore, #tpu.memory_space<semaphore_mem>>)
    %dma_start3A_26 = arith.constant 81 : i32
    %dma_start3A_27 = arith.constant 0 : i32
    %dma_start3A_28 = tpu.memref_slice %arg8[%dma_start3A_26, %dma_start3A_27] : memref<82x128xi32, #tpu.memory_space<vmem>> -> memref<1x128xi32, #tpu.memory_space<vmem>>
    %dma_start3A_29 = tpu.memref_squeeze %dma_start3A_28 : memref<1x128xi32, #tpu.memory_space<vmem>> -> memref<128xi32, #tpu.memory_space<vmem>>
    %dma_start3A_30 = arith.constant 0 : i32
    %dma_start3A_31 = arith.constant 0 : i32
    %dma_start3A_32 = tpu.memref_slice %arg2[%dma_start3A_30, %dma_start3A_31] : memref<10000x128xf32, #tpu.memory_space<hbm>> -> memref<10000x128xf32, #tpu.memory_space<hbm>>
    tpu.enqueue_indirect_dma source(%dma_start3A_32 : memref<10000x128xf32, #tpu.memory_space<hbm>>) target(%arg12 : memref<128x128xf32, #tpu.memory_space<vmem>>) offsets(%dma_start3A_29 : memref<128xi32, #tpu.memory_space<vmem>>) semaphore(%arg14 : memref<!tpu.dma_semaphore, #tpu.memory_space<semaphore_mem>>)
    %dma_wait3A = arith.constant 80 : i32
    %dma_wait3A_33 = arith.constant 0 : i32
    %dma_wait3A_34 = tpu.memref_slice %arg7[%dma_wait3A, %dma_wait3A_33] : memref<82x128xi32, #tpu.memory_space<vmem>> -> memref<1x128xi32, #tpu.memory_space<vmem>>
    %dma_wait3A_35 = tpu.memref_squeeze %dma_wait3A_34 : memref<1x128xi32, #tpu.memory_space<vmem>> -> memref<128xi32, #tpu.memory_space<vmem>>
    %dma_wait3A_36 = arith.constant 0 : i32
    %dma_wait3A_37 = arith.constant 0 : i32
    %dma_wait3A_38 = tpu.memref_slice %arg2[%dma_wait3A_36, %dma_wait3A_37] : memref<10000x128xf32, #tpu.memory_space<hbm>> -> memref<10000x128xf32, #tpu.memory_space<hbm>>
    tpu.wait_indirect_dma semaphore(%arg13 : memref<!tpu.dma_semaphore, #tpu.memory_space<semaphore_mem>>) src(%dma_wait3A_38 : memref<10000x128xf32, #tpu.memory_space<hbm>>) dst(%arg9 : memref<128x128xf32, #tpu.memory_space<vmem>>)
    %dma_wait3A_39 = arith.constant 80 : i32
    %dma_wait3A_40 = arith.constant 0 : i32
    %dma_wait3A_41 = tpu.memref_slice %arg8[%dma_wait3A_39, %dma_wait3A_40] : memref<82x128xi32, #tpu.memory_space<vmem>> -> memref<1x128xi32, #tpu.memory_space<vmem>>
    %dma_wait3A_42 = tpu.memref_squeeze %dma_wait3A_41 : memref<1x128xi32, #tpu.memory_space<vmem>> -> memref<128xi32, #tpu.memory_space<vmem>>
    %dma_wait3A_43 = arith.constant 0 : i32
    %dma_wait3A_44 = arith.constant 0 : i32
    %dma_wait3A_45 = tpu.memref_slice %arg2[%dma_wait3A_43, %dma_wait3A_44] : memref<10000x128xf32, #tpu.memory_space<hbm>> -> memref<10000x128xf32, #tpu.memory_space<hbm>>
    tpu.wait_indirect_dma semaphore(%arg13 : memref<!tpu.dma_semaphore, #tpu.memory_space<semaphore_mem>>) src(%dma_wait3A_45 : memref<10000x128xf32, #tpu.memory_space<hbm>>) dst(%arg10 : memref<128x128xf32, #tpu.memory_space<vmem>>)
    %mul3A_46 = arith.constant 82 : i32
    %mul3A_47 = arith.muli %add3A, %mul3A_46 : i32
    %add3A_48 = arith.constant 80 : i32
    %add3A_49 = arith.addi %mul3A_47, %add3A_48 : i32
    %mul3A_50 = arith.constant 128 : i32
    %mul3A_51 = arith.muli %add3A_49, %mul3A_50 : i32
    %dma_start3A_52 = arith.constant 0 : i32
    %dma_start3A_53 = tpu.memref_slice %arg5[%mul3A_51, %dma_start3A_52] : memref<335872x128xf32, #tpu.memory_space<hbm>> -> memref<128x128xf32, #tpu.memory_space<hbm>>
    %dma_start3A_54 = arith.constant 0 : i32
    %dma_start3A_55 = tpu.memref_slice %arg5[%mul3A_51, %dma_start3A_54] : memref<335872x128xf32, #tpu.memory_space<hbm>> -> memref<128x128xf32, #tpu.memory_space<hbm>>
    tpu.enqueue_dma source(%arg9 : memref<128x128xf32, #tpu.memory_space<vmem>>) target(%dma_start3A_55 : memref<128x128xf32, #tpu.memory_space<hbm>>) target_semaphore(%arg15 : memref<!tpu.dma_semaphore, #tpu.memory_space<semaphore_mem>>)
    %dma_start3A_56 = arith.constant 0 : i32
    %dma_start3A_57 = tpu.memref_slice %arg6[%mul3A_51, %dma_start3A_56] : memref<335872x128xf32, #tpu.memory_space<hbm>> -> memref<128x128xf32, #tpu.memory_space<hbm>>
    %dma_start3A_58 = arith.constant 0 : i32
    %dma_start3A_59 = tpu.memref_slice %arg6[%mul3A_51, %dma_start3A_58] : memref<335872x128xf32, #tpu.memory_space<hbm>> -> memref<128x128xf32, #tpu.memory_space<hbm>>
    tpu.enqueue_dma source(%arg10 : memref<128x128xf32, #tpu.memory_space<vmem>>) target(%dma_start3A_59 : memref<128x128xf32, #tpu.memory_space<hbm>>) target_semaphore(%arg15 : memref<!tpu.dma_semaphore, #tpu.memory_space<semaphore_mem>>)
    %dma_wait3A_60 = arith.constant 81 : i32
    %dma_wait3A_61 = arith.constant 0 : i32
    %dma_wait3A_62 = tpu.memref_slice %arg7[%dma_wait3A_60, %dma_wait3A_61] : memref<82x128xi32, #tpu.memory_space<vmem>> -> memref<1x128xi32, #tpu.memory_space<vmem>>
    %dma_wait3A_63 = tpu.memref_squeeze %dma_wait3A_62 : memref<1x128xi32, #tpu.memory_space<vmem>> -> memref<128xi32, #tpu.memory_space<vmem>>
    %dma_wait3A_64 = arith.constant 0 : i32
    %dma_wait3A_65 = arith.constant 0 : i32
    %dma_wait3A_66 = tpu.memref_slice %arg2[%dma_wait3A_64, %dma_wait3A_65] : memref<10000x128xf32, #tpu.memory_space<hbm>> -> memref<10000x128xf32, #tpu.memory_space<hbm>>
    tpu.wait_indirect_dma semaphore(%arg14 : memref<!tpu.dma_semaphore, #tpu.memory_space<semaphore_mem>>) src(%dma_wait3A_66 : memref<10000x128xf32, #tpu.memory_space<hbm>>) dst(%arg11 : memref<128x128xf32, #tpu.memory_space<vmem>>)
    %dma_wait3A_67 = arith.constant 81 : i32
    %dma_wait3A_68 = arith.constant 0 : i32
    %dma_wait3A_69 = tpu.memref_slice %arg8[%dma_wait3A_67, %dma_wait3A_68] : memref<82x128xi32, #tpu.memory_space<vmem>> -> memref<1x128xi32, #tpu.memory_space<vmem>>
    %dma_wait3A_70 = tpu.memref_squeeze %dma_wait3A_69 : memref<1x128xi32, #tpu.memory_space<vmem>> -> memref<128xi32, #tpu.memory_space<vmem>>
    %dma_wait3A_71 = arith.constant 0 : i32
    %dma_wait3A_72 = arith.constant 0 : i32
    %dma_wait3A_73 = tpu.memref_slice %arg2[%dma_wait3A_71, %dma_wait3A_72] : memref<10000x128xf32, #tpu.memory_space<hbm>> -> memref<10000x128xf32, #tpu.memory_space<hbm>>
    tpu.wait_indirect_dma semaphore(%arg14 : memref<!tpu.dma_semaphore, #tpu.memory_space<semaphore_mem>>) src(%dma_wait3A_73 : memref<10000x128xf32, #tpu.memory_space<hbm>>) dst(%arg12 : memref<128x128xf32, #tpu.memory_space<vmem>>)
    %mul3A_74 = arith.constant 82 : i32
    %mul3A_75 = arith.muli %add3A, %mul3A_74 : i32
    %add3A_76 = arith.constant 81 : i32
    %add3A_77 = arith.addi %mul3A_75, %add3A_76 : i32
    %mul3A_78 = arith.constant 128 : i32
    %mul3A_79 = arith.muli %add3A_77, %mul3A_78 : i32
    %dma_start3A_80 = arith.constant 0 : i32
    %dma_start3A_81 = tpu.memref_slice %arg5[%mul3A_79, %dma_start3A_80] : memref<335872x128xf32, #tpu.memory_space<hbm>> -> memref<128x128xf32, #tpu.memory_space<hbm>>
    %dma_start3A_82 = arith.constant 0 : i32
    %dma_start3A_83 = tpu.memref_slice %arg5[%mul3A_79, %dma_start3A_82] : memref<335872x128xf32, #tpu.memory_space<hbm>> -> memref<128x128xf32, #tpu.memory_space<hbm>>
    tpu.enqueue_dma source(%arg11 : memref<128x128xf32, #tpu.memory_space<vmem>>) target(%dma_start3A_83 : memref<128x128xf32, #tpu.memory_space<hbm>>) target_semaphore(%arg16 : memref<!tpu.dma_semaphore, #tpu.memory_space<semaphore_mem>>)
    %dma_start3A_84 = arith.constant 0 : i32
    %dma_start3A_85 = tpu.memref_slice %arg6[%mul3A_79, %dma_start3A_84] : memref<335872x128xf32, #tpu.memory_space<hbm>> -> memref<128x128xf32, #tpu.memory_space<hbm>>
    %dma_start3A_86 = arith.constant 0 : i32
    %dma_start3A_87 = tpu.memref_slice %arg6[%mul3A_79, %dma_start3A_86] : memref<335872x128xf32, #tpu.memory_space<hbm>> -> memref<128x128xf32, #tpu.memory_space<hbm>>
    tpu.enqueue_dma source(%arg12 : memref<128x128xf32, #tpu.memory_space<vmem>>) target(%dma_start3A_87 : memref<128x128xf32, #tpu.memory_space<hbm>>) target_semaphore(%arg16 : memref<!tpu.dma_semaphore, #tpu.memory_space<semaphore_mem>>)
    %mul3A_88 = arith.constant 82 : i32
    %mul3A_89 = arith.muli %add3A, %mul3A_88 : i32
    %add3A_90 = arith.constant 80 : i32
    %add3A_91 = arith.addi %mul3A_89, %add3A_90 : i32
    %mul3A_92 = arith.constant 128 : i32
    %mul3A_93 = arith.muli %add3A_91, %mul3A_92 : i32
    %dma_wait3A_94 = arith.constant 0 : i32
    %dma_wait3A_95 = tpu.memref_slice %arg5[%mul3A_93, %dma_wait3A_94] : memref<335872x128xf32, #tpu.memory_space<hbm>> -> memref<128x128xf32, #tpu.memory_space<hbm>>
    %dma_wait3A_96 = arith.constant 0 : i32
    %dma_wait3A_97 = tpu.memref_slice %arg5[%mul3A_93, %dma_wait3A_96] : memref<335872x128xf32, #tpu.memory_space<hbm>> -> memref<128x128xf32, #tpu.memory_space<hbm>>
    tpu.wait_dma2 semaphore(%arg15 : memref<!tpu.dma_semaphore, #tpu.memory_space<semaphore_mem>>) src(%arg9 : memref<128x128xf32, #tpu.memory_space<vmem>>) dst(%dma_wait3A_97 : memref<128x128xf32, #tpu.memory_space<hbm>>)
    %dma_wait3A_98 = arith.constant 0 : i32
    %dma_wait3A_99 = tpu.memref_slice %arg6[%mul3A_93, %dma_wait3A_98] : memref<335872x128xf32, #tpu.memory_space<hbm>> -> memref<128x128xf32, #tpu.memory_space<hbm>>
    %dma_wait3A_100 = arith.constant 0 : i32
    %dma_wait3A_101 = tpu.memref_slice %arg6[%mul3A_93, %dma_wait3A_100] : memref<335872x128xf32, #tpu.memory_space<hbm>> -> memref<128x128xf32, #tpu.memory_space<hbm>>
    tpu.wait_dma2 semaphore(%arg15 : memref<!tpu.dma_semaphore, #tpu.memory_space<semaphore_mem>>) src(%arg10 : memref<128x128xf32, #tpu.memory_space<vmem>>) dst(%dma_wait3A_101 : memref<128x128xf32, #tpu.memory_space<hbm>>)
    %mul3A_102 = arith.constant 82 : i32
    %mul3A_103 = arith.muli %add3A, %mul3A_102 : i32
    %add3A_104 = arith.constant 81 : i32
    %add3A_105 = arith.addi %mul3A_103, %add3A_104 : i32
    %mul3A_106 = arith.constant 128 : i32
    %mul3A_107 = arith.muli %add3A_105, %mul3A_106 : i32
    %dma_wait3A_108 = arith.constant 0 : i32
    %dma_wait3A_109 = tpu.memref_slice %arg5[%mul3A_107, %dma_wait3A_108] : memref<335872x128xf32, #tpu.memory_space<hbm>> -> memref<128x128xf32, #tpu.memory_space<hbm>>
    %dma_wait3A_110 = arith.constant 0 : i32
    %dma_wait3A_111 = tpu.memref_slice %arg5[%mul3A_107, %dma_wait3A_110] : memref<335872x128xf32, #tpu.memory_space<hbm>> -> memref<128x128xf32, #tpu.memory_space<hbm>>
    tpu.wait_dma2 semaphore(%arg16 : memref<!tpu.dma_semaphore, #tpu.memory_space<semaphore_mem>>) src(%arg11 : memref<128x128xf32, #tpu.memory_space<vmem>>) dst(%dma_wait3A_111 : memref<128x128xf32, #tpu.memory_space<hbm>>)
    %dma_wait3A_112 = arith.constant 0 : i32
    %dma_wait3A_113 = tpu.memref_slice %arg6[%mul3A_107, %dma_wait3A_112] : memref<335872x128xf32, #tpu.memory_space<hbm>> -> memref<128x128xf32, #tpu.memory_space<hbm>>
    %dma_wait3A_114 = arith.constant 0 : i32
    %dma_wait3A_115 = tpu.memref_slice %arg6[%mul3A_107, %dma_wait3A_114] : memref<335872x128xf32, #tpu.memory_space<hbm>> -> memref<128x128xf32, #tpu.memory_space<hbm>>
    tpu.wait_dma2 semaphore(%arg16 : memref<!tpu.dma_semaphore, #tpu.memory_space<semaphore_mem>>) src(%arg12 : memref<128x128xf32, #tpu.memory_space<vmem>>) dst(%dma_wait3A_115 : memref<128x128xf32, #tpu.memory_space<hbm>>)
    return
  }
}

#map = affine_map<(d0, d1) -> (0, 0)>
#map1 = affine_map<(d0, d1) -> (0, 0, 0)>
module attributes {stable_mosaic.version = 14 : i64} {
  func.func @scatter_kernel(%arg0: i32, %arg1: i32, %arg2: memref<335872x128xf32, #tpu.memory_space<hbm>>, %arg3: memref<32x82x128xi32, #tpu.memory_space<hbm>>, %arg4: memref<632x128xf32, #tpu.memory_space<hbm>>, %arg5: memref<2x10112x128xf32, #tpu.memory_space<hbm>>, %arg6: memref<82x128xi32, #tpu.memory_space<vmem>>, %arg7: memref<128x128xf32, #tpu.memory_space<vmem>>, %arg8: memref<128x128xf32, #tpu.memory_space<vmem>>, %arg9: memref<10112x128xf32, #tpu.memory_space<vmem_shared>>, %arg10: memref<!tpu.dma_semaphore, #tpu.memory_space<semaphore_mem>>, %arg11: memref<!tpu.dma_semaphore, #tpu.memory_space<semaphore_mem>>, %arg12: memref<!tpu.dma_semaphore, #tpu.memory_space<semaphore_mem>>, %arg13: memref<!tpu.dma_semaphore, #tpu.memory_space<semaphore_mem>>) attributes {dimension_semantics = [#tpu.dimension_semantics<core_parallel>, #tpu.dimension_semantics<subcore_parallel>], iteration_bounds = array<i64: 2, 16>, scalar_prefetch = 0 : i64, scratch_operands = 8 : i64, tpu.core_type = #tpu.core_type<sc_vector_subcore>, window_params = [{transform_indices = #map}, {transform_indices = #map1}, {transform_indices = #map}, {transform_indices = #map1}]} {
    %mul3A = arith.constant 16 : i32
    %mul3A_0 = arith.muli %arg0, %mul3A : i32
    %add3A = arith.addi %mul3A_0, %arg1 : i32
    %mul3A_1 = arith.constant 632 : i32
    %mul3A_2 = arith.muli %arg1, %mul3A_1 : i32
    "tpu.region"() ({
      %run_scoped3A = tpu.sem_alloc : memref<!tpu.dma_semaphore, #tpu.memory_space<semaphore_mem>>
      %dma_start3A_75 = arith.constant 0 : i32
      %dma_start3A_76 = tpu.memref_slice %arg9[%mul3A_2, %dma_start3A_75] : memref<10112x128xf32, #tpu.memory_space<vmem_shared>> -> memref<632x128xf32, #tpu.memory_space<vmem_shared>>
      tpu.enqueue_dma source(%arg4 : memref<632x128xf32, #tpu.memory_space<hbm>>) target(%dma_start3A_76 : memref<632x128xf32, #tpu.memory_space<vmem_shared>>) target_semaphore(%run_scoped3A : memref<!tpu.dma_semaphore, #tpu.memory_space<semaphore_mem>>)
      %dma_wait3A_77 = arith.constant 0 : i32
      %dma_wait3A_78 = tpu.memref_slice %arg9[%mul3A_2, %dma_wait3A_77] : memref<10112x128xf32, #tpu.memory_space<vmem_shared>> -> memref<632x128xf32, #tpu.memory_space<vmem_shared>>
      tpu.wait_dma2 semaphore(%run_scoped3A : memref<!tpu.dma_semaphore, #tpu.memory_space<semaphore_mem>>) src(%arg4 : memref<632x128xf32, #tpu.memory_space<hbm>>) dst(%dma_wait3A_78 : memref<632x128xf32, #tpu.memory_space<vmem_shared>>)
      tpu.yield
    }) : () -> ()
    "tpu.region"() ({
      %run_scoped3A = tpu.sem_alloc : memref<!tpu.dma_semaphore, #tpu.memory_space<semaphore_mem>>
      %dma_start3A_75 = arith.constant 0 : i32
      %dma_start3A_76 = arith.constant 0 : i32
      %dma_start3A_77 = tpu.memref_slice %arg3[%add3A, %dma_start3A_75, %dma_start3A_76] : memref<32x82x128xi32, #tpu.memory_space<hbm>> -> memref<1x82x128xi32, #tpu.memory_space<hbm>>
      %dma_start3A_78 = tpu.memref_squeeze %dma_start3A_77 : memref<1x82x128xi32, #tpu.memory_space<hbm>> -> memref<82x128xi32, #tpu.memory_space<hbm>>
      %dma_start3A_79 = arith.constant 0 : i32
      %dma_start3A_80 = arith.constant 0 : i32
      %dma_start3A_81 = tpu.memref_slice %arg3[%add3A, %dma_start3A_79, %dma_start3A_80] : memref<32x82x128xi32, #tpu.memory_space<hbm>> -> memref<1x82x128xi32, #tpu.memory_space<hbm>>
      %dma_start3A_82 = tpu.memref_squeeze %dma_start3A_81 : memref<1x82x128xi32, #tpu.memory_space<hbm>> -> memref<82x128xi32, #tpu.memory_space<hbm>>
      tpu.enqueue_dma source(%dma_start3A_82 : memref<82x128xi32, #tpu.memory_space<hbm>>) target(%arg6 : memref<82x128xi32, #tpu.memory_space<vmem>>) target_semaphore(%run_scoped3A : memref<!tpu.dma_semaphore, #tpu.memory_space<semaphore_mem>>)
      %dma_wait3A_83 = arith.constant 0 : i32
      %dma_wait3A_84 = arith.constant 0 : i32
      %dma_wait3A_85 = tpu.memref_slice %arg3[%add3A, %dma_wait3A_83, %dma_wait3A_84] : memref<32x82x128xi32, #tpu.memory_space<hbm>> -> memref<1x82x128xi32, #tpu.memory_space<hbm>>
      %dma_wait3A_86 = tpu.memref_squeeze %dma_wait3A_85 : memref<1x82x128xi32, #tpu.memory_space<hbm>> -> memref<82x128xi32, #tpu.memory_space<hbm>>
      %dma_wait3A_87 = arith.constant 0 : i32
      %dma_wait3A_88 = arith.constant 0 : i32
      %dma_wait3A_89 = tpu.memref_slice %arg3[%add3A, %dma_wait3A_87, %dma_wait3A_88] : memref<32x82x128xi32, #tpu.memory_space<hbm>> -> memref<1x82x128xi32, #tpu.memory_space<hbm>>
      %dma_wait3A_90 = tpu.memref_squeeze %dma_wait3A_89 : memref<1x82x128xi32, #tpu.memory_space<hbm>> -> memref<82x128xi32, #tpu.memory_space<hbm>>
      tpu.wait_dma2 semaphore(%run_scoped3A : memref<!tpu.dma_semaphore, #tpu.memory_space<semaphore_mem>>) src(%dma_wait3A_90 : memref<82x128xi32, #tpu.memory_space<hbm>>) dst(%arg6 : memref<82x128xi32, #tpu.memory_space<vmem>>)
      tpu.yield
    }) : () -> ()
    %barrier3A = arith.constant 0 : index
    tpu.barrier barrier_id(%barrier3A)
    %mul3A_3 = arith.constant 82 : i32
    %mul3A_4 = arith.muli %add3A, %mul3A_3 : i32
    %add3A_5 = arith.constant 0 : i32
    %add3A_6 = arith.addi %mul3A_4, %add3A_5 : i32
    %mul3A_7 = arith.constant 128 : i32
    %mul3A_8 = arith.muli %add3A_6, %mul3A_7 : i32
    %dma_start3A = arith.constant 0 : i32
    %dma_start3A_9 = tpu.memref_slice %arg2[%mul3A_8, %dma_start3A] : memref<335872x128xf32, #tpu.memory_space<hbm>> -> memref<128x128xf32, #tpu.memory_space<hbm>>
    %dma_start3A_10 = arith.constant 0 : i32
    %dma_start3A_11 = tpu.memref_slice %arg2[%mul3A_8, %dma_start3A_10] : memref<335872x128xf32, #tpu.memory_space<hbm>> -> memref<128x128xf32, #tpu.memory_space<hbm>>
    tpu.enqueue_dma source(%dma_start3A_11 : memref<128x128xf32, #tpu.memory_space<hbm>>) target(%arg7 : memref<128x128xf32, #tpu.memory_space<vmem>>) target_semaphore(%arg10 : memref<!tpu.dma_semaphore, #tpu.memory_space<semaphore_mem>>)
    %scan3A = arith.constant 0 : i32
    %scan3A_12 = arith.constant 0 : i32
    %scan3A_13 = arith.constant 40 : i32
    %scan3A_14 = arith.addi %scan3A_12, %scan3A_13 : i32
    %scan3A_15 = arith.constant 1 : i32
    scf.for %scan3A_75 = %scan3A_12 to %scan3A_14 step %scan3A_15  : i32 {
      %mul3A_76 = arith.constant 2 : i32
      %mul3A_77 = arith.muli %mul3A_76, %scan3A_75 : i32
      %add3A_78 = arith.constant 1 : i32
      %add3A_79 = arith.addi %mul3A_77, %add3A_78 : i32
      %mul3A_80 = arith.constant 82 : i32
      %mul3A_81 = arith.muli %add3A, %mul3A_80 : i32
      %add3A_82 = arith.addi %mul3A_81, %add3A_79 : i32
      %mul3A_83 = arith.constant 128 : i32
      %mul3A_84 = arith.muli %add3A_82, %mul3A_83 : i32
      %dma_start3A_85 = arith.constant 0 : i32
      %dma_start3A_86 = tpu.memref_slice %arg2[%mul3A_84, %dma_start3A_85] : memref<335872x128xf32, #tpu.memory_space<hbm>> -> memref<128x128xf32, #tpu.memory_space<hbm>>
      %dma_start3A_87 = arith.constant 0 : i32
      %dma_start3A_88 = tpu.memref_slice %arg2[%mul3A_84, %dma_start3A_87] : memref<335872x128xf32, #tpu.memory_space<hbm>> -> memref<128x128xf32, #tpu.memory_space<hbm>>
      tpu.enqueue_dma source(%dma_start3A_88 : memref<128x128xf32, #tpu.memory_space<hbm>>) target(%arg8 : memref<128x128xf32, #tpu.memory_space<vmem>>) target_semaphore(%arg11 : memref<!tpu.dma_semaphore, #tpu.memory_space<semaphore_mem>>)
      %mul3A_89 = arith.constant 82 : i32
      %mul3A_90 = arith.muli %add3A, %mul3A_89 : i32
      %add3A_91 = arith.addi %mul3A_90, %mul3A_77 : i32
      %mul3A_92 = arith.constant 128 : i32
      %mul3A_93 = arith.muli %add3A_91, %mul3A_92 : i32
      %dma_wait3A_94 = arith.constant 0 : i32
      %dma_wait3A_95 = tpu.memref_slice %arg2[%mul3A_93, %dma_wait3A_94] : memref<335872x128xf32, #tpu.memory_space<hbm>> -> memref<128x128xf32, #tpu.memory_space<hbm>>
      %dma_wait3A_96 = arith.constant 0 : i32
      %dma_wait3A_97 = tpu.memref_slice %arg2[%mul3A_93, %dma_wait3A_96] : memref<335872x128xf32, #tpu.memory_space<hbm>> -> memref<128x128xf32, #tpu.memory_space<hbm>>
      tpu.wait_dma2 semaphore(%arg10 : memref<!tpu.dma_semaphore, #tpu.memory_space<semaphore_mem>>) src(%dma_wait3A_97 : memref<128x128xf32, #tpu.memory_space<hbm>>) dst(%arg7 : memref<128x128xf32, #tpu.memory_space<vmem>>)
      %dma_start3A_98 = arith.constant 0 : i32
      %dma_start3A_99 = tpu.memref_slice %arg6[%mul3A_77, %dma_start3A_98] : memref<82x128xi32, #tpu.memory_space<vmem>> -> memref<1x128xi32, #tpu.memory_space<vmem>>
      %dma_start3A_100 = tpu.memref_squeeze %dma_start3A_99 : memref<1x128xi32, #tpu.memory_space<vmem>> -> memref<128xi32, #tpu.memory_space<vmem>>
      %dma_start3A_101 = arith.constant 0 : i32
      %dma_start3A_102 = arith.constant 0 : i32
      %dma_start3A_103 = tpu.memref_slice %arg9[%dma_start3A_101, %dma_start3A_102] : memref<10112x128xf32, #tpu.memory_space<vmem_shared>> -> memref<10112x128xf32, #tpu.memory_space<vmem_shared>>
      tpu.enqueue_indirect_dma source(%arg7 : memref<128x128xf32, #tpu.memory_space<vmem>>) target(%dma_start3A_103 : memref<10112x128xf32, #tpu.memory_space<vmem_shared>>) offsets(%dma_start3A_100 : memref<128xi32, #tpu.memory_space<vmem>>) semaphore(%arg12 : memref<!tpu.dma_semaphore, #tpu.memory_space<semaphore_mem>>) {add = true}
      %mul3A_104 = arith.constant 82 : i32
      %mul3A_105 = arith.muli %add3A, %mul3A_104 : i32
      %add3A_106 = arith.addi %mul3A_105, %add3A_79 : i32
      %mul3A_107 = arith.constant 128 : i32
      %mul3A_108 = arith.muli %add3A_106, %mul3A_107 : i32
      %dma_wait3A_109 = arith.constant 0 : i32
      %dma_wait3A_110 = tpu.memref_slice %arg2[%mul3A_108, %dma_wait3A_109] : memref<335872x128xf32, #tpu.memory_space<hbm>> -> memref<128x128xf32, #tpu.memory_space<hbm>>
      %dma_wait3A_111 = arith.constant 0 : i32
      %dma_wait3A_112 = tpu.memref_slice %arg2[%mul3A_108, %dma_wait3A_111] : memref<335872x128xf32, #tpu.memory_space<hbm>> -> memref<128x128xf32, #tpu.memory_space<hbm>>
      tpu.wait_dma2 semaphore(%arg11 : memref<!tpu.dma_semaphore, #tpu.memory_space<semaphore_mem>>) src(%dma_wait3A_112 : memref<128x128xf32, #tpu.memory_space<hbm>>) dst(%arg8 : memref<128x128xf32, #tpu.memory_space<vmem>>)
      %dma_start3A_113 = arith.constant 0 : i32
      %dma_start3A_114 = tpu.memref_slice %arg6[%add3A_79, %dma_start3A_113] : memref<82x128xi32, #tpu.memory_space<vmem>> -> memref<1x128xi32, #tpu.memory_space<vmem>>
      %dma_start3A_115 = tpu.memref_squeeze %dma_start3A_114 : memref<1x128xi32, #tpu.memory_space<vmem>> -> memref<128xi32, #tpu.memory_space<vmem>>
      %dma_start3A_116 = arith.constant 0 : i32
      %dma_start3A_117 = arith.constant 0 : i32
      %dma_start3A_118 = tpu.memref_slice %arg9[%dma_start3A_116, %dma_start3A_117] : memref<10112x128xf32, #tpu.memory_space<vmem_shared>> -> memref<10112x128xf32, #tpu.memory_space<vmem_shared>>
      tpu.enqueue_indirect_dma source(%arg8 : memref<128x128xf32, #tpu.memory_space<vmem>>) target(%dma_start3A_118 : memref<10112x128xf32, #tpu.memory_space<vmem_shared>>) offsets(%dma_start3A_115 : memref<128xi32, #tpu.memory_space<vmem>>) semaphore(%arg13 : memref<!tpu.dma_semaphore, #tpu.memory_space<semaphore_mem>>) {add = true}
      %dma_wait3A_119 = arith.constant 0 : i32
      %dma_wait3A_120 = tpu.memref_slice %arg6[%mul3A_77, %dma_wait3A_119] : memref<82x128xi32, #tpu.memory_space<vmem>> -> memref<1x128xi32, #tpu.memory_space<vmem>>
      %dma_wait3A_121 = tpu.memref_squeeze %dma_wait3A_120 : memref<1x128xi32, #tpu.memory_space<vmem>> -> memref<128xi32, #tpu.memory_space<vmem>>
      %dma_wait3A_122 = arith.constant 0 : i32
      %dma_wait3A_123 = arith.constant 0 : i32
      %dma_wait3A_124 = tpu.memref_slice %arg9[%dma_wait3A_122, %dma_wait3A_123] : memref<10112x128xf32, #tpu.memory_space<vmem_shared>> -> memref<10112x128xf32, #tpu.memory_space<vmem_shared>>
      tpu.wait_indirect_dma semaphore(%arg12 : memref<!tpu.dma_semaphore, #tpu.memory_space<semaphore_mem>>) src(%arg7 : memref<128x128xf32, #tpu.memory_space<vmem>>) dst(%dma_wait3A_124 : memref<10112x128xf32, #tpu.memory_space<vmem_shared>>)
      %add3A_125 = arith.constant 2 : i32
      %add3A_126 = arith.addi %mul3A_77, %add3A_125 : i32
      %mul3A_127 = arith.constant 82 : i32
      %mul3A_128 = arith.muli %add3A, %mul3A_127 : i32
      %add3A_129 = arith.addi %mul3A_128, %add3A_126 : i32
      %mul3A_130 = arith.constant 128 : i32
      %mul3A_131 = arith.muli %add3A_129, %mul3A_130 : i32
      %dma_start3A_132 = arith.constant 0 : i32
      %dma_start3A_133 = tpu.memref_slice %arg2[%mul3A_131, %dma_start3A_132] : memref<335872x128xf32, #tpu.memory_space<hbm>> -> memref<128x128xf32, #tpu.memory_space<hbm>>
      %dma_start3A_134 = arith.constant 0 : i32
      %dma_start3A_135 = tpu.memref_slice %arg2[%mul3A_131, %dma_start3A_134] : memref<335872x128xf32, #tpu.memory_space<hbm>> -> memref<128x128xf32, #tpu.memory_space<hbm>>
      tpu.enqueue_dma source(%dma_start3A_135 : memref<128x128xf32, #tpu.memory_space<hbm>>) target(%arg7 : memref<128x128xf32, #tpu.memory_space<vmem>>) target_semaphore(%arg10 : memref<!tpu.dma_semaphore, #tpu.memory_space<semaphore_mem>>)
      %dma_wait3A_136 = arith.constant 0 : i32
      %dma_wait3A_137 = tpu.memref_slice %arg6[%add3A_79, %dma_wait3A_136] : memref<82x128xi32, #tpu.memory_space<vmem>> -> memref<1x128xi32, #tpu.memory_space<vmem>>
      %dma_wait3A_138 = tpu.memref_squeeze %dma_wait3A_137 : memref<1x128xi32, #tpu.memory_space<vmem>> -> memref<128xi32, #tpu.memory_space<vmem>>
      %dma_wait3A_139 = arith.constant 0 : i32
      %dma_wait3A_140 = arith.constant 0 : i32
      %dma_wait3A_141 = tpu.memref_slice %arg9[%dma_wait3A_139, %dma_wait3A_140] : memref<10112x128xf32, #tpu.memory_space<vmem_shared>> -> memref<10112x128xf32, #tpu.memory_space<vmem_shared>>
      tpu.wait_indirect_dma semaphore(%arg13 : memref<!tpu.dma_semaphore, #tpu.memory_space<semaphore_mem>>) src(%arg8 : memref<128x128xf32, #tpu.memory_space<vmem>>) dst(%dma_wait3A_141 : memref<10112x128xf32, #tpu.memory_space<vmem_shared>>)
    }
    %scan3A_16 = arith.constant 40 : i32
    %mul3A_17 = arith.constant 82 : i32
    %mul3A_18 = arith.muli %add3A, %mul3A_17 : i32
    %add3A_19 = arith.constant 81 : i32
    %add3A_20 = arith.addi %mul3A_18, %add3A_19 : i32
    %mul3A_21 = arith.constant 128 : i32
    %mul3A_22 = arith.muli %add3A_20, %mul3A_21 : i32
    %dma_start3A_23 = arith.constant 0 : i32
    %dma_start3A_24 = tpu.memref_slice %arg2[%mul3A_22, %dma_start3A_23] : memref<335872x128xf32, #tpu.memory_space<hbm>> -> memref<128x128xf32, #tpu.memory_space<hbm>>
    %dma_start3A_25 = arith.constant 0 : i32
    %dma_start3A_26 = tpu.memref_slice %arg2[%mul3A_22, %dma_start3A_25] : memref<335872x128xf32, #tpu.memory_space<hbm>> -> memref<128x128xf32, #tpu.memory_space<hbm>>
    tpu.enqueue_dma source(%dma_start3A_26 : memref<128x128xf32, #tpu.memory_space<hbm>>) target(%arg8 : memref<128x128xf32, #tpu.memory_space<vmem>>) target_semaphore(%arg11 : memref<!tpu.dma_semaphore, #tpu.memory_space<semaphore_mem>>)
    %mul3A_27 = arith.constant 82 : i32
    %mul3A_28 = arith.muli %add3A, %mul3A_27 : i32
    %add3A_29 = arith.constant 80 : i32
    %add3A_30 = arith.addi %mul3A_28, %add3A_29 : i32
    %mul3A_31 = arith.constant 128 : i32
    %mul3A_32 = arith.muli %add3A_30, %mul3A_31 : i32
    %dma_wait3A = arith.constant 0 : i32
    %dma_wait3A_33 = tpu.memref_slice %arg2[%mul3A_32, %dma_wait3A] : memref<335872x128xf32, #tpu.memory_space<hbm>> -> memref<128x128xf32, #tpu.memory_space<hbm>>
    %dma_wait3A_34 = arith.constant 0 : i32
    %dma_wait3A_35 = tpu.memref_slice %arg2[%mul3A_32, %dma_wait3A_34] : memref<335872x128xf32, #tpu.memory_space<hbm>> -> memref<128x128xf32, #tpu.memory_space<hbm>>
    tpu.wait_dma2 semaphore(%arg10 : memref<!tpu.dma_semaphore, #tpu.memory_space<semaphore_mem>>) src(%dma_wait3A_35 : memref<128x128xf32, #tpu.memory_space<hbm>>) dst(%arg7 : memref<128x128xf32, #tpu.memory_space<vmem>>)
    %dma_start3A_36 = arith.constant 80 : i32
    %dma_start3A_37 = arith.constant 0 : i32
    %dma_start3A_38 = tpu.memref_slice %arg6[%dma_start3A_36, %dma_start3A_37] : memref<82x128xi32, #tpu.memory_space<vmem>> -> memref<1x128xi32, #tpu.memory_space<vmem>>
    %dma_start3A_39 = tpu.memref_squeeze %dma_start3A_38 : memref<1x128xi32, #tpu.memory_space<vmem>> -> memref<128xi32, #tpu.memory_space<vmem>>
    %dma_start3A_40 = arith.constant 0 : i32
    %dma_start3A_41 = arith.constant 0 : i32
    %dma_start3A_42 = tpu.memref_slice %arg9[%dma_start3A_40, %dma_start3A_41] : memref<10112x128xf32, #tpu.memory_space<vmem_shared>> -> memref<10112x128xf32, #tpu.memory_space<vmem_shared>>
    tpu.enqueue_indirect_dma source(%arg7 : memref<128x128xf32, #tpu.memory_space<vmem>>) target(%dma_start3A_42 : memref<10112x128xf32, #tpu.memory_space<vmem_shared>>) offsets(%dma_start3A_39 : memref<128xi32, #tpu.memory_space<vmem>>) semaphore(%arg12 : memref<!tpu.dma_semaphore, #tpu.memory_space<semaphore_mem>>) {add = true}
    %mul3A_43 = arith.constant 82 : i32
    %mul3A_44 = arith.muli %add3A, %mul3A_43 : i32
    %add3A_45 = arith.constant 81 : i32
    %add3A_46 = arith.addi %mul3A_44, %add3A_45 : i32
    %mul3A_47 = arith.constant 128 : i32
    %mul3A_48 = arith.muli %add3A_46, %mul3A_47 : i32
    %dma_wait3A_49 = arith.constant 0 : i32
    %dma_wait3A_50 = tpu.memref_slice %arg2[%mul3A_48, %dma_wait3A_49] : memref<335872x128xf32, #tpu.memory_space<hbm>> -> memref<128x128xf32, #tpu.memory_space<hbm>>
    %dma_wait3A_51 = arith.constant 0 : i32
    %dma_wait3A_52 = tpu.memref_slice %arg2[%mul3A_48, %dma_wait3A_51] : memref<335872x128xf32, #tpu.memory_space<hbm>> -> memref<128x128xf32, #tpu.memory_space<hbm>>
    tpu.wait_dma2 semaphore(%arg11 : memref<!tpu.dma_semaphore, #tpu.memory_space<semaphore_mem>>) src(%dma_wait3A_52 : memref<128x128xf32, #tpu.memory_space<hbm>>) dst(%arg8 : memref<128x128xf32, #tpu.memory_space<vmem>>)
    %dma_start3A_53 = arith.constant 81 : i32
    %dma_start3A_54 = arith.constant 0 : i32
    %dma_start3A_55 = tpu.memref_slice %arg6[%dma_start3A_53, %dma_start3A_54] : memref<82x128xi32, #tpu.memory_space<vmem>> -> memref<1x128xi32, #tpu.memory_space<vmem>>
    %dma_start3A_56 = tpu.memref_squeeze %dma_start3A_55 : memref<1x128xi32, #tpu.memory_space<vmem>> -> memref<128xi32, #tpu.memory_space<vmem>>
    %dma_start3A_57 = arith.constant 0 : i32
    %dma_start3A_58 = arith.constant 0 : i32
    %dma_start3A_59 = tpu.memref_slice %arg9[%dma_start3A_57, %dma_start3A_58] : memref<10112x128xf32, #tpu.memory_space<vmem_shared>> -> memref<10112x128xf32, #tpu.memory_space<vmem_shared>>
    tpu.enqueue_indirect_dma source(%arg8 : memref<128x128xf32, #tpu.memory_space<vmem>>) target(%dma_start3A_59 : memref<10112x128xf32, #tpu.memory_space<vmem_shared>>) offsets(%dma_start3A_56 : memref<128xi32, #tpu.memory_space<vmem>>) semaphore(%arg13 : memref<!tpu.dma_semaphore, #tpu.memory_space<semaphore_mem>>) {add = true}
    %dma_wait3A_60 = arith.constant 80 : i32
    %dma_wait3A_61 = arith.constant 0 : i32
    %dma_wait3A_62 = tpu.memref_slice %arg6[%dma_wait3A_60, %dma_wait3A_61] : memref<82x128xi32, #tpu.memory_space<vmem>> -> memref<1x128xi32, #tpu.memory_space<vmem>>
    %dma_wait3A_63 = tpu.memref_squeeze %dma_wait3A_62 : memref<1x128xi32, #tpu.memory_space<vmem>> -> memref<128xi32, #tpu.memory_space<vmem>>
    %dma_wait3A_64 = arith.constant 0 : i32
    %dma_wait3A_65 = arith.constant 0 : i32
    %dma_wait3A_66 = tpu.memref_slice %arg9[%dma_wait3A_64, %dma_wait3A_65] : memref<10112x128xf32, #tpu.memory_space<vmem_shared>> -> memref<10112x128xf32, #tpu.memory_space<vmem_shared>>
    tpu.wait_indirect_dma semaphore(%arg12 : memref<!tpu.dma_semaphore, #tpu.memory_space<semaphore_mem>>) src(%arg7 : memref<128x128xf32, #tpu.memory_space<vmem>>) dst(%dma_wait3A_66 : memref<10112x128xf32, #tpu.memory_space<vmem_shared>>)
    %dma_wait3A_67 = arith.constant 81 : i32
    %dma_wait3A_68 = arith.constant 0 : i32
    %dma_wait3A_69 = tpu.memref_slice %arg6[%dma_wait3A_67, %dma_wait3A_68] : memref<82x128xi32, #tpu.memory_space<vmem>> -> memref<1x128xi32, #tpu.memory_space<vmem>>
    %dma_wait3A_70 = tpu.memref_squeeze %dma_wait3A_69 : memref<1x128xi32, #tpu.memory_space<vmem>> -> memref<128xi32, #tpu.memory_space<vmem>>
    %dma_wait3A_71 = arith.constant 0 : i32
    %dma_wait3A_72 = arith.constant 0 : i32
    %dma_wait3A_73 = tpu.memref_slice %arg9[%dma_wait3A_71, %dma_wait3A_72] : memref<10112x128xf32, #tpu.memory_space<vmem_shared>> -> memref<10112x128xf32, #tpu.memory_space<vmem_shared>>
    tpu.wait_indirect_dma semaphore(%arg13 : memref<!tpu.dma_semaphore, #tpu.memory_space<semaphore_mem>>) src(%arg8 : memref<128x128xf32, #tpu.memory_space<vmem>>) dst(%dma_wait3A_73 : memref<10112x128xf32, #tpu.memory_space<vmem_shared>>)
    %barrier3A_74 = arith.constant 0 : index
    tpu.barrier barrier_id(%barrier3A_74)
    "tpu.region"() ({
      %run_scoped3A = tpu.sem_alloc : memref<!tpu.dma_semaphore, #tpu.memory_space<semaphore_mem>>
      %dma_start3A_75 = arith.constant 0 : i32
      %dma_start3A_76 = tpu.memref_slice %arg5[%arg0, %mul3A_2, %dma_start3A_75] : memref<2x10112x128xf32, #tpu.memory_space<hbm>> -> memref<1x632x128xf32, #tpu.memory_space<hbm>>
      %dma_start3A_77 = tpu.memref_squeeze %dma_start3A_76 : memref<1x632x128xf32, #tpu.memory_space<hbm>> -> memref<632x128xf32, #tpu.memory_space<hbm>>
      %dma_start3A_78 = arith.constant 0 : i32
      %dma_start3A_79 = tpu.memref_slice %arg9[%mul3A_2, %dma_start3A_78] : memref<10112x128xf32, #tpu.memory_space<vmem_shared>> -> memref<632x128xf32, #tpu.memory_space<vmem_shared>>
      tpu.enqueue_dma source(%dma_start3A_79 : memref<632x128xf32, #tpu.memory_space<vmem_shared>>) target(%dma_start3A_77 : memref<632x128xf32, #tpu.memory_space<hbm>>) target_semaphore(%run_scoped3A : memref<!tpu.dma_semaphore, #tpu.memory_space<semaphore_mem>>)
      %dma_wait3A_80 = arith.constant 0 : i32
      %dma_wait3A_81 = tpu.memref_slice %arg5[%arg0, %mul3A_2, %dma_wait3A_80] : memref<2x10112x128xf32, #tpu.memory_space<hbm>> -> memref<1x632x128xf32, #tpu.memory_space<hbm>>
      %dma_wait3A_82 = tpu.memref_squeeze %dma_wait3A_81 : memref<1x632x128xf32, #tpu.memory_space<hbm>> -> memref<632x128xf32, #tpu.memory_space<hbm>>
      %dma_wait3A_83 = arith.constant 0 : i32
      %dma_wait3A_84 = tpu.memref_slice %arg9[%mul3A_2, %dma_wait3A_83] : memref<10112x128xf32, #tpu.memory_space<vmem_shared>> -> memref<632x128xf32, #tpu.memory_space<vmem_shared>>
      tpu.wait_dma2 semaphore(%run_scoped3A : memref<!tpu.dma_semaphore, #tpu.memory_space<semaphore_mem>>) src(%dma_wait3A_84 : memref<632x128xf32, #tpu.memory_space<vmem_shared>>) dst(%dma_wait3A_82 : memref<632x128xf32, #tpu.memory_space<hbm>>)
      tpu.yield
    }) : () -> ()
    return
  }
}

#map = affine_map<(d0, d1) -> (0, 0)>
#map1 = affine_map<(d0, d1) -> (0, 0, 0)>
module attributes {stable_mosaic.version = 14 : i64} {
  func.func @scatter_kernel(%arg0: i32, %arg1: i32, %arg2: memref<335872x128xf32, #tpu.memory_space<hbm>>, %arg3: memref<32x82x128xi32, #tpu.memory_space<hbm>>, %arg4: memref<632x128xf32, #tpu.memory_space<hbm>>, %arg5: memref<2x10112x128xf32, #tpu.memory_space<hbm>>, %arg6: memref<82x128xi32, #tpu.memory_space<vmem>>, %arg7: memref<128x128xf32, #tpu.memory_space<vmem>>, %arg8: memref<128x128xf32, #tpu.memory_space<vmem>>, %arg9: memref<10112x128xf32, #tpu.memory_space<vmem_shared>>, %arg10: memref<!tpu.dma_semaphore, #tpu.memory_space<semaphore_mem>>, %arg11: memref<!tpu.dma_semaphore, #tpu.memory_space<semaphore_mem>>, %arg12: memref<!tpu.dma_semaphore, #tpu.memory_space<semaphore_mem>>, %arg13: memref<!tpu.dma_semaphore, #tpu.memory_space<semaphore_mem>>) attributes {dimension_semantics = [#tpu.dimension_semantics<core_parallel>, #tpu.dimension_semantics<subcore_parallel>], iteration_bounds = array<i64: 2, 16>, scalar_prefetch = 0 : i64, scratch_operands = 8 : i64, tpu.core_type = #tpu.core_type<sc_vector_subcore>, window_params = [{transform_indices = #map}, {transform_indices = #map1}, {transform_indices = #map}, {transform_indices = #map1}]} {
    %mul3A = arith.constant 16 : i32
    %mul3A_0 = arith.muli %arg0, %mul3A : i32
    %add3A = arith.addi %mul3A_0, %arg1 : i32
    %mul3A_1 = arith.constant 632 : i32
    %mul3A_2 = arith.muli %arg1, %mul3A_1 : i32
    "tpu.region"() ({
      %run_scoped3A = tpu.sem_alloc : memref<!tpu.dma_semaphore, #tpu.memory_space<semaphore_mem>>
      %dma_start3A_75 = arith.constant 0 : i32
      %dma_start3A_76 = tpu.memref_slice %arg9[%mul3A_2, %dma_start3A_75] : memref<10112x128xf32, #tpu.memory_space<vmem_shared>> -> memref<632x128xf32, #tpu.memory_space<vmem_shared>>
      tpu.enqueue_dma source(%arg4 : memref<632x128xf32, #tpu.memory_space<hbm>>) target(%dma_start3A_76 : memref<632x128xf32, #tpu.memory_space<vmem_shared>>) target_semaphore(%run_scoped3A : memref<!tpu.dma_semaphore, #tpu.memory_space<semaphore_mem>>)
      %dma_wait3A_77 = arith.constant 0 : i32
      %dma_wait3A_78 = tpu.memref_slice %arg9[%mul3A_2, %dma_wait3A_77] : memref<10112x128xf32, #tpu.memory_space<vmem_shared>> -> memref<632x128xf32, #tpu.memory_space<vmem_shared>>
      tpu.wait_dma2 semaphore(%run_scoped3A : memref<!tpu.dma_semaphore, #tpu.memory_space<semaphore_mem>>) src(%arg4 : memref<632x128xf32, #tpu.memory_space<hbm>>) dst(%dma_wait3A_78 : memref<632x128xf32, #tpu.memory_space<vmem_shared>>)
      tpu.yield
    }) : () -> ()
    "tpu.region"() ({
      %run_scoped3A = tpu.sem_alloc : memref<!tpu.dma_semaphore, #tpu.memory_space<semaphore_mem>>
      %dma_start3A_75 = arith.constant 0 : i32
      %dma_start3A_76 = arith.constant 0 : i32
      %dma_start3A_77 = tpu.memref_slice %arg3[%add3A, %dma_start3A_75, %dma_start3A_76] : memref<32x82x128xi32, #tpu.memory_space<hbm>> -> memref<1x82x128xi32, #tpu.memory_space<hbm>>
      %dma_start3A_78 = tpu.memref_squeeze %dma_start3A_77 : memref<1x82x128xi32, #tpu.memory_space<hbm>> -> memref<82x128xi32, #tpu.memory_space<hbm>>
      %dma_start3A_79 = arith.constant 0 : i32
      %dma_start3A_80 = arith.constant 0 : i32
      %dma_start3A_81 = tpu.memref_slice %arg3[%add3A, %dma_start3A_79, %dma_start3A_80] : memref<32x82x128xi32, #tpu.memory_space<hbm>> -> memref<1x82x128xi32, #tpu.memory_space<hbm>>
      %dma_start3A_82 = tpu.memref_squeeze %dma_start3A_81 : memref<1x82x128xi32, #tpu.memory_space<hbm>> -> memref<82x128xi32, #tpu.memory_space<hbm>>
      tpu.enqueue_dma source(%dma_start3A_82 : memref<82x128xi32, #tpu.memory_space<hbm>>) target(%arg6 : memref<82x128xi32, #tpu.memory_space<vmem>>) target_semaphore(%run_scoped3A : memref<!tpu.dma_semaphore, #tpu.memory_space<semaphore_mem>>)
      %dma_wait3A_83 = arith.constant 0 : i32
      %dma_wait3A_84 = arith.constant 0 : i32
      %dma_wait3A_85 = tpu.memref_slice %arg3[%add3A, %dma_wait3A_83, %dma_wait3A_84] : memref<32x82x128xi32, #tpu.memory_space<hbm>> -> memref<1x82x128xi32, #tpu.memory_space<hbm>>
      %dma_wait3A_86 = tpu.memref_squeeze %dma_wait3A_85 : memref<1x82x128xi32, #tpu.memory_space<hbm>> -> memref<82x128xi32, #tpu.memory_space<hbm>>
      %dma_wait3A_87 = arith.constant 0 : i32
      %dma_wait3A_88 = arith.constant 0 : i32
      %dma_wait3A_89 = tpu.memref_slice %arg3[%add3A, %dma_wait3A_87, %dma_wait3A_88] : memref<32x82x128xi32, #tpu.memory_space<hbm>> -> memref<1x82x128xi32, #tpu.memory_space<hbm>>
      %dma_wait3A_90 = tpu.memref_squeeze %dma_wait3A_89 : memref<1x82x128xi32, #tpu.memory_space<hbm>> -> memref<82x128xi32, #tpu.memory_space<hbm>>
      tpu.wait_dma2 semaphore(%run_scoped3A : memref<!tpu.dma_semaphore, #tpu.memory_space<semaphore_mem>>) src(%dma_wait3A_90 : memref<82x128xi32, #tpu.memory_space<hbm>>) dst(%arg6 : memref<82x128xi32, #tpu.memory_space<vmem>>)
      tpu.yield
    }) : () -> ()
    %barrier3A = arith.constant 0 : index
    tpu.barrier barrier_id(%barrier3A)
    %mul3A_3 = arith.constant 82 : i32
    %mul3A_4 = arith.muli %add3A, %mul3A_3 : i32
    %add3A_5 = arith.constant 0 : i32
    %add3A_6 = arith.addi %mul3A_4, %add3A_5 : i32
    %mul3A_7 = arith.constant 128 : i32
    %mul3A_8 = arith.muli %add3A_6, %mul3A_7 : i32
    %dma_start3A = arith.constant 0 : i32
    %dma_start3A_9 = tpu.memref_slice %arg2[%mul3A_8, %dma_start3A] : memref<335872x128xf32, #tpu.memory_space<hbm>> -> memref<128x128xf32, #tpu.memory_space<hbm>>
    %dma_start3A_10 = arith.constant 0 : i32
    %dma_start3A_11 = tpu.memref_slice %arg2[%mul3A_8, %dma_start3A_10] : memref<335872x128xf32, #tpu.memory_space<hbm>> -> memref<128x128xf32, #tpu.memory_space<hbm>>
    tpu.enqueue_dma source(%dma_start3A_11 : memref<128x128xf32, #tpu.memory_space<hbm>>) target(%arg7 : memref<128x128xf32, #tpu.memory_space<vmem>>) target_semaphore(%arg10 : memref<!tpu.dma_semaphore, #tpu.memory_space<semaphore_mem>>)
    %scan3A = arith.constant 0 : i32
    %scan3A_12 = arith.constant 0 : i32
    %scan3A_13 = arith.constant 40 : i32
    %scan3A_14 = arith.addi %scan3A_12, %scan3A_13 : i32
    %scan3A_15 = arith.constant 1 : i32
    scf.for %scan3A_75 = %scan3A_12 to %scan3A_14 step %scan3A_15  : i32 {
      %mul3A_76 = arith.constant 2 : i32
      %mul3A_77 = arith.muli %mul3A_76, %scan3A_75 : i32
      %add3A_78 = arith.constant 1 : i32
      %add3A_79 = arith.addi %mul3A_77, %add3A_78 : i32
      %mul3A_80 = arith.constant 82 : i32
      %mul3A_81 = arith.muli %add3A, %mul3A_80 : i32
      %add3A_82 = arith.addi %mul3A_81, %add3A_79 : i32
      %mul3A_83 = arith.constant 128 : i32
      %mul3A_84 = arith.muli %add3A_82, %mul3A_83 : i32
      %dma_start3A_85 = arith.constant 0 : i32
      %dma_start3A_86 = tpu.memref_slice %arg2[%mul3A_84, %dma_start3A_85] : memref<335872x128xf32, #tpu.memory_space<hbm>> -> memref<128x128xf32, #tpu.memory_space<hbm>>
      %dma_start3A_87 = arith.constant 0 : i32
      %dma_start3A_88 = tpu.memref_slice %arg2[%mul3A_84, %dma_start3A_87] : memref<335872x128xf32, #tpu.memory_space<hbm>> -> memref<128x128xf32, #tpu.memory_space<hbm>>
      tpu.enqueue_dma source(%dma_start3A_88 : memref<128x128xf32, #tpu.memory_space<hbm>>) target(%arg8 : memref<128x128xf32, #tpu.memory_space<vmem>>) target_semaphore(%arg11 : memref<!tpu.dma_semaphore, #tpu.memory_space<semaphore_mem>>)
      %mul3A_89 = arith.constant 82 : i32
      %mul3A_90 = arith.muli %add3A, %mul3A_89 : i32
      %add3A_91 = arith.addi %mul3A_90, %mul3A_77 : i32
      %mul3A_92 = arith.constant 128 : i32
      %mul3A_93 = arith.muli %add3A_91, %mul3A_92 : i32
      %dma_wait3A_94 = arith.constant 0 : i32
      %dma_wait3A_95 = tpu.memref_slice %arg2[%mul3A_93, %dma_wait3A_94] : memref<335872x128xf32, #tpu.memory_space<hbm>> -> memref<128x128xf32, #tpu.memory_space<hbm>>
      %dma_wait3A_96 = arith.constant 0 : i32
      %dma_wait3A_97 = tpu.memref_slice %arg2[%mul3A_93, %dma_wait3A_96] : memref<335872x128xf32, #tpu.memory_space<hbm>> -> memref<128x128xf32, #tpu.memory_space<hbm>>
      tpu.wait_dma2 semaphore(%arg10 : memref<!tpu.dma_semaphore, #tpu.memory_space<semaphore_mem>>) src(%dma_wait3A_97 : memref<128x128xf32, #tpu.memory_space<hbm>>) dst(%arg7 : memref<128x128xf32, #tpu.memory_space<vmem>>)
      %dma_start3A_98 = arith.constant 0 : i32
      %dma_start3A_99 = tpu.memref_slice %arg6[%mul3A_77, %dma_start3A_98] : memref<82x128xi32, #tpu.memory_space<vmem>> -> memref<1x128xi32, #tpu.memory_space<vmem>>
      %dma_start3A_100 = tpu.memref_squeeze %dma_start3A_99 : memref<1x128xi32, #tpu.memory_space<vmem>> -> memref<128xi32, #tpu.memory_space<vmem>>
      %dma_start3A_101 = arith.constant 0 : i32
      %dma_start3A_102 = arith.constant 0 : i32
      %dma_start3A_103 = tpu.memref_slice %arg9[%dma_start3A_101, %dma_start3A_102] : memref<10112x128xf32, #tpu.memory_space<vmem_shared>> -> memref<10112x128xf32, #tpu.memory_space<vmem_shared>>
      tpu.enqueue_indirect_dma source(%arg7 : memref<128x128xf32, #tpu.memory_space<vmem>>) target(%dma_start3A_103 : memref<10112x128xf32, #tpu.memory_space<vmem_shared>>) offsets(%dma_start3A_100 : memref<128xi32, #tpu.memory_space<vmem>>) semaphore(%arg12 : memref<!tpu.dma_semaphore, #tpu.memory_space<semaphore_mem>>) {add = true}
      %mul3A_104 = arith.constant 82 : i32
      %mul3A_105 = arith.muli %add3A, %mul3A_104 : i32
      %add3A_106 = arith.addi %mul3A_105, %add3A_79 : i32
      %mul3A_107 = arith.constant 128 : i32
      %mul3A_108 = arith.muli %add3A_106, %mul3A_107 : i32
      %dma_wait3A_109 = arith.constant 0 : i32
      %dma_wait3A_110 = tpu.memref_slice %arg2[%mul3A_108, %dma_wait3A_109] : memref<335872x128xf32, #tpu.memory_space<hbm>> -> memref<128x128xf32, #tpu.memory_space<hbm>>
      %dma_wait3A_111 = arith.constant 0 : i32
      %dma_wait3A_112 = tpu.memref_slice %arg2[%mul3A_108, %dma_wait3A_111] : memref<335872x128xf32, #tpu.memory_space<hbm>> -> memref<128x128xf32, #tpu.memory_space<hbm>>
      tpu.wait_dma2 semaphore(%arg11 : memref<!tpu.dma_semaphore, #tpu.memory_space<semaphore_mem>>) src(%dma_wait3A_112 : memref<128x128xf32, #tpu.memory_space<hbm>>) dst(%arg8 : memref<128x128xf32, #tpu.memory_space<vmem>>)
      %dma_start3A_113 = arith.constant 0 : i32
      %dma_start3A_114 = tpu.memref_slice %arg6[%add3A_79, %dma_start3A_113] : memref<82x128xi32, #tpu.memory_space<vmem>> -> memref<1x128xi32, #tpu.memory_space<vmem>>
      %dma_start3A_115 = tpu.memref_squeeze %dma_start3A_114 : memref<1x128xi32, #tpu.memory_space<vmem>> -> memref<128xi32, #tpu.memory_space<vmem>>
      %dma_start3A_116 = arith.constant 0 : i32
      %dma_start3A_117 = arith.constant 0 : i32
      %dma_start3A_118 = tpu.memref_slice %arg9[%dma_start3A_116, %dma_start3A_117] : memref<10112x128xf32, #tpu.memory_space<vmem_shared>> -> memref<10112x128xf32, #tpu.memory_space<vmem_shared>>
      tpu.enqueue_indirect_dma source(%arg8 : memref<128x128xf32, #tpu.memory_space<vmem>>) target(%dma_start3A_118 : memref<10112x128xf32, #tpu.memory_space<vmem_shared>>) offsets(%dma_start3A_115 : memref<128xi32, #tpu.memory_space<vmem>>) semaphore(%arg13 : memref<!tpu.dma_semaphore, #tpu.memory_space<semaphore_mem>>) {add = true}
      %dma_wait3A_119 = arith.constant 0 : i32
      %dma_wait3A_120 = tpu.memref_slice %arg6[%mul3A_77, %dma_wait3A_119] : memref<82x128xi32, #tpu.memory_space<vmem>> -> memref<1x128xi32, #tpu.memory_space<vmem>>
      %dma_wait3A_121 = tpu.memref_squeeze %dma_wait3A_120 : memref<1x128xi32, #tpu.memory_space<vmem>> -> memref<128xi32, #tpu.memory_space<vmem>>
      %dma_wait3A_122 = arith.constant 0 : i32
      %dma_wait3A_123 = arith.constant 0 : i32
      %dma_wait3A_124 = tpu.memref_slice %arg9[%dma_wait3A_122, %dma_wait3A_123] : memref<10112x128xf32, #tpu.memory_space<vmem_shared>> -> memref<10112x128xf32, #tpu.memory_space<vmem_shared>>
      tpu.wait_indirect_dma semaphore(%arg12 : memref<!tpu.dma_semaphore, #tpu.memory_space<semaphore_mem>>) src(%arg7 : memref<128x128xf32, #tpu.memory_space<vmem>>) dst(%dma_wait3A_124 : memref<10112x128xf32, #tpu.memory_space<vmem_shared>>)
      %add3A_125 = arith.constant 2 : i32
      %add3A_126 = arith.addi %mul3A_77, %add3A_125 : i32
      %mul3A_127 = arith.constant 82 : i32
      %mul3A_128 = arith.muli %add3A, %mul3A_127 : i32
      %add3A_129 = arith.addi %mul3A_128, %add3A_126 : i32
      %mul3A_130 = arith.constant 128 : i32
      %mul3A_131 = arith.muli %add3A_129, %mul3A_130 : i32
      %dma_start3A_132 = arith.constant 0 : i32
      %dma_start3A_133 = tpu.memref_slice %arg2[%mul3A_131, %dma_start3A_132] : memref<335872x128xf32, #tpu.memory_space<hbm>> -> memref<128x128xf32, #tpu.memory_space<hbm>>
      %dma_start3A_134 = arith.constant 0 : i32
      %dma_start3A_135 = tpu.memref_slice %arg2[%mul3A_131, %dma_start3A_134] : memref<335872x128xf32, #tpu.memory_space<hbm>> -> memref<128x128xf32, #tpu.memory_space<hbm>>
      tpu.enqueue_dma source(%dma_start3A_135 : memref<128x128xf32, #tpu.memory_space<hbm>>) target(%arg7 : memref<128x128xf32, #tpu.memory_space<vmem>>) target_semaphore(%arg10 : memref<!tpu.dma_semaphore, #tpu.memory_space<semaphore_mem>>)
      %dma_wait3A_136 = arith.constant 0 : i32
      %dma_wait3A_137 = tpu.memref_slice %arg6[%add3A_79, %dma_wait3A_136] : memref<82x128xi32, #tpu.memory_space<vmem>> -> memref<1x128xi32, #tpu.memory_space<vmem>>
      %dma_wait3A_138 = tpu.memref_squeeze %dma_wait3A_137 : memref<1x128xi32, #tpu.memory_space<vmem>> -> memref<128xi32, #tpu.memory_space<vmem>>
      %dma_wait3A_139 = arith.constant 0 : i32
      %dma_wait3A_140 = arith.constant 0 : i32
      %dma_wait3A_141 = tpu.memref_slice %arg9[%dma_wait3A_139, %dma_wait3A_140] : memref<10112x128xf32, #tpu.memory_space<vmem_shared>> -> memref<10112x128xf32, #tpu.memory_space<vmem_shared>>
      tpu.wait_indirect_dma semaphore(%arg13 : memref<!tpu.dma_semaphore, #tpu.memory_space<semaphore_mem>>) src(%arg8 : memref<128x128xf32, #tpu.memory_space<vmem>>) dst(%dma_wait3A_141 : memref<10112x128xf32, #tpu.memory_space<vmem_shared>>)
    }
    %scan3A_16 = arith.constant 40 : i32
    %mul3A_17 = arith.constant 82 : i32
    %mul3A_18 = arith.muli %add3A, %mul3A_17 : i32
    %add3A_19 = arith.constant 81 : i32
    %add3A_20 = arith.addi %mul3A_18, %add3A_19 : i32
    %mul3A_21 = arith.constant 128 : i32
    %mul3A_22 = arith.muli %add3A_20, %mul3A_21 : i32
    %dma_start3A_23 = arith.constant 0 : i32
    %dma_start3A_24 = tpu.memref_slice %arg2[%mul3A_22, %dma_start3A_23] : memref<335872x128xf32, #tpu.memory_space<hbm>> -> memref<128x128xf32, #tpu.memory_space<hbm>>
    %dma_start3A_25 = arith.constant 0 : i32
    %dma_start3A_26 = tpu.memref_slice %arg2[%mul3A_22, %dma_start3A_25] : memref<335872x128xf32, #tpu.memory_space<hbm>> -> memref<128x128xf32, #tpu.memory_space<hbm>>
    tpu.enqueue_dma source(%dma_start3A_26 : memref<128x128xf32, #tpu.memory_space<hbm>>) target(%arg8 : memref<128x128xf32, #tpu.memory_space<vmem>>) target_semaphore(%arg11 : memref<!tpu.dma_semaphore, #tpu.memory_space<semaphore_mem>>)
    %mul3A_27 = arith.constant 82 : i32
    %mul3A_28 = arith.muli %add3A, %mul3A_27 : i32
    %add3A_29 = arith.constant 80 : i32
    %add3A_30 = arith.addi %mul3A_28, %add3A_29 : i32
    %mul3A_31 = arith.constant 128 : i32
    %mul3A_32 = arith.muli %add3A_30, %mul3A_31 : i32
    %dma_wait3A = arith.constant 0 : i32
    %dma_wait3A_33 = tpu.memref_slice %arg2[%mul3A_32, %dma_wait3A] : memref<335872x128xf32, #tpu.memory_space<hbm>> -> memref<128x128xf32, #tpu.memory_space<hbm>>
    %dma_wait3A_34 = arith.constant 0 : i32
    %dma_wait3A_35 = tpu.memref_slice %arg2[%mul3A_32, %dma_wait3A_34] : memref<335872x128xf32, #tpu.memory_space<hbm>> -> memref<128x128xf32, #tpu.memory_space<hbm>>
    tpu.wait_dma2 semaphore(%arg10 : memref<!tpu.dma_semaphore, #tpu.memory_space<semaphore_mem>>) src(%dma_wait3A_35 : memref<128x128xf32, #tpu.memory_space<hbm>>) dst(%arg7 : memref<128x128xf32, #tpu.memory_space<vmem>>)
    %dma_start3A_36 = arith.constant 80 : i32
    %dma_start3A_37 = arith.constant 0 : i32
    %dma_start3A_38 = tpu.memref_slice %arg6[%dma_start3A_36, %dma_start3A_37] : memref<82x128xi32, #tpu.memory_space<vmem>> -> memref<1x128xi32, #tpu.memory_space<vmem>>
    %dma_start3A_39 = tpu.memref_squeeze %dma_start3A_38 : memref<1x128xi32, #tpu.memory_space<vmem>> -> memref<128xi32, #tpu.memory_space<vmem>>
    %dma_start3A_40 = arith.constant 0 : i32
    %dma_start3A_41 = arith.constant 0 : i32
    %dma_start3A_42 = tpu.memref_slice %arg9[%dma_start3A_40, %dma_start3A_41] : memref<10112x128xf32, #tpu.memory_space<vmem_shared>> -> memref<10112x128xf32, #tpu.memory_space<vmem_shared>>
    tpu.enqueue_indirect_dma source(%arg7 : memref<128x128xf32, #tpu.memory_space<vmem>>) target(%dma_start3A_42 : memref<10112x128xf32, #tpu.memory_space<vmem_shared>>) offsets(%dma_start3A_39 : memref<128xi32, #tpu.memory_space<vmem>>) semaphore(%arg12 : memref<!tpu.dma_semaphore, #tpu.memory_space<semaphore_mem>>) {add = true}
    %mul3A_43 = arith.constant 82 : i32
    %mul3A_44 = arith.muli %add3A, %mul3A_43 : i32
    %add3A_45 = arith.constant 81 : i32
    %add3A_46 = arith.addi %mul3A_44, %add3A_45 : i32
    %mul3A_47 = arith.constant 128 : i32
    %mul3A_48 = arith.muli %add3A_46, %mul3A_47 : i32
    %dma_wait3A_49 = arith.constant 0 : i32
    %dma_wait3A_50 = tpu.memref_slice %arg2[%mul3A_48, %dma_wait3A_49] : memref<335872x128xf32, #tpu.memory_space<hbm>> -> memref<128x128xf32, #tpu.memory_space<hbm>>
    %dma_wait3A_51 = arith.constant 0 : i32
    %dma_wait3A_52 = tpu.memref_slice %arg2[%mul3A_48, %dma_wait3A_51] : memref<335872x128xf32, #tpu.memory_space<hbm>> -> memref<128x128xf32, #tpu.memory_space<hbm>>
    tpu.wait_dma2 semaphore(%arg11 : memref<!tpu.dma_semaphore, #tpu.memory_space<semaphore_mem>>) src(%dma_wait3A_52 : memref<128x128xf32, #tpu.memory_space<hbm>>) dst(%arg8 : memref<128x128xf32, #tpu.memory_space<vmem>>)
    %dma_start3A_53 = arith.constant 81 : i32
    %dma_start3A_54 = arith.constant 0 : i32
    %dma_start3A_55 = tpu.memref_slice %arg6[%dma_start3A_53, %dma_start3A_54] : memref<82x128xi32, #tpu.memory_space<vmem>> -> memref<1x128xi32, #tpu.memory_space<vmem>>
    %dma_start3A_56 = tpu.memref_squeeze %dma_start3A_55 : memref<1x128xi32, #tpu.memory_space<vmem>> -> memref<128xi32, #tpu.memory_space<vmem>>
    %dma_start3A_57 = arith.constant 0 : i32
    %dma_start3A_58 = arith.constant 0 : i32
    %dma_start3A_59 = tpu.memref_slice %arg9[%dma_start3A_57, %dma_start3A_58] : memref<10112x128xf32, #tpu.memory_space<vmem_shared>> -> memref<10112x128xf32, #tpu.memory_space<vmem_shared>>
    tpu.enqueue_indirect_dma source(%arg8 : memref<128x128xf32, #tpu.memory_space<vmem>>) target(%dma_start3A_59 : memref<10112x128xf32, #tpu.memory_space<vmem_shared>>) offsets(%dma_start3A_56 : memref<128xi32, #tpu.memory_space<vmem>>) semaphore(%arg13 : memref<!tpu.dma_semaphore, #tpu.memory_space<semaphore_mem>>) {add = true}
    %dma_wait3A_60 = arith.constant 80 : i32
    %dma_wait3A_61 = arith.constant 0 : i32
    %dma_wait3A_62 = tpu.memref_slice %arg6[%dma_wait3A_60, %dma_wait3A_61] : memref<82x128xi32, #tpu.memory_space<vmem>> -> memref<1x128xi32, #tpu.memory_space<vmem>>
    %dma_wait3A_63 = tpu.memref_squeeze %dma_wait3A_62 : memref<1x128xi32, #tpu.memory_space<vmem>> -> memref<128xi32, #tpu.memory_space<vmem>>
    %dma_wait3A_64 = arith.constant 0 : i32
    %dma_wait3A_65 = arith.constant 0 : i32
    %dma_wait3A_66 = tpu.memref_slice %arg9[%dma_wait3A_64, %dma_wait3A_65] : memref<10112x128xf32, #tpu.memory_space<vmem_shared>> -> memref<10112x128xf32, #tpu.memory_space<vmem_shared>>
    tpu.wait_indirect_dma semaphore(%arg12 : memref<!tpu.dma_semaphore, #tpu.memory_space<semaphore_mem>>) src(%arg7 : memref<128x128xf32, #tpu.memory_space<vmem>>) dst(%dma_wait3A_66 : memref<10112x128xf32, #tpu.memory_space<vmem_shared>>)
    %dma_wait3A_67 = arith.constant 81 : i32
    %dma_wait3A_68 = arith.constant 0 : i32
    %dma_wait3A_69 = tpu.memref_slice %arg6[%dma_wait3A_67, %dma_wait3A_68] : memref<82x128xi32, #tpu.memory_space<vmem>> -> memref<1x128xi32, #tpu.memory_space<vmem>>
    %dma_wait3A_70 = tpu.memref_squeeze %dma_wait3A_69 : memref<1x128xi32, #tpu.memory_space<vmem>> -> memref<128xi32, #tpu.memory_space<vmem>>
    %dma_wait3A_71 = arith.constant 0 : i32
    %dma_wait3A_72 = arith.constant 0 : i32
    %dma_wait3A_73 = tpu.memref_slice %arg9[%dma_wait3A_71, %dma_wait3A_72] : memref<10112x128xf32, #tpu.memory_space<vmem_shared>> -> memref<10112x128xf32, #tpu.memory_space<vmem_shared>>
    tpu.wait_indirect_dma semaphore(%arg13 : memref<!tpu.dma_semaphore, #tpu.memory_space<semaphore_mem>>) src(%arg8 : memref<128x128xf32, #tpu.memory_space<vmem>>) dst(%dma_wait3A_73 : memref<10112x128xf32, #tpu.memory_space<vmem_shared>>)
    %barrier3A_74 = arith.constant 0 : index
    tpu.barrier barrier_id(%barrier3A_74)
    "tpu.region"() ({
      %run_scoped3A = tpu.sem_alloc : memref<!tpu.dma_semaphore, #tpu.memory_space<semaphore_mem>>
      %dma_start3A_75 = arith.constant 0 : i32
      %dma_start3A_76 = tpu.memref_slice %arg5[%arg0, %mul3A_2, %dma_start3A_75] : memref<2x10112x128xf32, #tpu.memory_space<hbm>> -> memref<1x632x128xf32, #tpu.memory_space<hbm>>
      %dma_start3A_77 = tpu.memref_squeeze %dma_start3A_76 : memref<1x632x128xf32, #tpu.memory_space<hbm>> -> memref<632x128xf32, #tpu.memory_space<hbm>>
      %dma_start3A_78 = arith.constant 0 : i32
      %dma_start3A_79 = tpu.memref_slice %arg9[%mul3A_2, %dma_start3A_78] : memref<10112x128xf32, #tpu.memory_space<vmem_shared>> -> memref<632x128xf32, #tpu.memory_space<vmem_shared>>
      tpu.enqueue_dma source(%dma_start3A_79 : memref<632x128xf32, #tpu.memory_space<vmem_shared>>) target(%dma_start3A_77 : memref<632x128xf32, #tpu.memory_space<hbm>>) target_semaphore(%run_scoped3A : memref<!tpu.dma_semaphore, #tpu.memory_space<semaphore_mem>>)
      %dma_wait3A_80 = arith.constant 0 : i32
      %dma_wait3A_81 = tpu.memref_slice %arg5[%arg0, %mul3A_2, %dma_wait3A_80] : memref<2x10112x128xf32, #tpu.memory_space<hbm>> -> memref<1x632x128xf32, #tpu.memory_space<hbm>>
      %dma_wait3A_82 = tpu.memref_squeeze %dma_wait3A_81 : memref<1x632x128xf32, #tpu.memory_space<hbm>> -> memref<632x128xf32, #tpu.memory_space<hbm>>
      %dma_wait3A_83 = arith.constant 0 : i32
      %dma_wait3A_84 = tpu.memref_slice %arg9[%mul3A_2, %dma_wait3A_83] : memref<10112x128xf32, #tpu.memory_space<vmem_shared>> -> memref<632x128xf32, #tpu.memory_space<vmem_shared>>
      tpu.wait_dma2 semaphore(%run_scoped3A : memref<!tpu.dma_semaphore, #tpu.memory_space<semaphore_mem>>) src(%dma_wait3A_84 : memref<632x128xf32, #tpu.memory_space<vmem_shared>>) dst(%dma_wait3A_82 : memref<632x128xf32, #tpu.memory_space<hbm>>)
      tpu.yield
    }) : () -> ()
    return
  }
}

module attributes {stable_mosaic.version = 14 : i64} {
  func.func @_proj_body(%arg0: i32, %arg1: memref<400x128xf32, #tpu.memory_space<vmem>>, %arg2: memref<128x128xf32, #tpu.memory_space<vmem>>, %arg3: memref<400x128xf32, #tpu.memory_space<vmem>>) attributes {dimension_semantics = [#tpu.dimension_semantics<arbitrary>], iteration_bounds = array<i64: 25>, scalar_prefetch = 0 : i64, scratch_operands = 0 : i64, tpu.core_type = #tpu.core_type<tc>, window_params = [{transform_indices = @transform_0, window_bounds = array<i64: 400, 128>}, {pipeline_mode = #tpu.pipeline_mode<synchronous>, transform_indices = @transform_1, window_bounds = array<i64: 128, 128>}, {transform_indices = @transform_2, window_bounds = array<i64: 400, 128>}]} {
    %get3A = arith.constant 0 : index
    %get3A_0 = arith.constant 0 : index
    %get3A_1 = vector.load %arg1[%get3A, %get3A_0] : memref<400x128xf32, #tpu.memory_space<vmem>>, vector<400x128xf32>
    %get3A_2 = arith.constant 0 : index
    %get3A_3 = arith.constant 0 : index
    %get3A_4 = vector.load %arg2[%get3A_2, %get3A_3] : memref<128x128xf32, #tpu.memory_space<vmem>>, vector<128x128xf32>
    %dot_general3A = arith.constant dense<0.000000e+00> : vector<400x128xf32>
    %dot_general3A_5 = tpu.matmul %get3A_1, %get3A_4, %dot_general3A {dimension_numbers = #tpu.dot_dimension_numbers<[1], [0], [0], [1], [0, 0, 1, 1], [], []>, transpose_lhs_hint = false} : vector<400x128xf32>, vector<128x128xf32>, vector<400x128xf32> -> vector<400x128xf32>
    %swap3A = arith.constant 0 : index
    %swap3A_6 = arith.constant 0 : index
    %swap3A_7 = vector.load %arg3[%swap3A, %swap3A_6] : memref<400x128xf32, #tpu.memory_space<vmem>>, vector<400x128xf32>
    tpu.vector_store %arg3[%swap3A, %swap3A_6], %dot_general3A_5 {strides = array<i32>} : memref<400x128xf32, #tpu.memory_space<vmem>>, vector<400x128xf32>,
    return
  }
  func.func @transform_0(%arg0: i32) -> (i32, i32) {
    %c0_i32 = arith.constant 0 : i32
    %c0_i32_0 = arith.constant 0 : i32
    return %arg0, %c0_i32 : i32, i32
  }
  func.func @transform_1(%arg0: i32) -> (i32, i32) {
    %c0_i32 = arith.constant 0 : i32
    %c0_i32_0 = arith.constant 0 : i32
    %c0_i32_1 = arith.constant 0 : i32
    return %c0_i32, %c0_i32_0 : i32, i32
  }
  func.func @transform_2(%arg0: i32) -> (i32, i32) {
    %c0_i32 = arith.constant 0 : i32
    %c0_i32_0 = arith.constant 0 : i32
    return %arg0, %c0_i32 : i32, i32
  }
}

module attributes {stable_mosaic.version = 14 : i64} {
  func.func @_edge1_body(%arg0: i32, %arg1: memref<1024x128xf32, #tpu.memory_space<vmem>>, %arg2: memref<1024x128xf32, #tpu.memory_space<vmem>>, %arg3: memref<1x8xf32, #tpu.memory_space<vmem>>, %arg4: memref<64x8xf32, #tpu.memory_space<vmem>>, %arg5: memref<8x64xf32, #tpu.memory_space<vmem>>, %arg6: memref<1024x128xf32, #tpu.memory_space<vmem>>) attributes {dimension_semantics = [#tpu.dimension_semantics<arbitrary>], iteration_bounds = array<i64: 328>, scalar_prefetch = 0 : i64, scratch_operands = 0 : i64, tpu.core_type = #tpu.core_type<tc>, window_params = [{transform_indices = @transform_0, window_bounds = array<i64: 1024, 128>}, {transform_indices = @transform_1, window_bounds = array<i64: 1024, 128>}, {pipeline_mode = #tpu.pipeline_mode<synchronous>, transform_indices = @transform_2, window_bounds = array<i64: 1, 8>}, {pipeline_mode = #tpu.pipeline_mode<synchronous>, transform_indices = @transform_3, window_bounds = array<i64: 64, 8>}, {pipeline_mode = #tpu.pipeline_mode<synchronous>, transform_indices = @transform_4, window_bounds = array<i64: 8, 64>}, {transform_indices = @transform_5, window_bounds = array<i64: 1024, 128>}]} {
    %get3A = arith.constant 0 : index
    %get3A_0 = arith.constant 0 : index
    %get3A_1 = vector.load %arg1[%get3A, %get3A_0] : memref<1024x128xf32, #tpu.memory_space<vmem>>, vector<1024x128xf32>
    %get3A_2 = arith.constant 0 : index
    %get3A_3 = arith.constant 0 : index
    %get3A_4 = vector.load %arg2[%get3A_2, %get3A_3] : memref<1024x128xf32, #tpu.memory_space<vmem>>, vector<1024x128xf32>
    %slice3A = vector.extract_strided_slice %get3A_1 {offsets = [0, 0], sizes = [1024, 64], strides = [1, 1]} : vector<1024x128xf32> to vector<1024x64xf32>
    %slice3A_5 = vector.extract_strided_slice %get3A_4 {offsets = [0, 0], sizes = [1024, 64], strides = [1, 1]} : vector<1024x128xf32> to vector<1024x64xf32>
    %mul3A = arith.mulf %slice3A, %slice3A_5 : vector<1024x64xf32>
    %get3A_6 = arith.constant 0 : index
    %get3A_7 = arith.constant 0 : index
    %get3A_8 = vector.load %arg4[%get3A_6, %get3A_7] : memref<64x8xf32, #tpu.memory_space<vmem>>, vector<64x8xf32>
    %dot_general3A = arith.constant dense<0.000000e+00> : vector<1024x8xf32>
    %dot_general3A_9 = tpu.matmul %mul3A, %get3A_8, %dot_general3A {dimension_numbers = #tpu.dot_dimension_numbers<[1], [0], [0], [1], [0, 0, 1, 1], [], []>, transpose_lhs_hint = false} : vector<1024x64xf32>, vector<64x8xf32>, vector<1024x8xf32> -> vector<1024x8xf32>
    %slice3A_10 = vector.extract_strided_slice %get3A_1 {offsets = [0, 64], sizes = [1024, 8], strides = [1, 1]} : vector<1024x128xf32> to vector<1024x8xf32>
    %slice3A_11 = vector.extract_strided_slice %get3A_4 {offsets = [0, 72], sizes = [1024, 8], strides = [1, 1]} : vector<1024x128xf32> to vector<1024x8xf32>
    %add3A = arith.addf %slice3A_10, %slice3A_11 : vector<1024x8xf32>
    %neg3A = arith.constant 0.000000e+00 : f32
    %neg3A_12 = vector.broadcast %neg3A : f32 to vector<1024x8xf32>
    %neg3A_13 = arith.subf %neg3A_12, %dot_general3A_9 : vector<1024x8xf32>
    %exp3A = math.exp %neg3A_13 : vector<1024x8xf32>
    %add3A_14 = arith.constant 1.000000e+00 : f32
    %add3A_15 = vector.broadcast %add3A_14 : f32 to vector<1024x8xf32>
    %add3A_16 = arith.addf %add3A_15, %exp3A : vector<1024x8xf32>
    %div3A = arith.constant 1.000000e+00 : f32
    %div3A_17 = vector.broadcast %div3A : f32 to vector<1024x8xf32>
    %div3A_18 = arith.divf %div3A_17, %add3A_16 : vector<1024x8xf32>
    %mul3A_19 = arith.mulf %add3A, %div3A_18 : vector<1024x8xf32>
    %ge3A = arith.constant 0.000000e+00 : f32
    %ge3A_20 = vector.broadcast %ge3A : f32 to vector<1024x8xf32>
    %ge3A_21 = arith.cmpf oge, %mul3A_19, %ge3A_20 : vector<1024x8xf32>
    %mul3A_22 = arith.constant 2.000000e-01 : f32
    %mul3A_23 = vector.broadcast %mul3A_22 : f32 to vector<1024x8xf32>
    %mul3A_24 = arith.mulf %mul3A_23, %mul3A_19 : vector<1024x8xf32>
    %select_n3A = arith.select %ge3A_21, %mul3A_19, %mul3A_24 : vector<1024x8xi1>, vector<1024x8xf32>
    %get3A_25 = arith.constant 0 : index
    %get3A_26 = arith.constant 0 : index
    %get3A_27 = vector.load %arg3[%get3A_25, %get3A_26] : memref<1x8xf32, #tpu.memory_space<vmem>>, vector<1x8xf32>
    %sub3A = vector.broadcast %get3A_27 : vector<1x8xf32> to vector<1024x8xf32>
    %sub3A_28 = arith.subf %select_n3A, %sub3A : vector<1024x8xf32>
    %exp3A_29 = math.exp %sub3A_28 : vector<1024x8xf32>
    %get3A_30 = arith.constant 0 : index
    %get3A_31 = arith.constant 0 : index
    %get3A_32 = vector.load %arg5[%get3A_30, %get3A_31] : memref<8x64xf32, #tpu.memory_space<vmem>>, vector<8x64xf32>
    %dot_general3A_33 = arith.constant dense<0.000000e+00> : vector<1024x64xf32>
    %dot_general3A_34 = tpu.matmul %exp3A_29, %get3A_32, %dot_general3A_33 {dimension_numbers = #tpu.dot_dimension_numbers<[1], [0], [0], [1], [0, 0, 1, 1], [], []>, transpose_lhs_hint = false} : vector<1024x8xf32>, vector<8x64xf32>, vector<1024x64xf32> -> vector<1024x64xf32>
    %mul3A_35 = arith.mulf %slice3A, %dot_general3A_34 : vector<1024x64xf32>
    %broadcast_in_dim3A = arith.constant 0.000000e+00 : f32
    %broadcast_in_dim3A_36 = vector.broadcast %broadcast_in_dim3A : f32 to vector<1024x56xf32>
    %concatenate3A = tpu.concatenate %mul3A_35, %exp3A_29, %broadcast_in_dim3A_36 in 1 : vector<1024x64xf32>, vector<1024x8xf32>, vector<1024x56xf32> -> vector<1024x128xf32>
    %swap3A = arith.constant 0 : index
    %swap3A_37 = arith.constant 0 : index
    %swap3A_38 = vector.load %arg6[%swap3A, %swap3A_37] : memref<1024x128xf32, #tpu.memory_space<vmem>>, vector<1024x128xf32>
    tpu.vector_store %arg6[%swap3A, %swap3A_37], %concatenate3A {strides = array<i32>} : memref<1024x128xf32, #tpu.memory_space<vmem>>, vector<1024x128xf32>,
    return
  }
  func.func @transform_0(%arg0: i32) -> (i32, i32) {
    %c0_i32 = arith.constant 0 : i32
    %c0_i32_0 = arith.constant 0 : i32
    return %arg0, %c0_i32 : i32, i32
  }
  func.func @transform_1(%arg0: i32) -> (i32, i32) {
    %c0_i32 = arith.constant 0 : i32
    %c0_i32_0 = arith.constant 0 : i32
    return %arg0, %c0_i32 : i32, i32
  }
  func.func @transform_2(%arg0: i32) -> (i32, i32) {
    %c0_i32 = arith.constant 0 : i32
    %c0_i32_0 = arith.constant 0 : i32
    %c0_i32_1 = arith.constant 0 : i32
    return %c0_i32, %c0_i32_0 : i32, i32
  }
  func.func @transform_3(%arg0: i32) -> (i32, i32) {
    %c0_i32 = arith.constant 0 : i32
    %c0_i32_0 = arith.constant 0 : i32
    %c0_i32_1 = arith.constant 0 : i32
    return %c0_i32, %c0_i32_0 : i32, i32
  }
  func.func @transform_4(%arg0: i32) -> (i32, i32) {
    %c0_i32 = arith.constant 0 : i32
    %c0_i32_0 = arith.constant 0 : i32
    %c0_i32_1 = arith.constant 0 : i32
    return %c0_i32, %c0_i32_0 : i32, i32
  }
  func.func @transform_5(%arg0: i32) -> (i32, i32) {
    %c0_i32 = arith.constant 0 : i32
    %c0_i32_0 = arith.constant 0 : i32
    return %arg0, %c0_i32 : i32, i32
  }
}

module attributes {stable_mosaic.version = 14 : i64} {
  func.func @_mid_body(%arg0: i32, %arg1: memref<2x400x128xf32, #tpu.memory_space<vmem>>, %arg2: memref<1x64xf32, #tpu.memory_space<vmem>>, %arg3: memref<8x64xf32, #tpu.memory_space<vmem>>, %arg4: memref<64x144xf32, #tpu.memory_space<vmem>>, %arg5: memref<400x128xf32, #tpu.memory_space<vmem>>, %arg6: memref<400x16xf32, #tpu.memory_space<vmem>>) attributes {dimension_semantics = [#tpu.dimension_semantics<arbitrary>], iteration_bounds = array<i64: 25>, scalar_prefetch = 0 : i64, scratch_operands = 0 : i64, tpu.core_type = #tpu.core_type<tc>, window_params = [{transform_indices = @transform_0, window_bounds = array<i64: 2, 400, 128>}, {pipeline_mode = #tpu.pipeline_mode<synchronous>, transform_indices = @transform_1, window_bounds = array<i64: 1, 64>}, {pipeline_mode = #tpu.pipeline_mode<synchronous>, transform_indices = @transform_2, window_bounds = array<i64: 8, 64>}, {pipeline_mode = #tpu.pipeline_mode<synchronous>, transform_indices = @transform_3, window_bounds = array<i64: 64, 144>}, {transform_indices = @transform_4, window_bounds = array<i64: 400, 128>}, {transform_indices = @transform_5, window_bounds = array<i64: 400, 16>}]} {
    %get3A = arith.constant 0 : index
    %get3A_0 = arith.constant 0 : index
    %get3A_1 = arith.constant 0 : index
    %get3A_2 = vector.load %arg1[%get3A, %get3A_0, %get3A_1] : memref<2x400x128xf32, #tpu.memory_space<vmem>>, vector<2x400x128xf32>
    %reduce_sum3A = arith.constant dense<0.000000e+00> : vector<400x128xf32>
    %reduce_sum3A_3 = vector.multi_reduction <add>, %get3A_2, %reduce_sum3A [0] : vector<2x400x128xf32> to vector<400x128xf32>
    %slice3A = vector.extract_strided_slice %reduce_sum3A_3 {offsets = [0, 0], sizes = [400, 64], strides = [1, 1]} : vector<400x128xf32> to vector<400x64xf32>
    %slice3A_4 = vector.extract_strided_slice %reduce_sum3A_3 {offsets = [0, 64], sizes = [400, 8], strides = [1, 1]} : vector<400x128xf32> to vector<400x8xf32>
    %get3A_5 = arith.constant 0 : index
    %get3A_6 = arith.constant 0 : index
    %get3A_7 = vector.load %arg3[%get3A_5, %get3A_6] : memref<8x64xf32, #tpu.memory_space<vmem>>, vector<8x64xf32>
    %dot_general3A = arith.constant dense<0.000000e+00> : vector<400x64xf32>
    %dot_general3A_8 = tpu.matmul %slice3A_4, %get3A_7, %dot_general3A {dimension_numbers = #tpu.dot_dimension_numbers<[1], [0], [0], [1], [0, 0, 1, 1], [], []>, transpose_lhs_hint = false} : vector<400x8xf32>, vector<8x64xf32>, vector<400x64xf32> -> vector<400x64xf32>
    %add3A = arith.constant 1.000000e-16 : f32
    %add3A_9 = vector.broadcast %add3A : f32 to vector<400x64xf32>
    %add3A_10 = arith.addf %dot_general3A_8, %add3A_9 : vector<400x64xf32>
    %div3A = arith.divf %slice3A, %add3A_10 : vector<400x64xf32>
    %get3A_11 = arith.constant 0 : index
    %get3A_12 = arith.constant 0 : index
    %get3A_13 = vector.load %arg2[%get3A_11, %get3A_12] : memref<1x64xf32, #tpu.memory_space<vmem>>, vector<1x64xf32>
    %add3A_14 = vector.broadcast %get3A_13 : vector<1x64xf32> to vector<400x64xf32>
    %add3A_15 = arith.addf %div3A, %add3A_14 : vector<400x64xf32>
    %gt3A = arith.constant 0.000000e+00 : f32
    %gt3A_16 = vector.broadcast %gt3A : f32 to vector<400x64xf32>
    %gt3A_17 = arith.cmpf ogt, %add3A_15, %gt3A_16 : vector<400x64xf32>
    %exp3A = math.exp %add3A_15 : vector<400x64xf32>
    %sub3A = arith.constant 1.000000e+00 : f32
    %sub3A_18 = vector.broadcast %sub3A : f32 to vector<400x64xf32>
    %sub3A_19 = arith.subf %exp3A, %sub3A_18 : vector<400x64xf32>
    %select_n3A = arith.select %gt3A_17, %add3A_15, %sub3A_19 : vector<400x64xi1>, vector<400x64xf32>
    %get3A_20 = arith.constant 0 : index
    %get3A_21 = arith.constant 0 : index
    %get3A_22 = vector.load %arg4[%get3A_20, %get3A_21] : memref<64x144xf32, #tpu.memory_space<vmem>>, vector<64x144xf32>
    %dot_general3A_23 = arith.constant dense<0.000000e+00> : vector<400x144xf32>
    %dot_general3A_24 = tpu.matmul %select_n3A, %get3A_22, %dot_general3A_23 {dimension_numbers = #tpu.dot_dimension_numbers<[1], [0], [0], [1], [0, 0, 1, 1], [], []>, transpose_lhs_hint = false} : vector<400x64xf32>, vector<64x144xf32>, vector<400x144xf32> -> vector<400x144xf32>
    %slice3A_25 = vector.extract_strided_slice %dot_general3A_24 {offsets = [0, 0], sizes = [400, 128], strides = [1, 1]} : vector<400x144xf32> to vector<400x128xf32>
    %swap3A = arith.constant 0 : index
    %swap3A_26 = arith.constant 0 : index
    %swap3A_27 = vector.load %arg5[%swap3A, %swap3A_26] : memref<400x128xf32, #tpu.memory_space<vmem>>, vector<400x128xf32>
    tpu.vector_store %arg5[%swap3A, %swap3A_26], %slice3A_25 {strides = array<i32>} : memref<400x128xf32, #tpu.memory_space<vmem>>, vector<400x128xf32>,
    %slice3A_28 = vector.extract_strided_slice %dot_general3A_24 {offsets = [0, 128], sizes = [400, 16], strides = [1, 1]} : vector<400x144xf32> to vector<400x16xf32>
    %swap3A_29 = arith.constant 0 : index
    %swap3A_30 = arith.constant 0 : index
    %swap3A_31 = vector.load %arg6[%swap3A_29, %swap3A_30] : memref<400x16xf32, #tpu.memory_space<vmem>>, vector<400x16xf32>
    tpu.vector_store %arg6[%swap3A_29, %swap3A_30], %slice3A_28 {strides = array<i32>} : memref<400x16xf32, #tpu.memory_space<vmem>>, vector<400x16xf32>,
    return
  }
  func.func @transform_0(%arg0: i32) -> (i32, i32, i32) {
    %c0_i32 = arith.constant 0 : i32
    %c0_i32_0 = arith.constant 0 : i32
    %c0_i32_1 = arith.constant 0 : i32
    return %c0_i32, %arg0, %c0_i32_0 : i32, i32, i32
  }
  func.func @transform_1(%arg0: i32) -> (i32, i32) {
    %c0_i32 = arith.constant 0 : i32
    %c0_i32_0 = arith.constant 0 : i32
    %c0_i32_1 = arith.constant 0 : i32
    return %c0_i32, %c0_i32_0 : i32, i32
  }
  func.func @transform_2(%arg0: i32) -> (i32, i32) {
    %c0_i32 = arith.constant 0 : i32
    %c0_i32_0 = arith.constant 0 : i32
    %c0_i32_1 = arith.constant 0 : i32
    return %c0_i32, %c0_i32_0 : i32, i32
  }
  func.func @transform_3(%arg0: i32) -> (i32, i32) {
    %c0_i32 = arith.constant 0 : i32
    %c0_i32_0 = arith.constant 0 : i32
    %c0_i32_1 = arith.constant 0 : i32
    return %c0_i32, %c0_i32_0 : i32, i32
  }
  func.func @transform_4(%arg0: i32) -> (i32, i32) {
    %c0_i32 = arith.constant 0 : i32
    %c0_i32_0 = arith.constant 0 : i32
    return %arg0, %c0_i32 : i32, i32
  }
  func.func @transform_5(%arg0: i32) -> (i32, i32) {
    %c0_i32 = arith.constant 0 : i32
    %c0_i32_0 = arith.constant 0 : i32
    return %arg0, %c0_i32 : i32, i32
  }
}

module attributes {stable_mosaic.version = 14 : i64} {
  func.func @_edge2_body(%arg0: i32, %arg1: memref<1024x128xf32, #tpu.memory_space<vmem>>, %arg2: memref<1024x128xf32, #tpu.memory_space<vmem>>, %arg3: memref<1x8xf32, #tpu.memory_space<vmem>>, %arg4: memref<128x8xf32, #tpu.memory_space<vmem>>, %arg5: memref<128x8xf32, #tpu.memory_space<vmem>>, %arg6: memref<128x8xf32, #tpu.memory_space<vmem>>, %arg7: memref<4x64xf32, #tpu.memory_space<vmem>>, %arg8: memref<1024x128xf32, #tpu.memory_space<vmem>>, %arg9: memref<1024x128xf32, #tpu.memory_space<vmem>>) attributes {dimension_semantics = [#tpu.dimension_semantics<arbitrary>], iteration_bounds = array<i64: 328>, scalar_prefetch = 0 : i64, scratch_operands = 0 : i64, tpu.core_type = #tpu.core_type<tc>, window_params = [{transform_indices = @transform_0, window_bounds = array<i64: 1024, 128>}, {transform_indices = @transform_1, window_bounds = array<i64: 1024, 128>}, {pipeline_mode = #tpu.pipeline_mode<synchronous>, transform_indices = @transform_2, window_bounds = array<i64: 1, 8>}, {pipeline_mode = #tpu.pipeline_mode<synchronous>, transform_indices = @transform_3, window_bounds = array<i64: 128, 8>}, {pipeline_mode = #tpu.pipeline_mode<synchronous>, transform_indices = @transform_4, window_bounds = array<i64: 128, 8>}, {pipeline_mode = #tpu.pipeline_mode<synchronous>, transform_indices = @transform_5, window_bounds = array<i64: 128, 8>}, {pipeline_mode = #tpu.pipeline_mode<synchronous>, transform_indices = @transform_6, window_bounds = array<i64: 4, 64>}, {transform_indices = @transform_7, window_bounds = array<i64: 1024, 128>}, {transform_indices = @transform_8, window_bounds = array<i64: 1024, 128>}]} {
    %get3A = arith.constant 0 : index
    %get3A_0 = arith.constant 0 : index
    %get3A_1 = vector.load %arg1[%get3A, %get3A_0] : memref<1024x128xf32, #tpu.memory_space<vmem>>, vector<1024x128xf32>
    %get3A_2 = arith.constant 0 : index
    %get3A_3 = arith.constant 0 : index
    %get3A_4 = vector.load %arg2[%get3A_2, %get3A_3] : memref<1024x128xf32, #tpu.memory_space<vmem>>, vector<1024x128xf32>
    %mul3A = arith.mulf %get3A_1, %get3A_4 : vector<1024x128xf32>
    %get3A_5 = arith.constant 0 : index
    %get3A_6 = arith.constant 0 : index
    %get3A_7 = vector.load %arg4[%get3A_5, %get3A_6] : memref<128x8xf32, #tpu.memory_space<vmem>>, vector<128x8xf32>
    %dot_general3A = arith.constant dense<0.000000e+00> : vector<1024x8xf32>
    %dot_general3A_8 = tpu.matmul %mul3A, %get3A_7, %dot_general3A {dimension_numbers = #tpu.dot_dimension_numbers<[1], [0], [0], [1], [0, 0, 1, 1], [], []>, transpose_lhs_hint = false} : vector<1024x128xf32>, vector<128x8xf32>, vector<1024x8xf32> -> vector<1024x8xf32>
    %get3A_9 = arith.constant 0 : index
    %get3A_10 = arith.constant 0 : index
    %get3A_11 = vector.load %arg5[%get3A_9, %get3A_10] : memref<128x8xf32, #tpu.memory_space<vmem>>, vector<128x8xf32>
    %dot_general3A_12 = arith.constant dense<0.000000e+00> : vector<1024x8xf32>
    %dot_general3A_13 = tpu.matmul %get3A_1, %get3A_11, %dot_general3A_12 {dimension_numbers = #tpu.dot_dimension_numbers<[1], [0], [0], [1], [0, 0, 1, 1], [], []>, transpose_lhs_hint = false} : vector<1024x128xf32>, vector<128x8xf32>, vector<1024x8xf32> -> vector<1024x8xf32>
    %get3A_14 = arith.constant 0 : index
    %get3A_15 = arith.constant 0 : index
    %get3A_16 = vector.load %arg6[%get3A_14, %get3A_15] : memref<128x8xf32, #tpu.memory_space<vmem>>, vector<128x8xf32>
    %dot_general3A_17 = arith.constant dense<0.000000e+00> : vector<1024x8xf32>
    %dot_general3A_18 = tpu.matmul %get3A_4, %get3A_16, %dot_general3A_17 {dimension_numbers = #tpu.dot_dimension_numbers<[1], [0], [0], [1], [0, 0, 1, 1], [], []>, transpose_lhs_hint = false} : vector<1024x128xf32>, vector<128x8xf32>, vector<1024x8xf32> -> vector<1024x8xf32>
    %add3A = arith.addf %dot_general3A_13, %dot_general3A_18 : vector<1024x8xf32>
    %neg3A = arith.constant 0.000000e+00 : f32
    %neg3A_19 = vector.broadcast %neg3A : f32 to vector<1024x8xf32>
    %neg3A_20 = arith.subf %neg3A_19, %dot_general3A_8 : vector<1024x8xf32>
    %exp3A = math.exp %neg3A_20 : vector<1024x8xf32>
    %add3A_21 = arith.constant 1.000000e+00 : f32
    %add3A_22 = vector.broadcast %add3A_21 : f32 to vector<1024x8xf32>
    %add3A_23 = arith.addf %add3A_22, %exp3A : vector<1024x8xf32>
    %div3A = arith.constant 1.000000e+00 : f32
    %div3A_24 = vector.broadcast %div3A : f32 to vector<1024x8xf32>
    %div3A_25 = arith.divf %div3A_24, %add3A_23 : vector<1024x8xf32>
    %mul3A_26 = arith.mulf %add3A, %div3A_25 : vector<1024x8xf32>
    %ge3A = arith.constant 0.000000e+00 : f32
    %ge3A_27 = vector.broadcast %ge3A : f32 to vector<1024x8xf32>
    %ge3A_28 = arith.cmpf oge, %mul3A_26, %ge3A_27 : vector<1024x8xf32>
    %mul3A_29 = arith.constant 2.000000e-01 : f32
    %mul3A_30 = vector.broadcast %mul3A_29 : f32 to vector<1024x8xf32>
    %mul3A_31 = arith.mulf %mul3A_30, %mul3A_26 : vector<1024x8xf32>
    %select_n3A = arith.select %ge3A_28, %mul3A_26, %mul3A_31 : vector<1024x8xi1>, vector<1024x8xf32>
    %get3A_32 = arith.constant 0 : index
    %get3A_33 = arith.constant 0 : index
    %get3A_34 = vector.load %arg3[%get3A_32, %get3A_33] : memref<1x8xf32, #tpu.memory_space<vmem>>, vector<1x8xf32>
    %sub3A = vector.broadcast %get3A_34 : vector<1x8xf32> to vector<1024x8xf32>
    %sub3A_35 = arith.subf %select_n3A, %sub3A : vector<1024x8xf32>
    %exp3A_36 = math.exp %sub3A_35 : vector<1024x8xf32>
    %broadcast_in_dim3A = arith.constant 0.000000e+00 : f32
    %broadcast_in_dim3A_37 = vector.broadcast %broadcast_in_dim3A : f32 to vector<1024x60xf32>
    %slice3A = vector.extract_strided_slice %exp3A_36 {offsets = [0, 0], sizes = [1024, 4], strides = [1, 1]} : vector<1024x8xf32> to vector<1024x4xf32>
    %slice3A_38 = vector.extract_strided_slice %exp3A_36 {offsets = [0, 4], sizes = [1024, 4], strides = [1, 1]} : vector<1024x8xf32> to vector<1024x4xf32>
    %get3A_39 = arith.constant 0 : index
    %get3A_40 = arith.constant 0 : index
    %get3A_41 = vector.load %arg7[%get3A_39, %get3A_40] : memref<4x64xf32, #tpu.memory_space<vmem>>, vector<4x64xf32>
    %slice3A_42 = vector.extract_strided_slice %get3A_1 {offsets = [0, 0], sizes = [1024, 64], strides = [1, 1]} : vector<1024x128xf32> to vector<1024x64xf32>
    %dot_general3A_43 = arith.constant dense<0.000000e+00> : vector<1024x64xf32>
    %dot_general3A_44 = tpu.matmul %slice3A, %get3A_41, %dot_general3A_43 {dimension_numbers = #tpu.dot_dimension_numbers<[1], [0], [0], [1], [0, 0, 1, 1], [], []>, transpose_lhs_hint = false} : vector<1024x4xf32>, vector<4x64xf32>, vector<1024x64xf32> -> vector<1024x64xf32>
    %mul3A_45 = arith.mulf %slice3A_42, %dot_general3A_44 : vector<1024x64xf32>
    %concatenate3A = tpu.concatenate %mul3A_45, %slice3A, %broadcast_in_dim3A_37 in 1 : vector<1024x64xf32>, vector<1024x4xf32>, vector<1024x60xf32> -> vector<1024x128xf32>
    %swap3A = arith.constant 0 : index
    %swap3A_46 = arith.constant 0 : index
    %swap3A_47 = vector.load %arg8[%swap3A, %swap3A_46] : memref<1024x128xf32, #tpu.memory_space<vmem>>, vector<1024x128xf32>
    tpu.vector_store %arg8[%swap3A, %swap3A_46], %concatenate3A {strides = array<i32>} : memref<1024x128xf32, #tpu.memory_space<vmem>>, vector<1024x128xf32>,
    %slice3A_48 = vector.extract_strided_slice %get3A_1 {offsets = [0, 64], sizes = [1024, 64], strides = [1, 1]} : vector<1024x128xf32> to vector<1024x64xf32>
    %dot_general3A_49 = arith.constant dense<0.000000e+00> : vector<1024x64xf32>
    %dot_general3A_50 = tpu.matmul %slice3A_38, %get3A_41, %dot_general3A_49 {dimension_numbers = #tpu.dot_dimension_numbers<[1], [0], [0], [1], [0, 0, 1, 1], [], []>, transpose_lhs_hint = false} : vector<1024x4xf32>, vector<4x64xf32>, vector<1024x64xf32> -> vector<1024x64xf32>
    %mul3A_51 = arith.mulf %slice3A_48, %dot_general3A_50 : vector<1024x64xf32>
    %concatenate3A_52 = tpu.concatenate %mul3A_51, %slice3A_38, %broadcast_in_dim3A_37 in 1 : vector<1024x64xf32>, vector<1024x4xf32>, vector<1024x60xf32> -> vector<1024x128xf32>
    %swap3A_53 = arith.constant 0 : index
    %swap3A_54 = arith.constant 0 : index
    %swap3A_55 = vector.load %arg9[%swap3A_53, %swap3A_54] : memref<1024x128xf32, #tpu.memory_space<vmem>>, vector<1024x128xf32>
    tpu.vector_store %arg9[%swap3A_53, %swap3A_54], %concatenate3A_52 {strides = array<i32>} : memref<1024x128xf32, #tpu.memory_space<vmem>>, vector<1024x128xf32>,
    return
  }
  func.func @transform_0(%arg0: i32) -> (i32, i32) {
    %c0_i32 = arith.constant 0 : i32
    %c0_i32_0 = arith.constant 0 : i32
    return %arg0, %c0_i32 : i32, i32
  }
  func.func @transform_1(%arg0: i32) -> (i32, i32) {
    %c0_i32 = arith.constant 0 : i32
    %c0_i32_0 = arith.constant 0 : i32
    return %arg0, %c0_i32 : i32, i32
  }
  func.func @transform_2(%arg0: i32) -> (i32, i32) {
    %c0_i32 = arith.constant 0 : i32
    %c0_i32_0 = arith.constant 0 : i32
    %c0_i32_1 = arith.constant 0 : i32
    return %c0_i32, %c0_i32_0 : i32, i32
  }
  func.func @transform_3(%arg0: i32) -> (i32, i32) {
    %c0_i32 = arith.constant 0 : i32
    %c0_i32_0 = arith.constant 0 : i32
    %c0_i32_1 = arith.constant 0 : i32
    return %c0_i32, %c0_i32_0 : i32, i32
  }
  func.func @transform_4(%arg0: i32) -> (i32, i32) {
    %c0_i32 = arith.constant 0 : i32
    %c0_i32_0 = arith.constant 0 : i32
    %c0_i32_1 = arith.constant 0 : i32
    return %c0_i32, %c0_i32_0 : i32, i32
  }
  func.func @transform_5(%arg0: i32) -> (i32, i32) {
    %c0_i32 = arith.constant 0 : i32
    %c0_i32_0 = arith.constant 0 : i32
    %c0_i32_1 = arith.constant 0 : i32
    return %c0_i32, %c0_i32_0 : i32, i32
  }
  func.func @transform_6(%arg0: i32) -> (i32, i32) {
    %c0_i32 = arith.constant 0 : i32
    %c0_i32_0 = arith.constant 0 : i32
    %c0_i32_1 = arith.constant 0 : i32
    return %c0_i32, %c0_i32_0 : i32, i32
  }
  func.func @transform_7(%arg0: i32) -> (i32, i32) {
    %c0_i32 = arith.constant 0 : i32
    %c0_i32_0 = arith.constant 0 : i32
    return %arg0, %c0_i32 : i32, i32
  }
  func.func @transform_8(%arg0: i32) -> (i32, i32) {
    %c0_i32 = arith.constant 0 : i32
    %c0_i32_0 = arith.constant 0 : i32
    return %arg0, %c0_i32 : i32, i32
  }
}

module attributes {stable_mosaic.version = 14 : i64} {
  func.func @_post_body(%arg0: i32, %arg1: memref<2x400x128xf32, #tpu.memory_space<vmem>>, %arg2: memref<2x400x128xf32, #tpu.memory_space<vmem>>, %arg3: memref<1x16xf32, #tpu.memory_space<vmem>>, %arg4: memref<4x64xf32, #tpu.memory_space<vmem>>, %arg5: memref<64x16xf32, #tpu.memory_space<vmem>>, %arg6: memref<400x16xf32, #tpu.memory_space<vmem>>) attributes {dimension_semantics = [#tpu.dimension_semantics<arbitrary>], iteration_bounds = array<i64: 25>, scalar_prefetch = 0 : i64, scratch_operands = 0 : i64, tpu.core_type = #tpu.core_type<tc>, window_params = [{transform_indices = @transform_0, window_bounds = array<i64: 2, 400, 128>}, {transform_indices = @transform_1, window_bounds = array<i64: 2, 400, 128>}, {pipeline_mode = #tpu.pipeline_mode<synchronous>, transform_indices = @transform_2, window_bounds = array<i64: 1, 16>}, {pipeline_mode = #tpu.pipeline_mode<synchronous>, transform_indices = @transform_3, window_bounds = array<i64: 4, 64>}, {pipeline_mode = #tpu.pipeline_mode<synchronous>, transform_indices = @transform_4, window_bounds = array<i64: 64, 16>}, {transform_indices = @transform_5, window_bounds = array<i64: 400, 16>}]} {
    %get3A = arith.constant 0 : index
    %get3A_0 = arith.constant 0 : index
    %get3A_1 = arith.constant 0 : index
    %get3A_2 = vector.load %arg1[%get3A, %get3A_0, %get3A_1] : memref<2x400x128xf32, #tpu.memory_space<vmem>>, vector<2x400x128xf32>
    %reduce_sum3A = arith.constant dense<0.000000e+00> : vector<400x128xf32>
    %reduce_sum3A_3 = vector.multi_reduction <add>, %get3A_2, %reduce_sum3A [0] : vector<2x400x128xf32> to vector<400x128xf32>
    %get3A_4 = arith.constant 0 : index
    %get3A_5 = arith.constant 0 : index
    %get3A_6 = arith.constant 0 : index
    %get3A_7 = vector.load %arg2[%get3A_4, %get3A_5, %get3A_6] : memref<2x400x128xf32, #tpu.memory_space<vmem>>, vector<2x400x128xf32>
    %reduce_sum3A_8 = arith.constant dense<0.000000e+00> : vector<400x128xf32>
    %reduce_sum3A_9 = vector.multi_reduction <add>, %get3A_7, %reduce_sum3A_8 [0] : vector<2x400x128xf32> to vector<400x128xf32>
    %slice3A = vector.extract_strided_slice %reduce_sum3A_3 {offsets = [0, 0], sizes = [400, 64], strides = [1, 1]} : vector<400x128xf32> to vector<400x64xf32>
    %slice3A_10 = vector.extract_strided_slice %reduce_sum3A_3 {offsets = [0, 64], sizes = [400, 4], strides = [1, 1]} : vector<400x128xf32> to vector<400x4xf32>
    %slice3A_11 = vector.extract_strided_slice %reduce_sum3A_9 {offsets = [0, 0], sizes = [400, 64], strides = [1, 1]} : vector<400x128xf32> to vector<400x64xf32>
    %slice3A_12 = vector.extract_strided_slice %reduce_sum3A_9 {offsets = [0, 64], sizes = [400, 4], strides = [1, 1]} : vector<400x128xf32> to vector<400x4xf32>
    %get3A_13 = arith.constant 0 : index
    %get3A_14 = arith.constant 0 : index
    %get3A_15 = vector.load %arg4[%get3A_13, %get3A_14] : memref<4x64xf32, #tpu.memory_space<vmem>>, vector<4x64xf32>
    %dot_general3A = arith.constant dense<0.000000e+00> : vector<400x64xf32>
    %dot_general3A_16 = tpu.matmul %slice3A_10, %get3A_15, %dot_general3A {dimension_numbers = #tpu.dot_dimension_numbers<[1], [0], [0], [1], [0, 0, 1, 1], [], []>, transpose_lhs_hint = false} : vector<400x4xf32>, vector<4x64xf32>, vector<400x64xf32> -> vector<400x64xf32>
    %add3A = arith.constant 1.000000e-16 : f32
    %add3A_17 = vector.broadcast %add3A : f32 to vector<400x64xf32>
    %add3A_18 = arith.addf %dot_general3A_16, %add3A_17 : vector<400x64xf32>
    %div3A = arith.divf %slice3A, %add3A_18 : vector<400x64xf32>
    %dot_general3A_19 = arith.constant dense<0.000000e+00> : vector<400x64xf32>
    %dot_general3A_20 = tpu.matmul %slice3A_12, %get3A_15, %dot_general3A_19 {dimension_numbers = #tpu.dot_dimension_numbers<[1], [0], [0], [1], [0, 0, 1, 1], [], []>, transpose_lhs_hint = false} : vector<400x4xf32>, vector<4x64xf32>, vector<400x64xf32> -> vector<400x64xf32>
    %add3A_21 = arith.constant 1.000000e-16 : f32
    %add3A_22 = vector.broadcast %add3A_21 : f32 to vector<400x64xf32>
    %add3A_23 = arith.addf %dot_general3A_20, %add3A_22 : vector<400x64xf32>
    %div3A_24 = arith.divf %slice3A_11, %add3A_23 : vector<400x64xf32>
    %get3A_25 = arith.constant 0 : index
    %get3A_26 = arith.constant 0 : index
    %get3A_27 = vector.load %arg5[%get3A_25, %get3A_26] : memref<64x16xf32, #tpu.memory_space<vmem>>, vector<64x16xf32>
    %dot_general3A_28 = arith.constant dense<0.000000e+00> : vector<400x16xf32>
    %dot_general3A_29 = tpu.matmul %div3A, %get3A_27, %dot_general3A_28 {dimension_numbers = #tpu.dot_dimension_numbers<[1], [0], [0], [1], [0, 0, 1, 1], [], []>, transpose_lhs_hint = false} : vector<400x64xf32>, vector<64x16xf32>, vector<400x16xf32> -> vector<400x16xf32>
    %dot_general3A_30 = arith.constant dense<0.000000e+00> : vector<400x16xf32>
    %dot_general3A_31 = tpu.matmul %div3A_24, %get3A_27, %dot_general3A_30 {dimension_numbers = #tpu.dot_dimension_numbers<[1], [0], [0], [1], [0, 0, 1, 1], [], []>, transpose_lhs_hint = false} : vector<400x64xf32>, vector<64x16xf32>, vector<400x16xf32> -> vector<400x16xf32>
    %add3A_32 = arith.addf %dot_general3A_29, %dot_general3A_31 : vector<400x16xf32>
    %get3A_33 = arith.constant 0 : index
    %get3A_34 = arith.constant 0 : index
    %get3A_35 = vector.load %arg3[%get3A_33, %get3A_34] : memref<1x16xf32, #tpu.memory_space<vmem>>, vector<1x16xf32>
    %add3A_36 = vector.broadcast %get3A_35 : vector<1x16xf32> to vector<400x16xf32>
    %add3A_37 = arith.addf %add3A_32, %add3A_36 : vector<400x16xf32>
    %reduce_max3A = arith.constant dense<0xFF800000> : vector<400xf32>
    %reduce_max3A_38 = vector.multi_reduction <maximumf>, %add3A_37, %reduce_max3A [1] : vector<400x16xf32> to vector<400xf32>
    %broadcast_in_dim3A = vector.shape_cast %reduce_max3A_38 : vector<400xf32> to vector<400x1xf32>
    %sub3A = vector.broadcast %broadcast_in_dim3A : vector<400x1xf32> to vector<400x16xf32>
    %sub3A_39 = arith.subf %add3A_37, %sub3A : vector<400x16xf32>
    %exp3A = math.exp %sub3A_39 : vector<400x16xf32>
    %reduce_sum3A_40 = arith.constant dense<0.000000e+00> : vector<400xf32>
    %reduce_sum3A_41 = vector.multi_reduction <add>, %exp3A, %reduce_sum3A_40 [1] : vector<400x16xf32> to vector<400xf32>
    %broadcast_in_dim3A_42 = vector.shape_cast %reduce_sum3A_41 : vector<400xf32> to vector<400x1xf32>
    %sub3A_43 = vector.broadcast %broadcast_in_dim3A : vector<400x1xf32> to vector<400x16xf32>
    %sub3A_44 = arith.subf %add3A_37, %sub3A_43 : vector<400x16xf32>
    %log3A = math.log %broadcast_in_dim3A_42 : vector<400x1xf32>
    %sub3A_45 = vector.broadcast %log3A : vector<400x1xf32> to vector<400x16xf32>
    %sub3A_46 = arith.subf %sub3A_44, %sub3A_45 : vector<400x16xf32>
    %swap3A = arith.constant 0 : index
    %swap3A_47 = arith.constant 0 : index
    %swap3A_48 = vector.load %arg6[%swap3A, %swap3A_47] : memref<400x16xf32, #tpu.memory_space<vmem>>, vector<400x16xf32>
    tpu.vector_store %arg6[%swap3A, %swap3A_47], %sub3A_46 {strides = array<i32>} : memref<400x16xf32, #tpu.memory_space<vmem>>, vector<400x16xf32>,
    return
  }
  func.func @transform_0(%arg0: i32) -> (i32, i32, i32) {
    %c0_i32 = arith.constant 0 : i32
    %c0_i32_0 = arith.constant 0 : i32
    %c0_i32_1 = arith.constant 0 : i32
    return %c0_i32, %arg0, %c0_i32_0 : i32, i32, i32
  }
  func.func @transform_1(%arg0: i32) -> (i32, i32, i32) {
    %c0_i32 = arith.constant 0 : i32
    %c0_i32_0 = arith.constant 0 : i32
    %c0_i32_1 = arith.constant 0 : i32
    return %c0_i32, %arg0, %c0_i32_0 : i32, i32, i32
  }
  func.func @transform_2(%arg0: i32) -> (i32, i32) {
    %c0_i32 = arith.constant 0 : i32
    %c0_i32_0 = arith.constant 0 : i32
    %c0_i32_1 = arith.constant 0 : i32
    return %c0_i32, %c0_i32_0 : i32, i32
  }
  func.func @transform_3(%arg0: i32) -> (i32, i32) {
    %c0_i32 = arith.constant 0 : i32
    %c0_i32_0 = arith.constant 0 : i32
    %c0_i32_1 = arith.constant 0 : i32
    return %c0_i32, %c0_i32_0 : i32, i32
  }
  func.func @transform_4(%arg0: i32) -> (i32, i32) {
    %c0_i32 = arith.constant 0 : i32
    %c0_i32_0 = arith.constant 0 : i32
    %c0_i32_1 = arith.constant 0 : i32
    return %c0_i32, %c0_i32_0 : i32, i32
  }
  func.func @transform_5(%arg0: i32) -> (i32, i32) {
    %c0_i32 = arith.constant 0 : i32
    %c0_i32_0 = arith.constant 0 : i32
    return %arg0, %c0_i32 : i32, i32
  }
}

</mosaic_0001>

<sc_bundles>
// kernel: kernel.12.cloned.1.call-start
scs
__scs_entry_jumppad:
0x0: {  	(pc) =	sbr.rel $0x88, $3  }
0x1: {  	(tag) =	ssettag $0x0;
	lr =	simm.s32 $0x1  }
0x2: {  	[smem:$0x3F97] =	sst lr;
	_ =	strace $0xD0000000  }
0x3: {  	_ = 	snop  }
0x4: {  	_ = 	snop  }
0x5: {  	_ = 	snop  }
0x6: {  	_ = 	snop  }
0x7: {  	_ = 	snop  }
__scs_overlays_trampoline_lowered:
0x8: {  	[smem:$0x3FA6] =	sst s0  }
0x9: {  	[smem:$0x3FA7] =	sst s1  }
0xa: {  	[smem:$0x3FA8] =	sst s2  }
0xb: {  	[smem:$0x3FA9] =	sst s3  }
0xc: {  	[smem:$0x3FAA] =	sst s4  }
0xd: {  	[smem:$0x3FAB] =	sst s5  }
0xe: {  	[smem:$0x3FAC] =	sst s6  }
0xf: {  	[smem:$0x3FAD] =	sst s7  }
0x10: {  	[smem:$0x3FAE] =	sst s8  }
0x11: {  	[smem:$0x3FAF] =	sst s9;
	s0 =	simm.s32 @!p0 $0x0  }
0x12: {  	s1 =	sld [smem:$0x3F95];
	s0 =	simm.s32 @p0 $0x1  }
0x13: {  	[smem:$0x3FB0] =	sst s0;
	s0 =	simm.s32 @!p1 $0x0  }
0x14: {  	s2 =	sld [smem:$0x3F94];
	s0 =	simm.s32 @p1 $0x1  }
0x15: {  	[smem:$0x3FB1] =	sst s0;
	s0 =	simm.s32 @!p2 $0x0  }
0x16: {  	s3 =	sld [smem:$0x3FDB];
	s0 =	simm.s32 @p2 $0x1  }
0x17: {  	s4 =	simm.s32 $0x1BF5;
	[smem:$0x3FB3] =	sst s0  }
0x18: {  	s0 =	sld [smem:$0x3F96];
	_ =	swait.ge [sflag:s4], $0x0  }
0x19: {  	s7 =	sld [smem:$0x3F97]  }
0x1a: {  	s8 =	sadd.s32 $0xFFFFE003, lr  }
0x1b: {  	s9 =	sadd.s32 $0xFFFFFEF7, lr;
	s5 =	simm.s32 $0xFFFFFFFF;
	p2 =	slt.u32 s8, $0xFFFFF086  }
0x1c: {  	p1 =	slt.u32 s9, $0xF7A;
	s5 =	simm.s32 @!p2 $0x0  }
0x1d: {  	s5 =	simm.s32 @p1 $0x1;
	p0 =	seq.s32 s7, s2  }
0x1e: {  	s7 =	smul.u32 @!p0 $0xF7A, s2;
	p2 =	seq.s32 @!p0 s5, $0x0  }
0x1f: {  	s9 =	smul.u32 $0xF7A, s1;
	s8 =	simm.s32 @!p0 $0x1BF5;
	p2 =	por !p2, p0  }
0x20: {  	[sflag:s8] =	ssyncset.s32 @!p0 $0xFFFFF086;
	s6 =	sadd.s32 @!p0 s3, s7;
	s7 =	simm.s32 @!p0 $0x108  }
0x21: {  	s3 =	sadd.s32 s3, s9;
	s6 =	sadd.s32 @!p0 $0x88, s6;
	s7 =	simm.s32 @p2 $0x1082  }
0x22: {  	[simem:s7], [sflag:s8] =	dma.local @!p0 [hbm:s6], $0xF7A  }
0x23: {  	s9 =	sor.u32 $0xD0000000, s2;
	s6 =	simm.s32 $0x108;
	_ =	swait.ge @!p0 [sflag:s8], $0x0  }
0x24: {  	s3 =	sadd.s32 $0x88, s3;
	s6 =	simm.s32 @!p1 $0x1082;
	[sflag:s4] =	ssyncset.s32 $0xFFFFF086  }
0x25: {  	[simem:s6], [sflag:s4] =	dma.local [hbm:s3], $0xF7A  }
0x26: {  	[smem:$0x3F97] =	sst s1;
	(tag) =	ssettag s2;
	_ =	strace s9  }
0x27: {  	s1 =	sld [smem:$0x3FA7]  }
0x28: {  	s2 =	sld [smem:$0x3FA8]  }
0x29: {  	s4 =	sld [smem:$0x3FAA]  }
0x2a: {  	p0 =	seq.s32 s5, $0x0;
	s5 =	sld [smem:$0x3FAB]  }
0x2b: {  	s6 =	sld [smem:$0x3FAC]  }
0x2c: {  	s7 =	sld [smem:$0x3FAD]  }
0x2d: {  	s3 =	simm.s32 $0x108;
	s8 =	sld [smem:$0x3FAE]  }
0x2e: {  	s3 =	simm.s32 @!p0 $0x1082;
	s9 =	sld [smem:$0x3FAF]  }
0x2f: {  	lr =	sadd.s32 s0, s3;
	s0 =	sld [smem:$0x3FA6]  }
0x30: {  	s3 =	sld [smem:$0x3FA9]  }
0x31: {  	[smem:$0x3FB2] =	sst s10  }
0x32: {  	s10 =	sld [smem:$0x3FB0];
	_ =	sdelay $0x3  }
0x33: {  	p0 =	seq.s32 s10, $0x1;
	s10 =	sld [smem:$0x3FB2];
	_ =	sdelay $0x3  }
0x34: {  	[smem:$0x3FB2] =	sst s10  }
0x35: {  	s10 =	sld [smem:$0x3FB1];
	_ =	sdelay $0x3  }
0x36: {  	p1 =	seq.s32 s10, $0x1;
	s10 =	sld [smem:$0x3FB2];
	_ =	sdelay $0x3  }
0x37: {  	[smem:$0x3FB2] =	sst s10  }
0x38: {  	s10 =	sld [smem:$0x3FB3]  }
0x39: {  	_ = 	snop;
	(pc) =	sbr.ind lr, $3  }
0x3a: {  	_ = 	snop  }
0x3b: {  	_ = 	snop  }
0x3c: {  	p2 =	seq.s32 s10, $0x1;
	s10 =	sld [smem:$0x3FB2]  }
0x3d: {  	_ =	shalt  }
0x3e: {  	_ =	shalt  }
0x3f: {  	_ =	shalt  }
0x40: {  	_ =	shalt  }
0x41: {  	_ =	shalt  }
0x42: {  	_ =	shalt  }
0x43: {  	_ =	shalt  }
0x44: {  	_ =	shalt  }
0x45: {  	_ =	shalt  }
0x46: {  	_ =	shalt  }
0x47: {  	_ =	shalt  }
0x48: {  	_ =	shalt  }
0x49: {  	_ =	shalt  }
0x4a: {  	_ =	shalt  }
0x4b: {  	_ =	shalt  }
0x4c: {  	_ =	shalt  }
0x4d: {  	_ =	shalt  }
0x4e: {  	_ =	shalt  }
0x4f: {  	_ =	shalt  }
0x50: {  	_ =	shalt  }
0x51: {  	_ =	shalt  }
0x52: {  	_ =	shalt  }
0x53: {  	_ =	shalt  }
0x54: {  	_ =	shalt  }
0x55: {  	_ =	shalt  }
0x56: {  	_ =	shalt  }
0x57: {  	_ =	shalt  }
0x58: {  	_ =	shalt  }
0x59: {  	_ =	shalt  }
0x5a: {  	_ =	shalt  }
0x5b: {  	_ =	shalt  }
0x5c: {  	_ =	shalt  }
0x5d: {  	_ =	shalt  }
0x5e: {  	_ =	shalt  }
0x5f: {  	_ =	shalt  }
0x60: {  	_ =	shalt  }
0x61: {  	_ =	shalt  }
0x62: {  	_ =	shalt  }
0x63: {  	_ =	shalt  }
0x64: {  	_ =	shalt  }
0x65: {  	_ =	shalt  }
0x66: {  	_ =	shalt  }
0x67: {  	_ =	shalt  }
0x68: {  	_ =	shalt  }
0x69: {  	_ =	shalt  }
0x6a: {  	_ =	shalt  }
0x6b: {  	_ =	shalt  }
0x6c: {  	_ =	shalt  }
0x6d: {  	_ =	shalt  }
0x6e: {  	_ =	shalt  }
0x6f: {  	_ =	shalt  }
0x70: {  	_ =	shalt  }
0x71: {  	_ =	shalt  }
0x72: {  	_ =	shalt  }
0x73: {  	_ =	shalt  }
0x74: {  	_ =	shalt  }
0x75: {  	_ =	shalt  }
0x76: {  	_ =	shalt  }
0x77: {  	_ =	shalt  }
0x78: {  	_ =	shalt  }
0x79: {  	_ =	shalt  }
0x7a: {  	_ =	shalt  }
0x7b: {  	_ =	shalt  }
0x7c: {  	_ =	shalt  }
0x7d: {  	_ =	shalt  }
0x7e: {  	_ =	shalt  }
0x7f: {  	_ =	shalt  }
0x80: {  	_ =	shalt  }
0x81: {  	_ =	shalt  }
0x82: {  	_ =	shalt  }
0x83: {  	_ =	shalt  }
0x84: {  	_ =	shalt  }
0x85: {  	_ =	shalt  }
0x86: {  	_ =	shalt  }
0x87: {  	_ =	shalt  }
.Lfunc_end0:
.L_simem_size_0:
called_computation_lowered:
.L_overlay_start_0:
0x88: {  	s2 =	sld [smem:$0x3FD9]  }
0x89: {  	s3 =	sld [smem:$0x3FFE];
	_ =	sdelay $0x1  }
0x8a: {  	s1 =	srdreg.scid  }
0x8b: {  	s0 =	sand.u32 $0x1, s1  }
0x8c: {  	s16 =	sshll.u32 s0, $0xA;
	s2 =	sadd.s32 s3, s2  }
0x8d: {  	s2 =	sadd.s32 s2, s16  }
0x8e: {  	[smem:$0x3FBE] =	sst s2  }
0x8f: {  	_ = 	snop  }
0x90: {  	(tm) =	ssettm $0x1  }
0x91: {  	s17 =	sld [smem:$0x3FFB];
	_ =	sdelay $0x3  }
0x92: {  	_ =	strace s17  }
0x93: {  	s2 =	sld [smem:$0x3FFC];
	_ =	sdelay $0x3  }
0x94: {  	_ =	strace s2  }
0x95: {  	s2 =	sld [smem:$0x3FFD];
	_ =	sdelay $0x3  }
0x96: {  	_ =	strace s2  }
0x97: {  	_ =	strace $0x8FFFFFFF  }
0x98: {  	s18 =	sld [smem:$0x3FDB];
	_ =	sdelay $0x1  }
0x99: {  	s19 =	simm.s32 $_scs_section_size  }
0x9a: {  	s4 =	simm.s32 $_size__tile_overlayer_lowered;
	s5 =	simm.s32 $_tile_overlayer_lowered  }
0x9b: {  	s22 =	simm.s32 $0x1BFF;
	s21 =	sshll.u32 s5, $0x1;
	s2 =	sadd.s32 s19, s18  }
0x9c: {  	s6 =	simm.s32 $0x0;
	s20 =	sshll.u32 s4, $0x1;
	s4 =	sadd.s32 s21, s2  }
0x9d: {  	[timem:s6], [sflag:s22] =	dma.local [hbm:s4], s20  }
0x9e: {  	_ =	swait.ge [sflag:s22], s20  }
0x9f: {  	s3 =	ssub.s32 $0x0, s20;
	[sflag:s22] =	ssyncset.done $0x0  }
0xa0: {  	[sflag:s22] =	ssyncadd.s32 s3;
	_ =	sdelay $0x1  }
0xa1: {  	s23 =	simm.s32 $0x1B8B  }
0xa2: {  	_ =	swait.ge [sflag:s23], $0x1  }
0xa3: {  	[sflag:s23] =	ssyncset.done $0x0  }
0xa4: {  	s25 =	simm.s32 $0x1B8E;
	s24 =	sld [smem:$0x3FFE];
	[sflag:s23] =	ssyncadd.s32 $0xFFFFFFFF  }
0xa5: {  	s26 =	simm.s32 $execute0_lowered;
	[smem:$0x3FD2] =	sst s25  }
0xa6: {  	s4 =	sshll.u32 s26, $0x1;
	_ =	strace $0x80000046;
	[dreg:$0x1] =	wrdreg $0xFFFFFFFF  }
0xa7: {  	s28 =	simm.s32 $_size_execute0_lowered;
	s2 =	sadd.s32 s2, s4;
	[dreg:$0x0] =	wrdreg $0x0  }
0xa8: {  	s4 =	sshll.u32 s28, $0x1;
	[dreg:$0x2] =	wrdreg s2  }
0xa9: {  	[dreg:$0x3] =	wrdreg s4  }
0xaa: {  	[dreg:$0x4] =	wrdreg $0xC0  }
0xab: {  	_ =	task [dreg:s6], $0x5FFFF  }
0xac: {  	[dreg:$0x1] =	wrdreg $0xFFFFFFFF  }
0xad: {  	[dreg:$0x0] =	wrdreg $0x60  }
0xae: {  	[dreg:$0x2] =	wrdreg s24  }
0xaf: {  	[dreg:$0x3] =	wrdreg $0x9  }
0xb0: {  	_ =	task.clear_ibuf [dreg:s6], $0x4FFFF;
	_ =	strace $0x90000046  }
0xb1: {  	s29 =	simm.s32 $0x9;
	_ =	strace $0x80000048  }
0xb2: {  	_ =	swait.ge [sflag:s29], $0x1  }
0xb3: {  	[sflag:s29] =	ssyncadd.s32 $0xFFFFFFFF  }
0xb4: {  	_ =	strace $0x90000048  }
0xb5: {  	_ =	sfence  }
0xb6: {  	s30 =	sld [smem:$0x0];
	_ =	sdelay $0x2  }
0xb7: {  	s31 =	sshll.u32 s1, $0xD;
	s1 =	sshrl.u32 s1, $0x2  }
0xb8: {  	s3 =	sand.u32 $0x4000, s31;
	s1 =	sadd.s32 s1, s30  }
0xb9: {  	s0 =	sor.u32 s3, s0;
	s1 =	sshll.u32 s1, $0x11  }
0xba: {  	s0 =	sor.u32 s1, s0  }
0xbb: {  	s0 =	sadd.s32 $0x8F2B, s0  }
0xbc: {  	[sflag:s0] =	ssyncadd.remote.s32 $0x1  }
0xbd: {  	_ =	sfence.sel $0xFFFF  }
0xbe: {  	[dreg:$0x0] =	wrdreg $0xFFFFFFFF;
	(pc) =	sbr.abs _section_cstart, $3  }
0xbf: {  	[dreg:$0x1] =	wrdreg $0xFFFFFFFF  }
0xc0: {  	_ =	task.clear_ibuf [dreg:s6], $0x2FFFF;
	_ =	strace $0x9FFFFFFF  }
0xc1: {  	(tm) =	ssettm $0x7FFFFFFF  }
tec
execute0_lowered:
.L_overlay_start_1:
0x0: {  	(tag) =	ssettag $0x1  }
0x1: {  	s0 =	srdreg.scid  }
0x2: {  	s1 =	rddreg [dreg:$0x0];
	s15 =	stileid.u32;
	s2 =	simm.s32 $0x0  }
0x3: {  	s16 =	simm.s32 $0x2C00;
	s17 =	simm.s32 $0x80;
	s18 =	simm.s32 $0x5800  }
0x4: {  	s19 =	simm.s32 $0x9800;
	s20 =	simm.s32 $0xD800;
	s21 =	simm.s32 $0x11800  }
0x5: {  	s22 =	simm.s32 $0x1;
	s23 =	simm.s32 $0x2;
	s24 =	simm.s32 $0x3  }
0x6: {  	s25 =	simm.s32 $0x4;
	s0 =	sand.u32 $0x1, s0;
	s12 =	smul.u32 $0x52, s15  }
0x7: {  	s29 =	simm.s32 $0x0;
	[smem:$0x7FF] =	sst s2;
	s11 =	smul.u32 $0x520, s0  }
0x8: {  	s3 =	sshll.u32 s0, $0x4;
	s6 =	ssub.s32 $0x2, s0;
	s0 =	smul.u32 $0x290000, s0  }
0x9: {  	_ =	strace $0x80000047;
	s4 =	sor.u32 s15, s3;
	s15 =	smul.u32 $0x29000, s15  }
0xa: {  	s3 =	sadd.s32 $0x19800, s1;
	s30 =	sshrl.u32 s6, $0x1;
	s5 =	smul.u32 $0x580, s4  }
0xb: {  	s8 =	smul.u32 $0x148000, s4;
	s4 =	sadd.s32 $0x40A00, s1;
	s11 =	sadd.s32 s12, s11  }
0xc: {  	s14 =	sshll.u32 s11, $0xB;
	s7 =	sadd.s32 s5, s1;
	s5 =	sadd.s32 $0x560A00, s1  }
0xd: {  	s1 =	ssub.s32 s6, s30;
	s10 =	sshrl.u32 s8, $0x3;
	s31 =	sadd.s32 $0xE800, s7  }
0xe: {  	s9 =	sadd.s32 $0x28000, s10;
	s7 =	sadd.s32 $0x3800, s7;
	s13 =	sadd.s32 $0x28800, s10  }
0xf: {  	s12 =	smax.u32 s1, $0x1;
	[dreg:$0x2] =	wrdreg s31;
	s8 =	sadd.s32 s4, s9  }
0x10: {  	s9 =	sadd.s32 s5, s9;
	s10 =	sadd.s32 s4, s13;
	s11 =	sadd.s32 s5, s13  }
0x11: {  	s13 =	sor.u32 $0x800, s14;
	s14 =	sadd.s32 s15, s0;
	s15 =	simm.s32 $0x5  }
.LBB2_1:
0x12: {  	s0 =	rddreg [dreg:$0x2]  }
0x13: {  	[tilespmem:s2], [sflag:$0x5] =	stream.linear.gather [hbm4b:s0+s2], $0x2900, $0x38;
	[tilespmem:$0x15800] =	vst v63  }
0x14: {  	_ =	swait.ge [sflag:s15], $0x2900  }
0x15: {  	[sflag:s15] =	ssyncset.done $0x0  }
0x16: {  	[sflag:s15] =	ssyncadd.s32 $0xFFFFD700  }
0x17: {  	[tilespmem:s16], [sflag:$0x5] =	stream.linear.gather [hbm4b:s7+s2], $0x2900, $0x38;
	[tilespmem:$0x15800] =	vst v63  }
0x18: {  	_ =	swait.ge [sflag:s15], $0x2900  }
0x19: {  	[sflag:s15] =	ssyncset.done $0x0  }
0x1a: {  	[sflag:s15] =	ssyncadd.s32 $0xFFFFD700  }
0x1b: {  	[tilespmem:s18], [sflag:$0x1] =	stream.indirect.gather [hbm4b:s3+s17], $0x80, s2, s17, $0xb8;
	[tilespmem:$0x15800] =	vst v63  }
0x1c: {  	_ = 	snop  }
0x1d: {  	[tilespmem:s19], [sflag:$0x1] =	stream.indirect.gather [hbm4b:s3+s17], $0x80, s16, s17, $0xb8;
	[tilespmem:$0x15800] =	vst v63  }
0x1e: {  	s1 =	simm.s32 $0x80  }
0x1f: {  	[tilespmem:s20], [sflag:$0x2] =	stream.indirect.gather [hbm4b:s3+s17], $0x80, s1, s17, $0xb8;
	[tilespmem:$0x15800] =	vst v63  }
0x20: {  	s6 =	simm.s32 $0x2C80  }
0x21: {  	[tilespmem:s21], [sflag:$0x2] =	stream.indirect.gather [hbm4b:s3+s17], $0x80, s6, s17, $0xb8;
	[tilespmem:$0x15800] =	vst v63  }
0x22: {  	_ =	swait.ge [sflag:s22], $0x4000  }
0x23: {  	[sflag:s22] =	ssyncset.done $0x0  }
0x24: {  	[sflag:s22] =	ssyncadd.s32 $0xFFFFC000  }
0x25: {  	_ =	swait.ge [sflag:s22], $0x4000  }
0x26: {  	[sflag:s22] =	ssyncset.done $0x0  }
0x27: {  	s26 =	sadd.s32 s14, s4;
	[sflag:s22] =	ssyncadd.s32 $0xFFFFC000  }
0x28: {  	[hbm4b:s26+s2] =	stream.linear.scatter [tilespmem:s18], [sflag:$0x3], $0x4000, $0x38;
	[tilespmem:$0x15800] =	vst v63  }
0x29: {  	s28 =	sadd.s32 s14, s5  }
0x2a: {  	[hbm4b:s28+s2] =	stream.linear.scatter [tilespmem:s19], [sflag:$0x3], $0x4000, $0x38;
	[tilespmem:$0x15800] =	vst v63  }
0x2b: {  	_ =	swait.ge [sflag:s23], $0x4000  }
0x2c: {  	[sflag:s23] =	ssyncset.done $0x0  }
0x2d: {  	[sflag:s23] =	ssyncadd.s32 $0xFFFFC000  }
0x2e: {  	_ =	swait.ge [sflag:s23], $0x4000  }
0x2f: {  	[sflag:s23] =	ssyncset.done $0x0  }
0x30: {  	s1 =	sadd.s32 s13, s4;
	[sflag:s23] =	ssyncadd.s32 $0xFFFFC000  }
0x31: {  	[hbm4b:s1+s2] =	stream.linear.scatter [tilespmem:s20], [sflag:$0x4], $0x4000, $0x38;
	[tilespmem:$0x15800] =	vst v63  }
0x32: {  	s6 =	sadd.s32 s13, s5  }
0x33: {  	[hbm4b:s6+s2] =	stream.linear.scatter [tilespmem:s21], [sflag:$0x4], $0x4000, $0x38;
	[tilespmem:$0x15800] =	vst v63  }
0x34: {  	_ =	swait.ge [sflag:s24], $0x4000  }
0x35: {  	[sflag:s24] =	ssyncset.done $0x0  }
0x36: {  	[sflag:s24] =	ssyncadd.s32 $0xFFFFC000  }
0x37: {  	_ =	swait.ge [sflag:s24], $0x4000  }
0x38: {  	[sflag:s24] =	ssyncset.done $0x0  }
0x39: {  	s26 =	simm.s32 $0x100;
	[sflag:s24] =	ssyncadd.s32 $0xFFFFC000  }
0x3a: {  	[tilespmem:s18], [sflag:$0x1] =	stream.indirect.gather [hbm4b:s3+s17], $0x80, s26, s17, $0xb8;
	[tilespmem:$0x15800] =	vst v63  }
0x3b: {  	s28 =	simm.s32 $0x2D00  }
0x3c: {  	[tilespmem:s19], [sflag:$0x1] =	stream.indirect.gather [hbm4b:s3+s17], $0x80, s28, s17, $0xb8;
	[tilespmem:$0x15800] =	vst v63  }
0x3d: {  	_ =	swait.ge [sflag:s25], $0x4000  }
0x3e: {  	[sflag:s25] =	ssyncset.done $0x0  }
0x3f: {  	[sflag:s25] =	ssyncadd.s32 $0xFFFFC000  }
0x40: {  	s31 =	simm.s32 $0x100;
	s30 =	sadd.s32 $0x1000, s13;
	_ =	swait.ge [sflag:s25], $0x4000  }
0x41: {  	s0 =	sadd.s32 $0x1000, s14;
	s1 =	simm.s32 $0x800;
	[sflag:s25] =	ssyncset.done $0x0  }
.LBB2_2:
0x42: {  	s6 =	sadd.s32 $0x80, s31  }
0x43: {  	[sflag:s25] =	ssyncadd.s32 $0xFFFFC000;
	s26 =	smov.u32 s1;
	s28 =	sadd.s32 $0x400, s1  }
0x44: {  	[tilespmem:s20], [sflag:$0x2] =	stream.indirect.gather [hbm4b:s3+s17], $0x80, s6, s17, $0xb8;
	[tilespmem:$0x15800] =	vst v63  }
0x45: {  	p0 =	sne.s32 s1, $0x9C00;
	s1 =	sadd.s32 $0x2C80, s31  }
0x46: {  	[tilespmem:s21], [sflag:$0x2] =	stream.indirect.gather [hbm4b:s3+s17], $0x80, s1, s17, $0xb8;
	[tilespmem:$0x15800] =	vst v63  }
0x47: {  	_ =	swait.ge [sflag:s22], $0x4000  }
0x48: {  	[sflag:s22] =	ssyncset.done $0x0  }
0x49: {  	[sflag:s22] =	ssyncadd.s32 $0xFFFFC000  }
0x4a: {  	_ =	swait.ge [sflag:s22], $0x4000  }
0x4b: {  	[sflag:s22] =	ssyncset.done $0x0  }
0x4c: {  	s1 =	sadd.s32 s0, s4;
	[sflag:s22] =	ssyncadd.s32 $0xFFFFC000  }
0x4d: {  	[hbm4b:s1+s2] =	stream.linear.scatter [tilespmem:s18], [sflag:$0x3], $0x4000, $0x38;
	[tilespmem:$0x15800] =	vst v63  }
0x4e: {  	s1 =	sadd.s32 s0, s5  }
0x4f: {  	[hbm4b:s1+s2] =	stream.linear.scatter [tilespmem:s19], [sflag:$0x3], $0x4000, $0x38;
	[tilespmem:$0x15800] =	vst v63  }
0x50: {  	_ =	swait.ge [sflag:s23], $0x4000  }
0x51: {  	[sflag:s23] =	ssyncset.done $0x0  }
0x52: {  	[sflag:s23] =	ssyncadd.s32 $0xFFFFC000  }
0x53: {  	_ =	swait.ge [sflag:s23], $0x4000  }
0x54: {  	[sflag:s23] =	ssyncset.done $0x0  }
0x55: {  	s1 =	sadd.s32 s30, s4;
	[sflag:s23] =	ssyncadd.s32 $0xFFFFC000  }
0x56: {  	[hbm4b:s1+s2] =	stream.linear.scatter [tilespmem:s20], [sflag:$0x4], $0x4000, $0x38;
	[tilespmem:$0x15800] =	vst v63  }
0x57: {  	s1 =	sadd.s32 s30, s5  }
0x58: {  	[hbm4b:s1+s2] =	stream.linear.scatter [tilespmem:s21], [sflag:$0x4], $0x4000, $0x38;
	[tilespmem:$0x15800] =	vst v63  }
0x59: {  	_ =	swait.ge [sflag:s24], $0x4000  }
0x5a: {  	[sflag:s24] =	ssyncset.done $0x0  }
0x5b: {  	[sflag:s24] =	ssyncadd.s32 $0xFFFFC000  }
0x5c: {  	_ =	swait.ge [sflag:s24], $0x4000  }
0x5d: {  	[sflag:s24] =	ssyncset.done $0x0  }
0x5e: {  	s1 =	sadd.s32 $0x100, s31;
	[sflag:s24] =	ssyncadd.s32 $0xFFFFC000  }
0x5f: {  	[tilespmem:s18], [sflag:$0x1] =	stream.indirect.gather [hbm4b:s3+s17], $0x80, s1, s17, $0xb8;
	[tilespmem:$0x15800] =	vst v63  }
0x60: {  	s1 =	sadd.s32 $0x2D00, s31  }
0x61: {  	[tilespmem:s19], [sflag:$0x1] =	stream.indirect.gather [hbm4b:s3+s17], $0x80, s1, s17, $0xb8;
	[tilespmem:$0x15800] =	vst v63  }
.Ltmp0:
0x62: {  	_ =	swait.ge [sflag:s25], $0x4000;
	(pc) =	sbr.rel @p0 .LBB2_2-.Ltmp0, $4  }
0x63: {  	[sflag:s25] =	ssyncset.done $0x0  }
0x64: {  	[sflag:s25] =	ssyncadd.s32 $0xFFFFC000  }
0x65: {  	s0 =	sadd.s32 $0x1000, s0;
	s30 =	sadd.s32 $0x1000, s30;
	_ =	swait.ge [sflag:s25], $0x4000  }
0x66: {  	s31 =	sshra.s32 s26, $0x2;
	s1 =	smov.u32 s28;
	[sflag:s25] =	ssyncset.done $0x0  }
0x67: {  	s1 =	sadd.s32 $0x80, s31;
	[sflag:s25] =	ssyncadd.s32 $0xFFFFC000  }
0x68: {  	[tilespmem:s20], [sflag:$0x2] =	stream.indirect.gather [hbm4b:s3+s17], $0x80, s1, s17, $0xb8;
	[tilespmem:$0x15800] =	vst v63  }
0x69: {  	s6 =	sadd.s32 $0x2C80, s31  }
0x6a: {  	[tilespmem:s21], [sflag:$0x2] =	stream.indirect.gather [hbm4b:s3+s17], $0x80, s6, s17, $0xb8;
	[tilespmem:$0x15800] =	vst v63  }
0x6b: {  	_ =	swait.ge [sflag:s22], $0x4000  }
0x6c: {  	[sflag:s22] =	ssyncset.done $0x0  }
0x6d: {  	[sflag:s22] =	ssyncadd.s32 $0xFFFFC000  }
0x6e: {  	_ =	swait.ge [sflag:s22], $0x4000  }
0x6f: {  	[sflag:s22] =	ssyncset.done $0x0  }
0x70: {  	s26 =	sadd.s32 s0, s4;
	[sflag:s22] =	ssyncadd.s32 $0xFFFFC000  }
0x71: {  	[hbm4b:s26+s2] =	stream.linear.scatter [tilespmem:s18], [sflag:$0x3], $0x4000, $0x38;
	[tilespmem:$0x15800] =	vst v63  }
0x72: {  	s28 =	sadd.s32 s0, s5  }
0x73: {  	[hbm4b:s28+s2] =	stream.linear.scatter [tilespmem:s19], [sflag:$0x3], $0x4000, $0x38;
	[tilespmem:$0x15800] =	vst v63  }
0x74: {  	_ =	swait.ge [sflag:s23], $0x4000  }
0x75: {  	[sflag:s23] =	ssyncset.done $0x0  }
0x76: {  	[sflag:s23] =	ssyncadd.s32 $0xFFFFC000  }
0x77: {  	_ =	swait.ge [sflag:s23], $0x4000  }
0x78: {  	[sflag:s23] =	ssyncset.done $0x0  }
0x79: {  	s1 =	sadd.s32 s30, s4;
	[sflag:s23] =	ssyncadd.s32 $0xFFFFC000  }
0x7a: {  	[hbm4b:s1+s2] =	stream.linear.scatter [tilespmem:s20], [sflag:$0x4], $0x4000, $0x38;
	[tilespmem:$0x15800] =	vst v63  }
0x7b: {  	s6 =	sadd.s32 s30, s5  }
0x7c: {  	[hbm4b:s6+s2] =	stream.linear.scatter [tilespmem:s21], [sflag:$0x4], $0x4000, $0x38;
	[tilespmem:$0x15800] =	vst v63  }
0x7d: {  	_ =	swait.ge [sflag:s24], $0x4000  }
0x7e: {  	[sflag:s24] =	ssyncset.done $0x0  }
0x7f: {  	[sflag:s24] =	ssyncadd.s32 $0xFFFFC000  }
0x80: {  	_ =	swait.ge [sflag:s24], $0x4000  }
0x81: {  	[sflag:s24] =	ssyncset.done $0x0  }
0x82: {  	s26 =	sadd.s32 $0x100, s31;
	[sflag:s24] =	ssyncadd.s32 $0xFFFFC000  }
0x83: {  	[tilespmem:s18], [sflag:$0x1] =	stream.indirect.gather [hbm4b:s3+s17], $0x80, s26, s17, $0xb8;
	[tilespmem:$0x15800] =	vst v63  }
0x84: {  	s28 =	sadd.s32 $0x2D00, s31  }
0x85: {  	[tilespmem:s19], [sflag:$0x1] =	stream.indirect.gather [hbm4b:s3+s17], $0x80, s28, s17, $0xb8;
	[tilespmem:$0x15800] =	vst v63  }
0x86: {  	_ =	swait.ge [sflag:s25], $0x4000  }
0x87: {  	[sflag:s25] =	ssyncset.done $0x0  }
0x88: {  	[sflag:s25] =	ssyncadd.s32 $0xFFFFC000  }
0x89: {  	_ =	swait.ge [sflag:s25], $0x4000  }
0x8a: {  	[sflag:s25] =	ssyncset.done $0x0  }
0x8b: {  	s30 =	simm.s32 $0x2880;
	[sflag:s25] =	ssyncadd.s32 $0xFFFFC000  }
0x8c: {  	[tilespmem:s20], [sflag:$0x2] =	stream.indirect.gather [hbm4b:s3+s17], $0x80, s30, s17, $0xb8;
	[tilespmem:$0x15800] =	vst v63  }
0x8d: {  	s31 =	simm.s32 $0x5480  }
0x8e: {  	[tilespmem:s21], [sflag:$0x2] =	stream.indirect.gather [hbm4b:s3+s17], $0x80, s31, s17, $0xb8;
	[tilespmem:$0x15800] =	vst v63  }
0x8f: {  	_ =	swait.ge [sflag:s22], $0x4000  }
0x90: {  	[sflag:s22] =	ssyncset.done $0x0  }
0x91: {  	[sflag:s22] =	ssyncadd.s32 $0xFFFFC000  }
0x92: {  	_ =	swait.ge [sflag:s22], $0x4000  }
0x93: {  	[sflag:s22] =	ssyncset.done $0x0  }
0x94: {  	[sflag:s22] =	ssyncadd.s32 $0xFFFFC000  }
0x95: {  	[hbm4b:s8+s2] =	stream.linear.scatter [tilespmem:s18], [sflag:$0x3], $0x4000, $0x38;
	[tilespmem:$0x15800] =	vst v63  }
0x96: {  	_ = 	snop  }
0x97: {  	[hbm4b:s9+s2] =	stream.linear.scatter [tilespmem:s19], [sflag:$0x3], $0x4000, $0x38;
	[tilespmem:$0x15800] =	vst v63  }
0x98: {  	_ =	swait.ge [sflag:s23], $0x4000  }
0x99: {  	[sflag:s23] =	ssyncset.done $0x0  }
0x9a: {  	[sflag:s23] =	ssyncadd.s32 $0xFFFFC000  }
0x9b: {  	_ =	swait.ge [sflag:s23], $0x4000  }
0x9c: {  	[sflag:s23] =	ssyncset.done $0x0  }
0x9d: {  	[sflag:s23] =	ssyncadd.s32 $0xFFFFC000  }
0x9e: {  	[hbm4b:s10+s2] =	stream.linear.scatter [tilespmem:s20], [sflag:$0x4], $0x4000, $0x38;
	[tilespmem:$0x15800] =	vst v63  }
0x9f: {  	_ = 	snop  }
0xa0: {  	[hbm4b:s11+s2] =	stream.linear.scatter [tilespmem:s21], [sflag:$0x4], $0x4000, $0x38;
	[tilespmem:$0x15800] =	vst v63  }
0xa1: {  	_ =	swait.ge [sflag:s24], $0x4000  }
0xa2: {  	[sflag:s24] =	ssyncset.done $0x0  }
0xa3: {  	[sflag:s24] =	ssyncadd.s32 $0xFFFFC000  }
0xa4: {  	_ =	swait.ge [sflag:s24], $0x4000  }
0xa5: {  	[sflag:s24] =	ssyncset.done $0x0  }
0xa6: {  	s29 =	sadd.s32 $0x1, s29;
	[sflag:s24] =	ssyncadd.s32 $0xFFFFC000  }
0xa7: {  	p0 =	sne.s32 s29, s12;
	_ =	swait.ge [sflag:s25], $0x4000  }
.Ltmp1:
0xa8: {  	[sflag:s25] =	ssyncset.done $0x0;
	(pc) =	sbr.rel @p0 .LBB2_1-.Ltmp1, $4  }
0xa9: {  	[sflag:s25] =	ssyncadd.s32 $0xFFFFC000  }
0xaa: {  	_ =	swait.ge [sflag:s25], $0x4000  }
0xab: {  	[sflag:s25] =	ssyncset.done $0x0  }
0xac: {  	[sflag:s25] =	ssyncadd.s32 $0xFFFFC000  }
0xad: {  	_ =	sfence.sel $0x180000  }
0xae: {  	[bflag:$0x0] =	sbarrier.arrive $0xFFFF  }
0xaf: {  	_ =	strace $0x90000047  }
0xb0: {  	s0 =	stileid.u32;
	[bflag:$0x2] =	sbarrier.arrive $0xFFFF  }
0xb1: {  	p0 =	sne.s32 s0, $0x0;
	s0 =	rddreg [dreg:$0x1]  }
0xb2: {  	s0 =	sadd.s32 @!p0 $0x100000, s0  }
0xb3: {  	[sflag:s0] =	ssyncadd.tile.s32 @!p0 $0x1;
	_ =	shalt  }
.Lfunc_end2:
_tile_overlayer_lowered:
.L_overlay_start_2:
0xb4: {  	(tag) =	ssettag $0x2  }
0xb5: {  	s0 =	rddreg [dreg:$0x0];
	s2 =	stileid.u32  }
0xb6: {  	s1 =	rddreg [dreg:$0x1];
	p0 =	sne.s32 s2, $0x0  }
0xb7: {  	s3 =	rddreg [dreg:$0x2];
	[bflag:$0x3] =	sbarrier.arrive $0xFFFF;
	s2 =	simm.s32 @!p0 $0x1C05  }
0xb8: {  	[timem:s3], [sflag:s2] =	dma.local @!p0 [hbm:s0], s1  }
0xb9: {  	s0 =	simm.s32 @!p0 $0x5  }
0xba: {  	_ =	swait.ge @!p0 [sflag:s0], s1  }
0xbb: {  	s1 =	ssub.s32 @!p0 $0x0, s1;
	[sflag:s0] =	ssyncset.done @!p0 $0x0  }
0xbc: {  	[sflag:s0] =	ssyncadd.s32 @!p0 s1  }
0xbd: {  	[bflag:$0x3] =	sbarrier.arrive $0xFFFF  }
0xbe: {  	_ =	shalt  }

// kernel: kernel.15.cloned.1.call-start
scs
__scs_entry_jumppad:
0x0: {  	(pc) =	sbr.rel $0x88, $3  }
0x1: {  	(tag) =	ssettag $0x0;
	lr =	simm.s32 $0x1  }
0x2: {  	[smem:$0x3F97] =	sst lr;
	_ =	strace $0xD0000000  }
0x3: {  	_ = 	snop  }
0x4: {  	_ = 	snop  }
0x5: {  	_ = 	snop  }
0x6: {  	_ = 	snop  }
0x7: {  	_ = 	snop  }
__scs_overlays_trampoline_lowered:
0x8: {  	[smem:$0x3FA6] =	sst s0  }
0x9: {  	[smem:$0x3FA7] =	sst s1  }
0xa: {  	[smem:$0x3FA8] =	sst s2  }
0xb: {  	[smem:$0x3FA9] =	sst s3  }
0xc: {  	[smem:$0x3FAA] =	sst s4  }
0xd: {  	[smem:$0x3FAB] =	sst s5  }
0xe: {  	[smem:$0x3FAC] =	sst s6  }
0xf: {  	[smem:$0x3FAD] =	sst s7  }
0x10: {  	[smem:$0x3FAE] =	sst s8  }
0x11: {  	[smem:$0x3FAF] =	sst s9;
	s0 =	simm.s32 @!p0 $0x0  }
0x12: {  	s1 =	sld [smem:$0x3F95];
	s0 =	simm.s32 @p0 $0x1  }
0x13: {  	[smem:$0x3FB0] =	sst s0;
	s0 =	simm.s32 @!p1 $0x0  }
0x14: {  	s2 =	sld [smem:$0x3F94];
	s0 =	simm.s32 @p1 $0x1  }
0x15: {  	[smem:$0x3FB1] =	sst s0;
	s0 =	simm.s32 @!p2 $0x0  }
0x16: {  	s3 =	sld [smem:$0x3FDB];
	s0 =	simm.s32 @p2 $0x1  }
0x17: {  	s4 =	simm.s32 $0x1BF5;
	[smem:$0x3FB3] =	sst s0  }
0x18: {  	s0 =	sld [smem:$0x3F96];
	_ =	swait.ge [sflag:s4], $0x0  }
0x19: {  	s7 =	sld [smem:$0x3F97]  }
0x1a: {  	s8 =	sadd.s32 $0xFFFFE003, lr  }
0x1b: {  	s9 =	sadd.s32 $0xFFFFFEF7, lr;
	s5 =	simm.s32 $0xFFFFFFFF;
	p2 =	slt.u32 s8, $0xFFFFF086  }
0x1c: {  	p1 =	slt.u32 s9, $0xF7A;
	s5 =	simm.s32 @!p2 $0x0  }
0x1d: {  	s5 =	simm.s32 @p1 $0x1;
	p0 =	seq.s32 s7, s2  }
0x1e: {  	s7 =	smul.u32 @!p0 $0xF7A, s2;
	p2 =	seq.s32 @!p0 s5, $0x0  }
0x1f: {  	s9 =	smul.u32 $0xF7A, s1;
	s8 =	simm.s32 @!p0 $0x1BF5;
	p2 =	por !p2, p0  }
0x20: {  	[sflag:s8] =	ssyncset.s32 @!p0 $0xFFFFF086;
	s6 =	sadd.s32 @!p0 s3, s7;
	s7 =	simm.s32 @!p0 $0x108  }
0x21: {  	s3 =	sadd.s32 s3, s9;
	s6 =	sadd.s32 @!p0 $0x88, s6;
	s7 =	simm.s32 @p2 $0x1082  }
0x22: {  	[simem:s7], [sflag:s8] =	dma.local @!p0 [hbm:s6], $0xF7A  }
0x23: {  	s9 =	sor.u32 $0xD0000000, s2;
	s6 =	simm.s32 $0x108;
	_ =	swait.ge @!p0 [sflag:s8], $0x0  }
0x24: {  	s3 =	sadd.s32 $0x88, s3;
	s6 =	simm.s32 @!p1 $0x1082;
	[sflag:s4] =	ssyncset.s32 $0xFFFFF086  }
0x25: {  	[simem:s6], [sflag:s4] =	dma.local [hbm:s3], $0xF7A  }
0x26: {  	[smem:$0x3F97] =	sst s1;
	(tag) =	ssettag s2;
	_ =	strace s9  }
0x27: {  	s1 =	sld [smem:$0x3FA7]  }
0x28: {  	s2 =	sld [smem:$0x3FA8]  }
0x29: {  	s4 =	sld [smem:$0x3FAA]  }
0x2a: {  	p0 =	seq.s32 s5, $0x0;
	s5 =	sld [smem:$0x3FAB]  }
0x2b: {  	s6 =	sld [smem:$0x3FAC]  }
0x2c: {  	s7 =	sld [smem:$0x3FAD]  }
0x2d: {  	s3 =	simm.s32 $0x108;
	s8 =	sld [smem:$0x3FAE]  }
0x2e: {  	s3 =	simm.s32 @!p0 $0x1082;
	s9 =	sld [smem:$0x3FAF]  }
0x2f: {  	lr =	sadd.s32 s0, s3;
	s0 =	sld [smem:$0x3FA6]  }
0x30: {  	s3 =	sld [smem:$0x3FA9]  }
0x31: {  	[smem:$0x3FB2] =	sst s10  }
0x32: {  	s10 =	sld [smem:$0x3FB0];
	_ =	sdelay $0x3  }
0x33: {  	p0 =	seq.s32 s10, $0x1;
	s10 =	sld [smem:$0x3FB2];
	_ =	sdelay $0x3  }
0x34: {  	[smem:$0x3FB2] =	sst s10  }
0x35: {  	s10 =	sld [smem:$0x3FB1];
	_ =	sdelay $0x3  }
0x36: {  	p1 =	seq.s32 s10, $0x1;
	s10 =	sld [smem:$0x3FB2];
	_ =	sdelay $0x3  }
0x37: {  	[smem:$0x3FB2] =	sst s10  }
0x38: {  	s10 =	sld [smem:$0x3FB3]  }
0x39: {  	_ = 	snop;
	(pc) =	sbr.ind lr, $3  }
0x3a: {  	_ = 	snop  }
0x3b: {  	_ = 	snop  }
0x3c: {  	p2 =	seq.s32 s10, $0x1;
	s10 =	sld [smem:$0x3FB2]  }
0x3d: {  	_ =	shalt  }
0x3e: {  	_ =	shalt  }
0x3f: {  	_ =	shalt  }
0x40: {  	_ =	shalt  }
0x41: {  	_ =	shalt  }
0x42: {  	_ =	shalt  }
0x43: {  	_ =	shalt  }
0x44: {  	_ =	shalt  }
0x45: {  	_ =	shalt  }
0x46: {  	_ =	shalt  }
0x47: {  	_ =	shalt  }
0x48: {  	_ =	shalt  }
0x49: {  	_ =	shalt  }
0x4a: {  	_ =	shalt  }
0x4b: {  	_ =	shalt  }
0x4c: {  	_ =	shalt  }
0x4d: {  	_ =	shalt  }
0x4e: {  	_ =	shalt  }
0x4f: {  	_ =	shalt  }
0x50: {  	_ =	shalt  }
0x51: {  	_ =	shalt  }
0x52: {  	_ =	shalt  }
0x53: {  	_ =	shalt  }
0x54: {  	_ =	shalt  }
0x55: {  	_ =	shalt  }
0x56: {  	_ =	shalt  }
0x57: {  	_ =	shalt  }
0x58: {  	_ =	shalt  }
0x59: {  	_ =	shalt  }
0x5a: {  	_ =	shalt  }
0x5b: {  	_ =	shalt  }
0x5c: {  	_ =	shalt  }
0x5d: {  	_ =	shalt  }
0x5e: {  	_ =	shalt  }
0x5f: {  	_ =	shalt  }
0x60: {  	_ =	shalt  }
0x61: {  	_ =	shalt  }
0x62: {  	_ =	shalt  }
0x63: {  	_ =	shalt  }
0x64: {  	_ =	shalt  }
0x65: {  	_ =	shalt  }
0x66: {  	_ =	shalt  }
0x67: {  	_ =	shalt  }
0x68: {  	_ =	shalt  }
0x69: {  	_ =	shalt  }
0x6a: {  	_ =	shalt  }
0x6b: {  	_ =	shalt  }
0x6c: {  	_ =	shalt  }
0x6d: {  	_ =	shalt  }
0x6e: {  	_ =	shalt  }
0x6f: {  	_ =	shalt  }
0x70: {  	_ =	shalt  }
0x71: {  	_ =	shalt  }
0x72: {  	_ =	shalt  }
0x73: {  	_ =	shalt  }
0x74: {  	_ =	shalt  }
0x75: {  	_ =	shalt  }
0x76: {  	_ =	shalt  }
0x77: {  	_ =	shalt  }
0x78: {  	_ =	shalt  }
0x79: {  	_ =	shalt  }
0x7a: {  	_ =	shalt  }
0x7b: {  	_ =	shalt  }
0x7c: {  	_ =	shalt  }
0x7d: {  	_ =	shalt  }
0x7e: {  	_ =	shalt  }
0x7f: {  	_ =	shalt  }
0x80: {  	_ =	shalt  }
0x81: {  	_ =	shalt  }
0x82: {  	_ =	shalt  }
0x83: {  	_ =	shalt  }
0x84: {  	_ =	shalt  }
0x85: {  	_ =	shalt  }
0x86: {  	_ =	shalt  }
0x87: {  	_ =	shalt  }
.Lfunc_end0:
.L_simem_size_0:
called_computation.1_lowered:
.L_overlay_start_0:
0x88: {  	s2 =	sld [smem:$0x3FD9]  }
0x89: {  	s3 =	sld [smem:$0x3FFE];
	_ =	sdelay $0x1  }
0x8a: {  	s1 =	srdreg.scid  }
0x8b: {  	s0 =	sand.u32 $0x1, s1  }
0x8c: {  	s14 =	sshll.u32 s0, $0xA;
	s2 =	sadd.s32 s3, s2  }
0x8d: {  	s2 =	sadd.s32 s2, s14  }
0x8e: {  	[smem:$0x3FBE] =	sst s2  }
0x8f: {  	_ = 	snop  }
0x90: {  	s2 =	sld [smem:$0x3FD0];
	_ =	sdelay $0x2  }
0x91: {  	s15 =	simm.s32 $0xB;
	s4 =	simm.s32 $0x10  }
0x92: {  	[smem:s4], [sflag:s15] =	dma.local [hbm:s2], $0x1  }
0x93: {  	_ =	swait.eq [sflag:s15], $0x1  }
0x94: {  	[sflag:s15] =	ssyncset.done $0x0  }
0x95: {  	[sflag:s15] =	ssyncadd.s32 $0xFFFFFFFF  }
0x96: {  	s16 =	sld [smem:$0x10];
	(tm) =	ssettm $0x1  }
0x97: {  	s17 =	sld [smem:$0x3FFB];
	_ =	sdelay $0x3  }
0x98: {  	_ =	strace s17  }
0x99: {  	s3 =	sld [smem:$0x3FFC];
	_ =	sdelay $0x3  }
0x9a: {  	_ =	strace s3  }
0x9b: {  	s3 =	sld [smem:$0x3FFD];
	_ =	sdelay $0x3  }
0x9c: {  	_ =	strace s3  }
0x9d: {  	_ =	strace $0x8FFFFFFF  }
0x9e: {  	s18 =	sld [smem:$0x3FDB];
	_ =	sdelay $0x1  }
0x9f: {  	s19 =	simm.s32 $_scs_section_size  }
0xa0: {  	s5 =	simm.s32 $_size__tile_overlayer_lowered;
	s6 =	simm.s32 $_tile_overlayer_lowered  }
0xa1: {  	s22 =	simm.s32 $0x1BFF;
	s21 =	sshll.u32 s6, $0x1;
	s3 =	sadd.s32 s19, s18  }
0xa2: {  	s7 =	simm.s32 $0x0;
	s20 =	sshll.u32 s5, $0x1;
	s5 =	sadd.s32 s21, s3  }
0xa3: {  	[timem:s7], [sflag:s22] =	dma.local [hbm:s5], s20  }
0xa4: {  	_ =	swait.ge [sflag:s22], s20  }
0xa5: {  	s4 =	ssub.s32 $0x0, s20;
	[sflag:s22] =	ssyncset.done $0x0  }
0xa6: {  	[sflag:s22] =	ssyncadd.s32 s4;
	_ =	sdelay $0x1  }
0xa7: {  	s23 =	simm.s32 $0x1B8B  }
0xa8: {  	_ =	swait.ge [sflag:s23], $0x1  }
0xa9: {  	[sflag:s23] =	ssyncset.done $0x0  }
0xaa: {  	s25 =	simm.s32 $0x1B8E;
	s24 =	sld [smem:$0x3FFE];
	[sflag:s23] =	ssyncadd.s32 $0xFFFFFFFF  }
0xab: {  	s26 =	simm.s32 $execute0_lowered;
	[smem:$0x3FD2] =	sst s25  }
0xac: {  	s5 =	sshll.u32 s26, $0x1;
	_ =	strace $0x80000049;
	[dreg:$0x1] =	wrdreg $0xFFFFFFFF  }
0xad: {  	s28 =	simm.s32 $_size_execute0_lowered;
	s3 =	sadd.s32 s3, s5;
	[dreg:$0x0] =	wrdreg $0x0  }
0xae: {  	s5 =	sshll.u32 s28, $0x1;
	[dreg:$0x2] =	wrdreg s3  }
0xaf: {  	[dreg:$0x3] =	wrdreg s5  }
0xb0: {  	[dreg:$0x4] =	wrdreg $0xC0  }
0xb1: {  	_ =	task [dreg:s7], $0x5FFFF  }
0xb2: {  	[dreg:$0x1] =	wrdreg $0xFFFFFFFF  }
0xb3: {  	[dreg:$0x0] =	wrdreg $0x60  }
0xb4: {  	[dreg:$0x2] =	wrdreg s24  }
0xb5: {  	[dreg:$0x3] =	wrdreg s16  }
0xb6: {  	[dreg:$0x4] =	wrdreg $0xAC000  }
0xb7: {  	[dreg:$0x5] =	wrdreg $0x9  }
0xb8: {  	_ =	task.clear_ibuf [dreg:s7], $0x6FFFF;
	_ =	strace $0x90000049  }
0xb9: {  	s29 =	simm.s32 $0x9;
	_ =	strace $0x8000004B  }
0xba: {  	_ =	swait.ge [sflag:s29], $0x1  }
0xbb: {  	[sflag:s29] =	ssyncadd.s32 $0xFFFFFFFF  }
0xbc: {  	_ =	strace $0x9000004B  }
0xbd: {  	_ =	sfence  }
0xbe: {  	s30 =	sld [smem:$0x0];
	_ =	sdelay $0x2  }
0xbf: {  	s31 =	sshll.u32 s1, $0xD;
	s1 =	sshrl.u32 s1, $0x2  }
0xc0: {  	s3 =	sand.u32 $0x4000, s31;
	s1 =	sadd.s32 s1, s30  }
0xc1: {  	s0 =	sor.u32 s3, s0;
	s1 =	sshll.u32 s1, $0x11  }
0xc2: {  	s0 =	sor.u32 s1, s0  }
0xc3: {  	s0 =	sadd.s32 $0x8F2B, s0  }
0xc4: {  	[sflag:s0] =	ssyncadd.remote.s32 $0x1  }
0xc5: {  	_ =	sfence.sel $0xFFFF  }
0xc6: {  	[dreg:$0x0] =	wrdreg $0xFFFFFFFF;
	(pc) =	sbr.abs _section_cstart, $3  }
0xc7: {  	[dreg:$0x1] =	wrdreg $0xFFFFFFFF  }
0xc8: {  	_ =	task.clear_ibuf [dreg:s7], $0x2FFFF;
	_ =	strace $0x9FFFFFFF  }
0xc9: {  	(tm) =	ssettm $0x7FFFFFFF  }
tec
execute0_lowered:
.L_overlay_start_1:
0x0: {  	(tag) =	ssettag $0x1  }
0x1: {  	s6 =	rddreg [dreg:$0x0]  }
0x2: {  	s2 =	rddreg [dreg:$0x1]  }
0x3: {  	s0 =	srdreg.scid;
	s3 =	rddreg [dreg:$0x2];
	s4 =	simm.s32 $0x0  }
0x4: {  	s16 =	simm.s32 $0x6C00;
	s17 =	simm.s32 $0x1;
	s18 =	simm.s32 $0x80  }
0x5: {  	s19 =	simm.s32 $0x2;
	s20 =	simm.s32 $0x3;
	s5 =	sand.u32 $0x1, s0  }
0x6: {  	s21 =	simm.s32 $0x4;
	s0 =	stileid.u32;
	s9 =	smul.u32 $0x13C000, s5  }
0x7: {  	s22 =	simm.s32 $0x2800;
	s23 =	simm.s32 $0x2880;
	s10 =	smul.u32 $0x13C00, s0  }
0x8: {  	s24 =	simm.s32 $0x0;
	[smem:$0x7FF] =	sst s4;
	s12 =	smul.u32 $0x4F000, s0  }
0x9: {  	s11 =	sadd.s32 $0xA8BC00, s6;
	s1 =	sshll.u32 s5, $0x4;
	s26 =	smul.u32 $0x520, s5  }
0xa: {  	s25 =	ssub.s32 $0x2, s5;
	s29 =	sshll.u32 s0, $0x6;
	s30 =	smul.u32 $0x52, s0  }
0xb: {  	s7 =	sor.u32 s0, s1;
	s1 =	rddreg [dreg:$0x3];
	_ =	strace $0x8000004A  }
0xc: {  	s13 =	sshrl.u32 s25, $0x1;
	s5 =	sor.u32 $0x1C05, s29;
	s8 =	smul.u32 $0x580, s7  }
0xd: {  	s9 =	sadd.s32 s10, s9;
	s14 =	smul.u32 $0x148000, s7;
	s10 =	ssub.s32 s25, s13  }
0xe: {  	s28 =	sshrl.u32 s12, $0x2;
	s7 =	smul.u32 $0x29000, s7;
	s12 =	sadd.s32 s30, s26  }
0xf: {  	s9 =	sshrl.u32 s9, $0x3;
	s15 =	sadd.s32 s28, s3;
	s12 =	sshll.u32 s12, $0xB  }
0x10: {  	s10 =	smax.u32 s10, $0x1;
	s8 =	sadd.s32 s8, s6;
	s9 =	sadd.s32 s9, s6  }
0x11: {  	s31 =	sshrl.u32 s14, $0x3;
	s7 =	sadd.s32 s11, s7;
	s12 =	sadd.s32 s12, s11  }
0x12: {  	s13 =	sshrl.u32 s15, $0x3;
	s14 =	simm.s32 $0x5;
	s15 =	simm.s32 $0x2C00  }
0x13: {  	s6 =	sadd.s32 $0xA80C00, s8;
	s8 =	sadd.s32 s11, s31;
	s9 =	sadd.s32 $0x19800, s9  }
0x14: {  	s11 =	sadd.s32 $0x1000, s12;
	s12 =	sadd.s32 $0x800, s12;
	s8 =	sadd.s32 $0x28800, s8  }
.LBB2_1:
0x15: {  	[spmem:s13], [sflag:s5] =	dma.local [hbm:s2], $0x2780  }
0x16: {  	_ =	swait.ge [sflag:s14], $0x2780  }
0x17: {  	[sflag:s14] =	ssyncset.done $0x0  }
0x18: {  	[sflag:s14] =	ssyncadd.s32 $0xFFFFD880  }
0x19: {  	[tilespmem:s4], [sflag:$0x5] =	stream.linear.gather [hbm4b:s6+s4], $0x2900, $0x38;
	[tilespmem:$0x1E800] =	vst v63  }
0x1a: {  	_ =	swait.ge [sflag:s14], $0x2900  }
0x1b: {  	[sflag:s14] =	ssyncset.done $0x0  }
0x1c: {  	[sflag:s14] =	ssyncadd.s32 $0xFFFFD700  }
0x1d: {  	[bflag:$0x0] =	sbarrier.arrive $0xFFFF  }
0x1e: {  	[tilespmem:s15], [sflag:$0x1] =	stream.linear.gather [hbm4b:s7+s4], $0x4000, $0x38;
	[tilespmem:$0x1E800] =	vst v63  }
0x1f: {  	s25 =	sadd.s32 $0x0, s12  }
0x20: {  	[tilespmem:s16], [sflag:$0x2] =	stream.linear.gather [hbm4b:s25+s4], $0x4000, $0x38;
	[tilespmem:$0x1E800] =	vst v63  }
0x21: {  	_ =	swait.ge [sflag:s17], $0x4000  }
0x22: {  	[sflag:s17] =	ssyncset.done $0x0  }
0x23: {  	[sflag:s17] =	ssyncadd.s32 $0xFFFFC000  }
0x24: {  	[spmem:s3] =	stream.indirect.scatter.add.f32 [tilespmem:s15], [sflag:$0x3], $0x80, s4, s18, $0xb8;
	[tilespmem:$0x1E800] =	vst v63  }
0x25: {  	_ =	swait.ge [sflag:s19], $0x4000  }
0x26: {  	[sflag:s19] =	ssyncset.done $0x0  }
0x27: {  	s30 =	simm.s32 $0x80;
	[sflag:s19] =	ssyncadd.s32 $0xFFFFC000  }
0x28: {  	[spmem:s3] =	stream.indirect.scatter.add.f32 [tilespmem:s16], [sflag:$0x4], $0x80, s30, s18, $0xb8;
	[tilespmem:$0x1E800] =	vst v63  }
0x29: {  	_ =	swait.ge [sflag:s20], $0x4000  }
0x2a: {  	[sflag:s20] =	ssyncset.done $0x0  }
0x2b: {  	s31 =	sadd.s32 $0x0, s11;
	[sflag:s20] =	ssyncadd.s32 $0xFFFFC000  }
0x2c: {  	[tilespmem:s15], [sflag:$0x1] =	stream.linear.gather [hbm4b:s31+s4], $0x4000, $0x38;
	[tilespmem:$0x1E800] =	vst v63  }
0x2d: {  	s28 =	simm.s32 $0x2000;
	_ =	swait.ge [sflag:s21], $0x4000  }
0x2e: {  	s26 =	simm.s32 $0x100;
	s25 =	simm.s32 $0x1000;
	[sflag:s21] =	ssyncset.done $0x0  }
.LBB2_2:
0x2f: {  	s29 =	sadd.s32 s25, s12  }
0x30: {  	[sflag:s21] =	ssyncadd.s32 $0xFFFFC000;
	s30 =	smov.u32 s28;
	s31 =	sadd.s32 $0x1000, s28  }
0x31: {  	[tilespmem:s16], [sflag:$0x2] =	stream.linear.gather [hbm4b:s29+s4], $0x4000, $0x38;
	[tilespmem:$0x1E800] =	vst v63  }
0x32: {  	p0 =	sne.s32 s28, $0x27000;
	_ =	swait.ge [sflag:s17], $0x4000  }
0x33: {  	[sflag:s17] =	ssyncset.done $0x0  }
0x34: {  	[sflag:s17] =	ssyncadd.s32 $0xFFFFC000  }
0x35: {  	[spmem:s3] =	stream.indirect.scatter.add.f32 [tilespmem:s15], [sflag:$0x3], $0x80, s26, s18, $0xb8;
	[tilespmem:$0x1E800] =	vst v63  }
0x36: {  	_ =	swait.ge [sflag:s19], $0x4000  }
0x37: {  	[sflag:s19] =	ssyncset.done $0x0  }
0x38: {  	s28 =	sadd.s32 $0x80, s26;
	[sflag:s19] =	ssyncadd.s32 $0xFFFFC000  }
0x39: {  	[spmem:s3] =	stream.indirect.scatter.add.f32 [tilespmem:s16], [sflag:$0x4], $0x80, s28, s18, $0xb8;
	[tilespmem:$0x1E800] =	vst v63  }
0x3a: {  	_ =	swait.ge [sflag:s20], $0x4000  }
.Ltmp0:
0x3b: {  	[sflag:s20] =	ssyncset.done $0x0;
	(pc) =	sbr.rel @p0 .LBB2_2-.Ltmp0, $4  }
0x3c: {  	s28 =	sadd.s32 s25, s11;
	s25 =	smov.u32 s30;
	[sflag:s20] =	ssyncadd.s32 $0xFFFFC000  }
0x3d: {  	[tilespmem:s15], [sflag:$0x1] =	stream.linear.gather [hbm4b:s28+s4], $0x4000, $0x38;
	[tilespmem:$0x1E800] =	vst v63  }
0x3e: {  	_ =	swait.ge [sflag:s21], $0x4000  }
0x3f: {  	s26 =	sadd.s32 $0x100, s26;
	s28 =	smov.u32 s31;
	[sflag:s21] =	ssyncset.done $0x0  }
0x40: {  	s28 =	sadd.s32 s25, s12;
	[sflag:s21] =	ssyncadd.s32 $0xFFFFC000  }
0x41: {  	[tilespmem:s16], [sflag:$0x2] =	stream.linear.gather [hbm4b:s28+s4], $0x4000, $0x38;
	[tilespmem:$0x1E800] =	vst v63  }
0x42: {  	_ =	swait.ge [sflag:s17], $0x4000  }
0x43: {  	[sflag:s17] =	ssyncset.done $0x0  }
0x44: {  	[sflag:s17] =	ssyncadd.s32 $0xFFFFC000  }
0x45: {  	[spmem:s3] =	stream.indirect.scatter.add.f32 [tilespmem:s15], [sflag:$0x3], $0x80, s26, s18, $0xb8;
	[tilespmem:$0x1E800] =	vst v63  }
0x46: {  	_ =	swait.ge [sflag:s19], $0x4000  }
0x47: {  	[sflag:s19] =	ssyncset.done $0x0  }
0x48: {  	s30 =	sadd.s32 $0x80, s26;
	[sflag:s19] =	ssyncadd.s32 $0xFFFFC000  }
0x49: {  	[spmem:s3] =	stream.indirect.scatter.add.f32 [tilespmem:s16], [sflag:$0x4], $0x80, s30, s18, $0xb8;
	[tilespmem:$0x1E800] =	vst v63  }
0x4a: {  	_ =	swait.ge [sflag:s20], $0x4000  }
0x4b: {  	[sflag:s20] =	ssyncset.done $0x0  }
0x4c: {  	s31 =	sadd.s32 s25, s11;
	[sflag:s20] =	ssyncadd.s32 $0xFFFFC000  }
0x4d: {  	[tilespmem:s15], [sflag:$0x1] =	stream.linear.gather [hbm4b:s31+s4], $0x4000, $0x38;
	[tilespmem:$0x1E800] =	vst v63  }
0x4e: {  	_ =	swait.ge [sflag:s21], $0x4000  }
0x4f: {  	[sflag:s21] =	ssyncset.done $0x0  }
0x50: {  	[sflag:s21] =	ssyncadd.s32 $0xFFFFC000  }
0x51: {  	[tilespmem:s16], [sflag:$0x2] =	stream.linear.gather [hbm4b:s8+s4], $0x4000, $0x38;
	[tilespmem:$0x1E800] =	vst v63  }
0x52: {  	_ =	swait.ge [sflag:s17], $0x4000  }
0x53: {  	[sflag:s17] =	ssyncset.done $0x0  }
0x54: {  	[sflag:s17] =	ssyncadd.s32 $0xFFFFC000  }
0x55: {  	[spmem:s3] =	stream.indirect.scatter.add.f32 [tilespmem:s15], [sflag:$0x3], $0x80, s22, s18, $0xb8;
	[tilespmem:$0x1E800] =	vst v63  }
0x56: {  	_ =	swait.ge [sflag:s19], $0x4000  }
0x57: {  	[sflag:s19] =	ssyncset.done $0x0  }
0x58: {  	[sflag:s19] =	ssyncadd.s32 $0xFFFFC000  }
0x59: {  	[spmem:s3] =	stream.indirect.scatter.add.f32 [tilespmem:s16], [sflag:$0x4], $0x80, s23, s18, $0xb8;
	[tilespmem:$0x1E800] =	vst v63  }
0x5a: {  	_ =	swait.ge [sflag:s20], $0x4000  }
0x5b: {  	[sflag:s20] =	ssyncset.done $0x0  }
0x5c: {  	[sflag:s20] =	ssyncadd.s32 $0xFFFFC000  }
0x5d: {  	_ =	swait.ge [sflag:s21], $0x4000  }
0x5e: {  	s24 =	sadd.s32 $0x1, s24;
	[sflag:s21] =	ssyncset.done $0x0  }
0x5f: {  	p0 =	sne.s32 s24, s10;
	[sflag:s21] =	ssyncadd.s32 $0xFFFFC000  }
.Ltmp1:
0x60: {  	[bflag:$0x0] =	sbarrier.arrive $0xFFFF;
	(pc) =	sbr.rel @p0 .LBB2_1-.Ltmp1, $4  }
0x61: {  	[hbm:s9], [sflag:s5] =	dma.local [spmem:s13], $0x2780  }
0x62: {  	_ =	swait.ge [sflag:s14], $0x2780  }
0x63: {  	[sflag:s14] =	ssyncset.done $0x0  }
0x64: {  	[sflag:s14] =	ssyncadd.s32 $0xFFFFD880  }
0x65: {  	_ =	sfence.sel $0x180000  }
0x66: {  	[bflag:$0x0] =	sbarrier.arrive $0xFFFF  }
0x67: {  	p0 =	sne.s32 s0, $0x0;
	_ =	strace $0x9000004A  }
0x68: {  	s0 =	sadd.s32 @!p0 $0x100000, s1;
	[bflag:$0x2] =	sbarrier.arrive $0xFFFF  }
0x69: {  	[sflag:s0] =	ssyncadd.tile.s32 @!p0 $0x1;
	_ =	shalt  }
.Lfunc_end2:
_tile_overlayer_lowered:
.L_overlay_start_2:
0x6a: {  	(tag) =	ssettag $0x2  }
0x6b: {  	s0 =	rddreg [dreg:$0x0];
	s2 =	stileid.u32  }
0x6c: {  	s1 =	rddreg [dreg:$0x1];
	p0 =	sne.s32 s2, $0x0  }
0x6d: {  	s3 =	rddreg [dreg:$0x2];
	[bflag:$0x3] =	sbarrier.arrive $0xFFFF;
	s2 =	simm.s32 @!p0 $0x1C05  }
0x6e: {  	[timem:s3], [sflag:s2] =	dma.local @!p0 [hbm:s0], s1  }
0x6f: {  	s0 =	simm.s32 @!p0 $0x5  }
0x70: {  	_ =	swait.ge @!p0 [sflag:s0], s1  }
0x71: {  	s1 =	ssub.s32 @!p0 $0x0, s1;
	[sflag:s0] =	ssyncset.done @!p0 $0x0  }
0x72: {  	[sflag:s0] =	ssyncadd.s32 @!p0 s1  }
0x73: {  	[bflag:$0x3] =	sbarrier.arrive $0xFFFF  }
0x74: {  	_ =	shalt  }

// kernel: kernel.18.cloned.1.call-start
scs
__scs_entry_jumppad:
0x0: {  	(pc) =	sbr.rel $0x88, $3  }
0x1: {  	(tag) =	ssettag $0x0;
	lr =	simm.s32 $0x1  }
0x2: {  	[smem:$0x3F97] =	sst lr;
	_ =	strace $0xD0000000  }
0x3: {  	_ = 	snop  }
0x4: {  	_ = 	snop  }
0x5: {  	_ = 	snop  }
0x6: {  	_ = 	snop  }
0x7: {  	_ = 	snop  }
__scs_overlays_trampoline_lowered:
0x8: {  	[smem:$0x3FA6] =	sst s0  }
0x9: {  	[smem:$0x3FA7] =	sst s1  }
0xa: {  	[smem:$0x3FA8] =	sst s2  }
0xb: {  	[smem:$0x3FA9] =	sst s3  }
0xc: {  	[smem:$0x3FAA] =	sst s4  }
0xd: {  	[smem:$0x3FAB] =	sst s5  }
0xe: {  	[smem:$0x3FAC] =	sst s6  }
0xf: {  	[smem:$0x3FAD] =	sst s7  }
0x10: {  	[smem:$0x3FAE] =	sst s8  }
0x11: {  	[smem:$0x3FAF] =	sst s9;
	s0 =	simm.s32 @!p0 $0x0  }
0x12: {  	s1 =	sld [smem:$0x3F95];
	s0 =	simm.s32 @p0 $0x1  }
0x13: {  	[smem:$0x3FB0] =	sst s0;
	s0 =	simm.s32 @!p1 $0x0  }
0x14: {  	s2 =	sld [smem:$0x3F94];
	s0 =	simm.s32 @p1 $0x1  }
0x15: {  	[smem:$0x3FB1] =	sst s0;
	s0 =	simm.s32 @!p2 $0x0  }
0x16: {  	s3 =	sld [smem:$0x3FDB];
	s0 =	simm.s32 @p2 $0x1  }
0x17: {  	s4 =	simm.s32 $0x1BF5;
	[smem:$0x3FB3] =	sst s0  }
0x18: {  	s0 =	sld [smem:$0x3F96];
	_ =	swait.ge [sflag:s4], $0x0  }
0x19: {  	s7 =	sld [smem:$0x3F97]  }
0x1a: {  	s8 =	sadd.s32 $0xFFFFE003, lr  }
0x1b: {  	s9 =	sadd.s32 $0xFFFFFEF7, lr;
	s5 =	simm.s32 $0xFFFFFFFF;
	p2 =	slt.u32 s8, $0xFFFFF086  }
0x1c: {  	p1 =	slt.u32 s9, $0xF7A;
	s5 =	simm.s32 @!p2 $0x0  }
0x1d: {  	s5 =	simm.s32 @p1 $0x1;
	p0 =	seq.s32 s7, s2  }
0x1e: {  	s7 =	smul.u32 @!p0 $0xF7A, s2;
	p2 =	seq.s32 @!p0 s5, $0x0  }
0x1f: {  	s9 =	smul.u32 $0xF7A, s1;
	s8 =	simm.s32 @!p0 $0x1BF5;
	p2 =	por !p2, p0  }
0x20: {  	[sflag:s8] =	ssyncset.s32 @!p0 $0xFFFFF086;
	s6 =	sadd.s32 @!p0 s3, s7;
	s7 =	simm.s32 @!p0 $0x108  }
0x21: {  	s3 =	sadd.s32 s3, s9;
	s6 =	sadd.s32 @!p0 $0x88, s6;
	s7 =	simm.s32 @p2 $0x1082  }
0x22: {  	[simem:s7], [sflag:s8] =	dma.local @!p0 [hbm:s6], $0xF7A  }
0x23: {  	s9 =	sor.u32 $0xD0000000, s2;
	s6 =	simm.s32 $0x108;
	_ =	swait.ge @!p0 [sflag:s8], $0x0  }
0x24: {  	s3 =	sadd.s32 $0x88, s3;
	s6 =	simm.s32 @!p1 $0x1082;
	[sflag:s4] =	ssyncset.s32 $0xFFFFF086  }
0x25: {  	[simem:s6], [sflag:s4] =	dma.local [hbm:s3], $0xF7A  }
0x26: {  	[smem:$0x3F97] =	sst s1;
	(tag) =	ssettag s2;
	_ =	strace s9  }
0x27: {  	s1 =	sld [smem:$0x3FA7]  }
0x28: {  	s2 =	sld [smem:$0x3FA8]  }
0x29: {  	s4 =	sld [smem:$0x3FAA]  }
0x2a: {  	p0 =	seq.s32 s5, $0x0;
	s5 =	sld [smem:$0x3FAB]  }
0x2b: {  	s6 =	sld [smem:$0x3FAC]  }
0x2c: {  	s7 =	sld [smem:$0x3FAD]  }
0x2d: {  	s3 =	simm.s32 $0x108;
	s8 =	sld [smem:$0x3FAE]  }
0x2e: {  	s3 =	simm.s32 @!p0 $0x1082;
	s9 =	sld [smem:$0x3FAF]  }
0x2f: {  	lr =	sadd.s32 s0, s3;
	s0 =	sld [smem:$0x3FA6]  }
0x30: {  	s3 =	sld [smem:$0x3FA9]  }
0x31: {  	[smem:$0x3FB2] =	sst s10  }
0x32: {  	s10 =	sld [smem:$0x3FB0];
	_ =	sdelay $0x3  }
0x33: {  	p0 =	seq.s32 s10, $0x1;
	s10 =	sld [smem:$0x3FB2];
	_ =	sdelay $0x3  }
0x34: {  	[smem:$0x3FB2] =	sst s10  }
0x35: {  	s10 =	sld [smem:$0x3FB1];
	_ =	sdelay $0x3  }
0x36: {  	p1 =	seq.s32 s10, $0x1;
	s10 =	sld [smem:$0x3FB2];
	_ =	sdelay $0x3  }
0x37: {  	[smem:$0x3FB2] =	sst s10  }
0x38: {  	s10 =	sld [smem:$0x3FB3]  }
0x39: {  	_ = 	snop;
	(pc) =	sbr.ind lr, $3  }
0x3a: {  	_ = 	snop  }
0x3b: {  	_ = 	snop  }
0x3c: {  	p2 =	seq.s32 s10, $0x1;
	s10 =	sld [smem:$0x3FB2]  }
0x3d: {  	_ =	shalt  }
0x3e: {  	_ =	shalt  }
0x3f: {  	_ =	shalt  }
0x40: {  	_ =	shalt  }
0x41: {  	_ =	shalt  }
0x42: {  	_ =	shalt  }
0x43: {  	_ =	shalt  }
0x44: {  	_ =	shalt  }
0x45: {  	_ =	shalt  }
0x46: {  	_ =	shalt  }
0x47: {  	_ =	shalt  }
0x48: {  	_ =	shalt  }
0x49: {  	_ =	shalt  }
0x4a: {  	_ =	shalt  }
0x4b: {  	_ =	shalt  }
0x4c: {  	_ =	shalt  }
0x4d: {  	_ =	shalt  }
0x4e: {  	_ =	shalt  }
0x4f: {  	_ =	shalt  }
0x50: {  	_ =	shalt  }
0x51: {  	_ =	shalt  }
0x52: {  	_ =	shalt  }
0x53: {  	_ =	shalt  }
0x54: {  	_ =	shalt  }
0x55: {  	_ =	shalt  }
0x56: {  	_ =	shalt  }
0x57: {  	_ =	shalt  }
0x58: {  	_ =	shalt  }
0x59: {  	_ =	shalt  }
0x5a: {  	_ =	shalt  }
0x5b: {  	_ =	shalt  }
0x5c: {  	_ =	shalt  }
0x5d: {  	_ =	shalt  }
0x5e: {  	_ =	shalt  }
0x5f: {  	_ =	shalt  }
0x60: {  	_ =	shalt  }
0x61: {  	_ =	shalt  }
0x62: {  	_ =	shalt  }
0x63: {  	_ =	shalt  }
0x64: {  	_ =	shalt  }
0x65: {  	_ =	shalt  }
0x66: {  	_ =	shalt  }
0x67: {  	_ =	shalt  }
0x68: {  	_ =	shalt  }
0x69: {  	_ =	shalt  }
0x6a: {  	_ =	shalt  }
0x6b: {  	_ =	shalt  }
0x6c: {  	_ =	shalt  }
0x6d: {  	_ =	shalt  }
0x6e: {  	_ =	shalt  }
0x6f: {  	_ =	shalt  }
0x70: {  	_ =	shalt  }
0x71: {  	_ =	shalt  }
0x72: {  	_ =	shalt  }
0x73: {  	_ =	shalt  }
0x74: {  	_ =	shalt  }
0x75: {  	_ =	shalt  }
0x76: {  	_ =	shalt  }
0x77: {  	_ =	shalt  }
0x78: {  	_ =	shalt  }
0x79: {  	_ =	shalt  }
0x7a: {  	_ =	shalt  }
0x7b: {  	_ =	shalt  }
0x7c: {  	_ =	shalt  }
0x7d: {  	_ =	shalt  }
0x7e: {  	_ =	shalt  }
0x7f: {  	_ =	shalt  }
0x80: {  	_ =	shalt  }
0x81: {  	_ =	shalt  }
0x82: {  	_ =	shalt  }
0x83: {  	_ =	shalt  }
0x84: {  	_ =	shalt  }
0x85: {  	_ =	shalt  }
0x86: {  	_ =	shalt  }
0x87: {  	_ =	shalt  }
.Lfunc_end0:
.L_simem_size_0:
called_computation.2_lowered:
.L_overlay_start_0:
0x88: {  	s2 =	sld [smem:$0x3FD9]  }
0x89: {  	s3 =	sld [smem:$0x3FFE];
	_ =	sdelay $0x1  }
0x8a: {  	s1 =	srdreg.scid  }
0x8b: {  	s0 =	sand.u32 $0x1, s1  }
0x8c: {  	s16 =	sshll.u32 s0, $0xA;
	s2 =	sadd.s32 s3, s2  }
0x8d: {  	s2 =	sadd.s32 s2, s16  }
0x8e: {  	[smem:$0x3FBE] =	sst s2  }
0x8f: {  	_ = 	snop  }
0x90: {  	(tm) =	ssettm $0x1  }
0x91: {  	s17 =	sld [smem:$0x3FFB];
	_ =	sdelay $0x3  }
0x92: {  	_ =	strace s17  }
0x93: {  	s2 =	sld [smem:$0x3FFC];
	_ =	sdelay $0x3  }
0x94: {  	_ =	strace s2  }
0x95: {  	s2 =	sld [smem:$0x3FFD];
	_ =	sdelay $0x3  }
0x96: {  	_ =	strace s2  }
0x97: {  	_ =	strace $0x8FFFFFFF  }
0x98: {  	s18 =	sld [smem:$0x3FDB];
	_ =	sdelay $0x1  }
0x99: {  	s19 =	simm.s32 $_scs_section_size  }
0x9a: {  	s4 =	simm.s32 $_size__tile_overlayer_lowered;
	s5 =	simm.s32 $_tile_overlayer_lowered  }
0x9b: {  	s22 =	simm.s32 $0x1BFF;
	s21 =	sshll.u32 s5, $0x1;
	s2 =	sadd.s32 s19, s18  }
0x9c: {  	s6 =	simm.s32 $0x0;
	s20 =	sshll.u32 s4, $0x1;
	s4 =	sadd.s32 s21, s2  }
0x9d: {  	[timem:s6], [sflag:s22] =	dma.local [hbm:s4], s20  }
0x9e: {  	_ =	swait.ge [sflag:s22], s20  }
0x9f: {  	s3 =	ssub.s32 $0x0, s20;
	[sflag:s22] =	ssyncset.done $0x0  }
0xa0: {  	[sflag:s22] =	ssyncadd.s32 s3;
	_ =	sdelay $0x1  }
0xa1: {  	s23 =	simm.s32 $0x1B8B  }
0xa2: {  	_ =	swait.ge [sflag:s23], $0x1  }
0xa3: {  	[sflag:s23] =	ssyncset.done $0x0  }
0xa4: {  	s25 =	simm.s32 $0x1B8E;
	s24 =	sld [smem:$0x3FFE];
	[sflag:s23] =	ssyncadd.s32 $0xFFFFFFFF  }
0xa5: {  	s26 =	simm.s32 $execute0_lowered;
	[smem:$0x3FD2] =	sst s25  }
0xa6: {  	s4 =	sshll.u32 s26, $0x1;
	_ =	strace $0x8000004C;
	[dreg:$0x1] =	wrdreg $0xFFFFFFFF  }
0xa7: {  	s28 =	simm.s32 $_size_execute0_lowered;
	s2 =	sadd.s32 s2, s4;
	[dreg:$0x0] =	wrdreg $0x0  }
0xa8: {  	s4 =	sshll.u32 s28, $0x1;
	[dreg:$0x2] =	wrdreg s2  }
0xa9: {  	[dreg:$0x3] =	wrdreg s4  }
0xaa: {  	[dreg:$0x4] =	wrdreg $0xC0  }
0xab: {  	_ =	task [dreg:s6], $0x5FFFF  }
0xac: {  	[dreg:$0x1] =	wrdreg $0xFFFFFFFF  }
0xad: {  	[dreg:$0x0] =	wrdreg $0x60  }
0xae: {  	[dreg:$0x2] =	wrdreg s24  }
0xaf: {  	[dreg:$0x3] =	wrdreg $0x9  }
0xb0: {  	_ =	task.clear_ibuf [dreg:s6], $0x4FFFF;
	_ =	strace $0x9000004C  }
0xb1: {  	s29 =	simm.s32 $0x9;
	_ =	strace $0x8000004E  }
0xb2: {  	_ =	swait.ge [sflag:s29], $0x1  }
0xb3: {  	[sflag:s29] =	ssyncadd.s32 $0xFFFFFFFF  }
0xb4: {  	_ =	strace $0x9000004E  }
0xb5: {  	_ =	sfence  }
0xb6: {  	s30 =	sld [smem:$0x0];
	_ =	sdelay $0x2  }
0xb7: {  	s31 =	sshll.u32 s1, $0xD;
	s1 =	sshrl.u32 s1, $0x2  }
0xb8: {  	s3 =	sand.u32 $0x4000, s31;
	s1 =	sadd.s32 s1, s30  }
0xb9: {  	s0 =	sor.u32 s3, s0;
	s1 =	sshll.u32 s1, $0x11  }
0xba: {  	s0 =	sor.u32 s1, s0  }
0xbb: {  	s0 =	sadd.s32 $0x8F2B, s0  }
0xbc: {  	[sflag:s0] =	ssyncadd.remote.s32 $0x1  }
0xbd: {  	_ =	sfence.sel $0xFFFF  }
0xbe: {  	[dreg:$0x0] =	wrdreg $0xFFFFFFFF;
	(pc) =	sbr.abs _section_cstart, $3  }
0xbf: {  	[dreg:$0x1] =	wrdreg $0xFFFFFFFF  }
0xc0: {  	_ =	task.clear_ibuf [dreg:s6], $0x2FFFF;
	_ =	strace $0x9FFFFFFF  }
0xc1: {  	(tm) =	ssettm $0x7FFFFFFF  }
tec
execute0_lowered:
.L_overlay_start_1:
0x0: {  	(tag) =	ssettag $0x1  }
0x1: {  	s0 =	srdreg.scid  }
0x2: {  	s1 =	rddreg [dreg:$0x0];
	s15 =	stileid.u32;
	s2 =	simm.s32 $0x0  }
0x3: {  	s16 =	simm.s32 $0x2C00;
	s17 =	simm.s32 $0x80;
	s18 =	simm.s32 $0x5800  }
0x4: {  	s19 =	simm.s32 $0x9800;
	s20 =	simm.s32 $0xD800;
	s21 =	simm.s32 $0x11800  }
0x5: {  	s22 =	simm.s32 $0x1;
	s23 =	simm.s32 $0x2;
	s24 =	simm.s32 $0x3  }
0x6: {  	s25 =	simm.s32 $0x4;
	s0 =	sand.u32 $0x1, s0;
	s12 =	smul.u32 $0x52, s15  }
0x7: {  	s29 =	simm.s32 $0x0;
	[smem:$0x7FF] =	sst s2;
	s11 =	smul.u32 $0x520, s0  }
0x8: {  	s3 =	sshll.u32 s0, $0x4;
	s6 =	ssub.s32 $0x2, s0;
	s0 =	smul.u32 $0x290000, s0  }
0x9: {  	_ =	strace $0x8000004D;
	s4 =	sor.u32 s15, s3;
	s15 =	smul.u32 $0x29000, s15  }
0xa: {  	s3 =	sadd.s32 $0x19800, s1;
	s30 =	sshrl.u32 s6, $0x1;
	s5 =	smul.u32 $0x580, s4  }
0xb: {  	s8 =	smul.u32 $0x148000, s4;
	s4 =	sadd.s32 $0x40A00, s1;
	s11 =	sadd.s32 s12, s11  }
0xc: {  	s14 =	sshll.u32 s11, $0xB;
	s7 =	sadd.s32 s5, s1;
	s5 =	sadd.s32 $0x560A00, s1  }
0xd: {  	s1 =	ssub.s32 s6, s30;
	s10 =	sshrl.u32 s8, $0x3;
	s31 =	sadd.s32 $0xE800, s7  }
0xe: {  	s9 =	sadd.s32 $0x28000, s10;
	s7 =	sadd.s32 $0x3800, s7;
	s13 =	sadd.s32 $0x28800, s10  }
0xf: {  	s12 =	smax.u32 s1, $0x1;
	[dreg:$0x2] =	wrdreg s31;
	s8 =	sadd.s32 s4, s9  }
0x10: {  	s9 =	sadd.s32 s5, s9;
	s10 =	sadd.s32 s4, s13;
	s11 =	sadd.s32 s5, s13  }
0x11: {  	s13 =	sor.u32 $0x800, s14;
	s14 =	sadd.s32 s15, s0;
	s15 =	simm.s32 $0x5  }
.LBB2_1:
0x12: {  	s0 =	rddreg [dreg:$0x2]  }
0x13: {  	[tilespmem:s2], [sflag:$0x5] =	stream.linear.gather [hbm4b:s0+s2], $0x2900, $0x38;
	[tilespmem:$0x15800] =	vst v63  }
0x14: {  	_ =	swait.ge [sflag:s15], $0x2900  }
0x15: {  	[sflag:s15] =	ssyncset.done $0x0  }
0x16: {  	[sflag:s15] =	ssyncadd.s32 $0xFFFFD700  }
0x17: {  	[tilespmem:s16], [sflag:$0x5] =	stream.linear.gather [hbm4b:s7+s2], $0x2900, $0x38;
	[tilespmem:$0x15800] =	vst v63  }
0x18: {  	_ =	swait.ge [sflag:s15], $0x2900  }
0x19: {  	[sflag:s15] =	ssyncset.done $0x0  }
0x1a: {  	[sflag:s15] =	ssyncadd.s32 $0xFFFFD700  }
0x1b: {  	[tilespmem:s18], [sflag:$0x1] =	stream.indirect.gather [hbm4b:s3+s17], $0x80, s2, s17, $0xb8;
	[tilespmem:$0x15800] =	vst v63  }
0x1c: {  	_ = 	snop  }
0x1d: {  	[tilespmem:s19], [sflag:$0x1] =	stream.indirect.gather [hbm4b:s3+s17], $0x80, s16, s17, $0xb8;
	[tilespmem:$0x15800] =	vst v63  }
0x1e: {  	s1 =	simm.s32 $0x80  }
0x1f: {  	[tilespmem:s20], [sflag:$0x2] =	stream.indirect.gather [hbm4b:s3+s17], $0x80, s1, s17, $0xb8;
	[tilespmem:$0x15800] =	vst v63  }
0x20: {  	s6 =	simm.s32 $0x2C80  }
0x21: {  	[tilespmem:s21], [sflag:$0x2] =	stream.indirect.gather [hbm4b:s3+s17], $0x80, s6, s17, $0xb8;
	[tilespmem:$0x15800] =	vst v63  }
0x22: {  	_ =	swait.ge [sflag:s22], $0x4000  }
0x23: {  	[sflag:s22] =	ssyncset.done $0x0  }
0x24: {  	[sflag:s22] =	ssyncadd.s32 $0xFFFFC000  }
0x25: {  	_ =	swait.ge [sflag:s22], $0x4000  }
0x26: {  	[sflag:s22] =	ssyncset.done $0x0  }
0x27: {  	s26 =	sadd.s32 s14, s4;
	[sflag:s22] =	ssyncadd.s32 $0xFFFFC000  }
0x28: {  	[hbm4b:s26+s2] =	stream.linear.scatter [tilespmem:s18], [sflag:$0x3], $0x4000, $0x38;
	[tilespmem:$0x15800] =	vst v63  }
0x29: {  	s28 =	sadd.s32 s14, s5  }
0x2a: {  	[hbm4b:s28+s2] =	stream.linear.scatter [tilespmem:s19], [sflag:$0x3], $0x4000, $0x38;
	[tilespmem:$0x15800] =	vst v63  }
0x2b: {  	_ =	swait.ge [sflag:s23], $0x4000  }
0x2c: {  	[sflag:s23] =	ssyncset.done $0x0  }
0x2d: {  	[sflag:s23] =	ssyncadd.s32 $0xFFFFC000  }
0x2e: {  	_ =	swait.ge [sflag:s23], $0x4000  }
0x2f: {  	[sflag:s23] =	ssyncset.done $0x0  }
0x30: {  	s1 =	sadd.s32 s13, s4;
	[sflag:s23] =	ssyncadd.s32 $0xFFFFC000  }
0x31: {  	[hbm4b:s1+s2] =	stream.linear.scatter [tilespmem:s20], [sflag:$0x4], $0x4000, $0x38;
	[tilespmem:$0x15800] =	vst v63  }
0x32: {  	s6 =	sadd.s32 s13, s5  }
0x33: {  	[hbm4b:s6+s2] =	stream.linear.scatter [tilespmem:s21], [sflag:$0x4], $0x4000, $0x38;
	[tilespmem:$0x15800] =	vst v63  }
0x34: {  	_ =	swait.ge [sflag:s24], $0x4000  }
0x35: {  	[sflag:s24] =	ssyncset.done $0x0  }
0x36: {  	[sflag:s24] =	ssyncadd.s32 $0xFFFFC000  }
0x37: {  	_ =	swait.ge [sflag:s24], $0x4000  }
0x38: {  	[sflag:s24] =	ssyncset.done $0x0  }
0x39: {  	s26 =	simm.s32 $0x100;
	[sflag:s24] =	ssyncadd.s32 $0xFFFFC000  }
0x3a: {  	[tilespmem:s18], [sflag:$0x1] =	stream.indirect.gather [hbm4b:s3+s17], $0x80, s26, s17, $0xb8;
	[tilespmem:$0x15800] =	vst v63  }
0x3b: {  	s28 =	simm.s32 $0x2D00  }
0x3c: {  	[tilespmem:s19], [sflag:$0x1] =	stream.indirect.gather [hbm4b:s3+s17], $0x80, s28, s17, $0xb8;
	[tilespmem:$0x15800] =	vst v63  }
0x3d: {  	_ =	swait.ge [sflag:s25], $0x4000  }
0x3e: {  	[sflag:s25] =	ssyncset.done $0x0  }
0x3f: {  	[sflag:s25] =	ssyncadd.s32 $0xFFFFC000  }
0x40: {  	s31 =	simm.s32 $0x100;
	s30 =	sadd.s32 $0x1000, s13;
	_ =	swait.ge [sflag:s25], $0x4000  }
0x41: {  	s0 =	sadd.s32 $0x1000, s14;
	s1 =	simm.s32 $0x800;
	[sflag:s25] =	ssyncset.done $0x0  }
.LBB2_2:
0x42: {  	s6 =	sadd.s32 $0x80, s31  }
0x43: {  	[sflag:s25] =	ssyncadd.s32 $0xFFFFC000;
	s26 =	smov.u32 s1;
	s28 =	sadd.s32 $0x400, s1  }
0x44: {  	[tilespmem:s20], [sflag:$0x2] =	stream.indirect.gather [hbm4b:s3+s17], $0x80, s6, s17, $0xb8;
	[tilespmem:$0x15800] =	vst v63  }
0x45: {  	p0 =	sne.s32 s1, $0x9C00;
	s1 =	sadd.s32 $0x2C80, s31  }
0x46: {  	[tilespmem:s21], [sflag:$0x2] =	stream.indirect.gather [hbm4b:s3+s17], $0x80, s1, s17, $0xb8;
	[tilespmem:$0x15800] =	vst v63  }
0x47: {  	_ =	swait.ge [sflag:s22], $0x4000  }
0x48: {  	[sflag:s22] =	ssyncset.done $0x0  }
0x49: {  	[sflag:s22] =	ssyncadd.s32 $0xFFFFC000  }
0x4a: {  	_ =	swait.ge [sflag:s22], $0x4000  }
0x4b: {  	[sflag:s22] =	ssyncset.done $0x0  }
0x4c: {  	s1 =	sadd.s32 s0, s4;
	[sflag:s22] =	ssyncadd.s32 $0xFFFFC000  }
0x4d: {  	[hbm4b:s1+s2] =	stream.linear.scatter [tilespmem:s18], [sflag:$0x3], $0x4000, $0x38;
	[tilespmem:$0x15800] =	vst v63  }
0x4e: {  	s1 =	sadd.s32 s0, s5  }
0x4f: {  	[hbm4b:s1+s2] =	stream.linear.scatter [tilespmem:s19], [sflag:$0x3], $0x4000, $0x38;
	[tilespmem:$0x15800] =	vst v63  }
0x50: {  	_ =	swait.ge [sflag:s23], $0x4000  }
0x51: {  	[sflag:s23] =	ssyncset.done $0x0  }
0x52: {  	[sflag:s23] =	ssyncadd.s32 $0xFFFFC000  }
0x53: {  	_ =	swait.ge [sflag:s23], $0x4000  }
0x54: {  	[sflag:s23] =	ssyncset.done $0x0  }
0x55: {  	s1 =	sadd.s32 s30, s4;
	[sflag:s23] =	ssyncadd.s32 $0xFFFFC000  }
0x56: {  	[hbm4b:s1+s2] =	stream.linear.scatter [tilespmem:s20], [sflag:$0x4], $0x4000, $0x38;
	[tilespmem:$0x15800] =	vst v63  }
0x57: {  	s1 =	sadd.s32 s30, s5  }
0x58: {  	[hbm4b:s1+s2] =	stream.linear.scatter [tilespmem:s21], [sflag:$0x4], $0x4000, $0x38;
	[tilespmem:$0x15800] =	vst v63  }
0x59: {  	_ =	swait.ge [sflag:s24], $0x4000  }
0x5a: {  	[sflag:s24] =	ssyncset.done $0x0  }
0x5b: {  	[sflag:s24] =	ssyncadd.s32 $0xFFFFC000  }
0x5c: {  	_ =	swait.ge [sflag:s24], $0x4000  }
0x5d: {  	[sflag:s24] =	ssyncset.done $0x0  }
0x5e: {  	s1 =	sadd.s32 $0x100, s31;
	[sflag:s24] =	ssyncadd.s32 $0xFFFFC000  }
0x5f: {  	[tilespmem:s18], [sflag:$0x1] =	stream.indirect.gather [hbm4b:s3+s17], $0x80, s1, s17, $0xb8;
	[tilespmem:$0x15800] =	vst v63  }
0x60: {  	s1 =	sadd.s32 $0x2D00, s31  }
0x61: {  	[tilespmem:s19], [sflag:$0x1] =	stream.indirect.gather [hbm4b:s3+s17], $0x80, s1, s17, $0xb8;
	[tilespmem:$0x15800] =	vst v63  }
.Ltmp0:
0x62: {  	_ =	swait.ge [sflag:s25], $0x4000;
	(pc) =	sbr.rel @p0 .LBB2_2-.Ltmp0, $4  }
0x63: {  	[sflag:s25] =	ssyncset.done $0x0  }
0x64: {  	[sflag:s25] =	ssyncadd.s32 $0xFFFFC000  }
0x65: {  	s0 =	sadd.s32 $0x1000, s0;
	s30 =	sadd.s32 $0x1000, s30;
	_ =	swait.ge [sflag:s25], $0x4000  }
0x66: {  	s31 =	sshra.s32 s26, $0x2;
	s1 =	smov.u32 s28;
	[sflag:s25] =	ssyncset.done $0x0  }
0x67: {  	s1 =	sadd.s32 $0x80, s31;
	[sflag:s25] =	ssyncadd.s32 $0xFFFFC000  }
0x68: {  	[tilespmem:s20], [sflag:$0x2] =	stream.indirect.gather [hbm4b:s3+s17], $0x80, s1, s17, $0xb8;
	[tilespmem:$0x15800] =	vst v63  }
0x69: {  	s6 =	sadd.s32 $0x2C80, s31  }
0x6a: {  	[tilespmem:s21], [sflag:$0x2] =	stream.indirect.gather [hbm4b:s3+s17], $0x80, s6, s17, $0xb8;
	[tilespmem:$0x15800] =	vst v63  }
0x6b: {  	_ =	swait.ge [sflag:s22], $0x4000  }
0x6c: {  	[sflag:s22] =	ssyncset.done $0x0  }
0x6d: {  	[sflag:s22] =	ssyncadd.s32 $0xFFFFC000  }
0x6e: {  	_ =	swait.ge [sflag:s22], $0x4000  }
0x6f: {  	[sflag:s22] =	ssyncset.done $0x0  }
0x70: {  	s26 =	sadd.s32 s0, s4;
	[sflag:s22] =	ssyncadd.s32 $0xFFFFC000  }
0x71: {  	[hbm4b:s26+s2] =	stream.linear.scatter [tilespmem:s18], [sflag:$0x3], $0x4000, $0x38;
	[tilespmem:$0x15800] =	vst v63  }
0x72: {  	s28 =	sadd.s32 s0, s5  }
0x73: {  	[hbm4b:s28+s2] =	stream.linear.scatter [tilespmem:s19], [sflag:$0x3], $0x4000, $0x38;
	[tilespmem:$0x15800] =	vst v63  }
0x74: {  	_ =	swait.ge [sflag:s23], $0x4000  }
0x75: {  	[sflag:s23] =	ssyncset.done $0x0  }
0x76: {  	[sflag:s23] =	ssyncadd.s32 $0xFFFFC000  }
0x77: {  	_ =	swait.ge [sflag:s23], $0x4000  }
0x78: {  	[sflag:s23] =	ssyncset.done $0x0  }
0x79: {  	s1 =	sadd.s32 s30, s4;
	[sflag:s23] =	ssyncadd.s32 $0xFFFFC000  }
0x7a: {  	[hbm4b:s1+s2] =	stream.linear.scatter [tilespmem:s20], [sflag:$0x4], $0x4000, $0x38;
	[tilespmem:$0x15800] =	vst v63  }
0x7b: {  	s6 =	sadd.s32 s30, s5  }
0x7c: {  	[hbm4b:s6+s2] =	stream.linear.scatter [tilespmem:s21], [sflag:$0x4], $0x4000, $0x38;
	[tilespmem:$0x15800] =	vst v63  }
0x7d: {  	_ =	swait.ge [sflag:s24], $0x4000  }
0x7e: {  	[sflag:s24] =	ssyncset.done $0x0  }
0x7f: {  	[sflag:s24] =	ssyncadd.s32 $0xFFFFC000  }
0x80: {  	_ =	swait.ge [sflag:s24], $0x4000  }
0x81: {  	[sflag:s24] =	ssyncset.done $0x0  }
0x82: {  	s26 =	sadd.s32 $0x100, s31;
	[sflag:s24] =	ssyncadd.s32 $0xFFFFC000  }
0x83: {  	[tilespmem:s18], [sflag:$0x1] =	stream.indirect.gather [hbm4b:s3+s17], $0x80, s26, s17, $0xb8;
	[tilespmem:$0x15800] =	vst v63  }
0x84: {  	s28 =	sadd.s32 $0x2D00, s31  }
0x85: {  	[tilespmem:s19], [sflag:$0x1] =	stream.indirect.gather [hbm4b:s3+s17], $0x80, s28, s17, $0xb8;
	[tilespmem:$0x15800] =	vst v63  }
0x86: {  	_ =	swait.ge [sflag:s25], $0x4000  }
0x87: {  	[sflag:s25] =	ssyncset.done $0x0  }
0x88: {  	[sflag:s25] =	ssyncadd.s32 $0xFFFFC000  }
0x89: {  	_ =	swait.ge [sflag:s25], $0x4000  }
0x8a: {  	[sflag:s25] =	ssyncset.done $0x0  }
0x8b: {  	s30 =	simm.s32 $0x2880;
	[sflag:s25] =	ssyncadd.s32 $0xFFFFC000  }
0x8c: {  	[tilespmem:s20], [sflag:$0x2] =	stream.indirect.gather [hbm4b:s3+s17], $0x80, s30, s17, $0xb8;
	[tilespmem:$0x15800] =	vst v63  }
0x8d: {  	s31 =	simm.s32 $0x5480  }
0x8e: {  	[tilespmem:s21], [sflag:$0x2] =	stream.indirect.gather [hbm4b:s3+s17], $0x80, s31, s17, $0xb8;
	[tilespmem:$0x15800] =	vst v63  }
0x8f: {  	_ =	swait.ge [sflag:s22], $0x4000  }
0x90: {  	[sflag:s22] =	ssyncset.done $0x0  }
0x91: {  	[sflag:s22] =	ssyncadd.s32 $0xFFFFC000  }
0x92: {  	_ =	swait.ge [sflag:s22], $0x4000  }
0x93: {  	[sflag:s22] =	ssyncset.done $0x0  }
0x94: {  	[sflag:s22] =	ssyncadd.s32 $0xFFFFC000  }
0x95: {  	[hbm4b:s8+s2] =	stream.linear.scatter [tilespmem:s18], [sflag:$0x3], $0x4000, $0x38;
	[tilespmem:$0x15800] =	vst v63  }
0x96: {  	_ = 	snop  }
0x97: {  	[hbm4b:s9+s2] =	stream.linear.scatter [tilespmem:s19], [sflag:$0x3], $0x4000, $0x38;
	[tilespmem:$0x15800] =	vst v63  }
0x98: {  	_ =	swait.ge [sflag:s23], $0x4000  }
0x99: {  	[sflag:s23] =	ssyncset.done $0x0  }
0x9a: {  	[sflag:s23] =	ssyncadd.s32 $0xFFFFC000  }
0x9b: {  	_ =	swait.ge [sflag:s23], $0x4000  }
0x9c: {  	[sflag:s23] =	ssyncset.done $0x0  }
0x9d: {  	[sflag:s23] =	ssyncadd.s32 $0xFFFFC000  }
0x9e: {  	[hbm4b:s10+s2] =	stream.linear.scatter [tilespmem:s20], [sflag:$0x4], $0x4000, $0x38;
	[tilespmem:$0x15800] =	vst v63  }
0x9f: {  	_ = 	snop  }
0xa0: {  	[hbm4b:s11+s2] =	stream.linear.scatter [tilespmem:s21], [sflag:$0x4], $0x4000, $0x38;
	[tilespmem:$0x15800] =	vst v63  }
0xa1: {  	_ =	swait.ge [sflag:s24], $0x4000  }
0xa2: {  	[sflag:s24] =	ssyncset.done $0x0  }
0xa3: {  	[sflag:s24] =	ssyncadd.s32 $0xFFFFC000  }
0xa4: {  	_ =	swait.ge [sflag:s24], $0x4000  }
0xa5: {  	[sflag:s24] =	ssyncset.done $0x0  }
0xa6: {  	s29 =	sadd.s32 $0x1, s29;
	[sflag:s24] =	ssyncadd.s32 $0xFFFFC000  }
0xa7: {  	p0 =	sne.s32 s29, s12;
	_ =	swait.ge [sflag:s25], $0x4000  }
.Ltmp1:
0xa8: {  	[sflag:s25] =	ssyncset.done $0x0;
	(pc) =	sbr.rel @p0 .LBB2_1-.Ltmp1, $4  }
0xa9: {  	[sflag:s25] =	ssyncadd.s32 $0xFFFFC000  }
0xaa: {  	_ =	swait.ge [sflag:s25], $0x4000  }
0xab: {  	[sflag:s25] =	ssyncset.done $0x0  }
0xac: {  	[sflag:s25] =	ssyncadd.s32 $0xFFFFC000  }
0xad: {  	_ =	sfence.sel $0x180000  }
0xae: {  	[bflag:$0x0] =	sbarrier.arrive $0xFFFF  }
0xaf: {  	_ =	strace $0x9000004D  }
0xb0: {  	s0 =	stileid.u32;
	[bflag:$0x2] =	sbarrier.arrive $0xFFFF  }
0xb1: {  	p0 =	sne.s32 s0, $0x0;
	s0 =	rddreg [dreg:$0x1]  }
0xb2: {  	s0 =	sadd.s32 @!p0 $0x100000, s0  }
0xb3: {  	[sflag:s0] =	ssyncadd.tile.s32 @!p0 $0x1;
	_ =	shalt  }
.Lfunc_end2:
_tile_overlayer_lowered:
.L_overlay_start_2:
0xb4: {  	(tag) =	ssettag $0x2  }
0xb5: {  	s0 =	rddreg [dreg:$0x0];
	s2 =	stileid.u32  }
0xb6: {  	s1 =	rddreg [dreg:$0x1];
	p0 =	sne.s32 s2, $0x0  }
0xb7: {  	s3 =	rddreg [dreg:$0x2];
	[bflag:$0x3] =	sbarrier.arrive $0xFFFF;
	s2 =	simm.s32 @!p0 $0x1C05  }
0xb8: {  	[timem:s3], [sflag:s2] =	dma.local @!p0 [hbm:s0], s1  }
0xb9: {  	s0 =	simm.s32 @!p0 $0x5  }
0xba: {  	_ =	swait.ge @!p0 [sflag:s0], s1  }
0xbb: {  	s1 =	ssub.s32 @!p0 $0x0, s1;
	[sflag:s0] =	ssyncset.done @!p0 $0x0  }
0xbc: {  	[sflag:s0] =	ssyncadd.s32 @!p0 s1  }
0xbd: {  	[bflag:$0x3] =	sbarrier.arrive $0xFFFF  }
0xbe: {  	_ =	shalt  }

// kernel: kernel.21.cloned.1.call-start
scs
__scs_entry_jumppad:
0x0: {  	(pc) =	sbr.rel $0x88, $3  }
0x1: {  	(tag) =	ssettag $0x0;
	lr =	simm.s32 $0x1  }
0x2: {  	[smem:$0x3F97] =	sst lr;
	_ =	strace $0xD0000000  }
0x3: {  	_ = 	snop  }
0x4: {  	_ = 	snop  }
0x5: {  	_ = 	snop  }
0x6: {  	_ = 	snop  }
0x7: {  	_ = 	snop  }
__scs_overlays_trampoline_lowered:
0x8: {  	[smem:$0x3FA6] =	sst s0  }
0x9: {  	[smem:$0x3FA7] =	sst s1  }
0xa: {  	[smem:$0x3FA8] =	sst s2  }
0xb: {  	[smem:$0x3FA9] =	sst s3  }
0xc: {  	[smem:$0x3FAA] =	sst s4  }
0xd: {  	[smem:$0x3FAB] =	sst s5  }
0xe: {  	[smem:$0x3FAC] =	sst s6  }
0xf: {  	[smem:$0x3FAD] =	sst s7  }
0x10: {  	[smem:$0x3FAE] =	sst s8  }
0x11: {  	[smem:$0x3FAF] =	sst s9;
	s0 =	simm.s32 @!p0 $0x0  }
0x12: {  	s1 =	sld [smem:$0x3F95];
	s0 =	simm.s32 @p0 $0x1  }
0x13: {  	[smem:$0x3FB0] =	sst s0;
	s0 =	simm.s32 @!p1 $0x0  }
0x14: {  	s2 =	sld [smem:$0x3F94];
	s0 =	simm.s32 @p1 $0x1  }
0x15: {  	[smem:$0x3FB1] =	sst s0;
	s0 =	simm.s32 @!p2 $0x0  }
0x16: {  	s3 =	sld [smem:$0x3FDB];
	s0 =	simm.s32 @p2 $0x1  }
0x17: {  	s4 =	simm.s32 $0x1BF5;
	[smem:$0x3FB3] =	sst s0  }
0x18: {  	s0 =	sld [smem:$0x3F96];
	_ =	swait.ge [sflag:s4], $0x0  }
0x19: {  	s7 =	sld [smem:$0x3F97]  }
0x1a: {  	s8 =	sadd.s32 $0xFFFFE003, lr  }
0x1b: {  	s9 =	sadd.s32 $0xFFFFFEF7, lr;
	s5 =	simm.s32 $0xFFFFFFFF;
	p2 =	slt.u32 s8, $0xFFFFF086  }
0x1c: {  	p1 =	slt.u32 s9, $0xF7A;
	s5 =	simm.s32 @!p2 $0x0  }
0x1d: {  	s5 =	simm.s32 @p1 $0x1;
	p0 =	seq.s32 s7, s2  }
0x1e: {  	s7 =	smul.u32 @!p0 $0xF7A, s2;
	p2 =	seq.s32 @!p0 s5, $0x0  }
0x1f: {  	s9 =	smul.u32 $0xF7A, s1;
	s8 =	simm.s32 @!p0 $0x1BF5;
	p2 =	por !p2, p0  }
0x20: {  	[sflag:s8] =	ssyncset.s32 @!p0 $0xFFFFF086;
	s6 =	sadd.s32 @!p0 s3, s7;
	s7 =	simm.s32 @!p0 $0x108  }
0x21: {  	s3 =	sadd.s32 s3, s9;
	s6 =	sadd.s32 @!p0 $0x88, s6;
	s7 =	simm.s32 @p2 $0x1082  }
0x22: {  	[simem:s7], [sflag:s8] =	dma.local @!p0 [hbm:s6], $0xF7A  }
0x23: {  	s9 =	sor.u32 $0xD0000000, s2;
	s6 =	simm.s32 $0x108;
	_ =	swait.ge @!p0 [sflag:s8], $0x0  }
0x24: {  	s3 =	sadd.s32 $0x88, s3;
	s6 =	simm.s32 @!p1 $0x1082;
	[sflag:s4] =	ssyncset.s32 $0xFFFFF086  }
0x25: {  	[simem:s6], [sflag:s4] =	dma.local [hbm:s3], $0xF7A  }
0x26: {  	[smem:$0x3F97] =	sst s1;
	(tag) =	ssettag s2;
	_ =	strace s9  }
0x27: {  	s1 =	sld [smem:$0x3FA7]  }
0x28: {  	s2 =	sld [smem:$0x3FA8]  }
0x29: {  	s4 =	sld [smem:$0x3FAA]  }
0x2a: {  	p0 =	seq.s32 s5, $0x0;
	s5 =	sld [smem:$0x3FAB]  }
0x2b: {  	s6 =	sld [smem:$0x3FAC]  }
0x2c: {  	s7 =	sld [smem:$0x3FAD]  }
0x2d: {  	s3 =	simm.s32 $0x108;
	s8 =	sld [smem:$0x3FAE]  }
0x2e: {  	s3 =	simm.s32 @!p0 $0x1082;
	s9 =	sld [smem:$0x3FAF]  }
0x2f: {  	lr =	sadd.s32 s0, s3;
	s0 =	sld [smem:$0x3FA6]  }
0x30: {  	s3 =	sld [smem:$0x3FA9]  }
0x31: {  	[smem:$0x3FB2] =	sst s10  }
0x32: {  	s10 =	sld [smem:$0x3FB0];
	_ =	sdelay $0x3  }
0x33: {  	p0 =	seq.s32 s10, $0x1;
	s10 =	sld [smem:$0x3FB2];
	_ =	sdelay $0x3  }
0x34: {  	[smem:$0x3FB2] =	sst s10  }
0x35: {  	s10 =	sld [smem:$0x3FB1];
	_ =	sdelay $0x3  }
0x36: {  	p1 =	seq.s32 s10, $0x1;
	s10 =	sld [smem:$0x3FB2];
	_ =	sdelay $0x3  }
0x37: {  	[smem:$0x3FB2] =	sst s10  }
0x38: {  	s10 =	sld [smem:$0x3FB3]  }
0x39: {  	_ = 	snop;
	(pc) =	sbr.ind lr, $3  }
0x3a: {  	_ = 	snop  }
0x3b: {  	_ = 	snop  }
0x3c: {  	p2 =	seq.s32 s10, $0x1;
	s10 =	sld [smem:$0x3FB2]  }
0x3d: {  	_ =	shalt  }
0x3e: {  	_ =	shalt  }
0x3f: {  	_ =	shalt  }
0x40: {  	_ =	shalt  }
0x41: {  	_ =	shalt  }
0x42: {  	_ =	shalt  }
0x43: {  	_ =	shalt  }
0x44: {  	_ =	shalt  }
0x45: {  	_ =	shalt  }
0x46: {  	_ =	shalt  }
0x47: {  	_ =	shalt  }
0x48: {  	_ =	shalt  }
0x49: {  	_ =	shalt  }
0x4a: {  	_ =	shalt  }
0x4b: {  	_ =	shalt  }
0x4c: {  	_ =	shalt  }
0x4d: {  	_ =	shalt  }
0x4e: {  	_ =	shalt  }
0x4f: {  	_ =	shalt  }
0x50: {  	_ =	shalt  }
0x51: {  	_ =	shalt  }
0x52: {  	_ =	shalt  }
0x53: {  	_ =	shalt  }
0x54: {  	_ =	shalt  }
0x55: {  	_ =	shalt  }
0x56: {  	_ =	shalt  }
0x57: {  	_ =	shalt  }
0x58: {  	_ =	shalt  }
0x59: {  	_ =	shalt  }
0x5a: {  	_ =	shalt  }
0x5b: {  	_ =	shalt  }
0x5c: {  	_ =	shalt  }
0x5d: {  	_ =	shalt  }
0x5e: {  	_ =	shalt  }
0x5f: {  	_ =	shalt  }
0x60: {  	_ =	shalt  }
0x61: {  	_ =	shalt  }
0x62: {  	_ =	shalt  }
0x63: {  	_ =	shalt  }
0x64: {  	_ =	shalt  }
0x65: {  	_ =	shalt  }
0x66: {  	_ =	shalt  }
0x67: {  	_ =	shalt  }
0x68: {  	_ =	shalt  }
0x69: {  	_ =	shalt  }
0x6a: {  	_ =	shalt  }
0x6b: {  	_ =	shalt  }
0x6c: {  	_ =	shalt  }
0x6d: {  	_ =	shalt  }
0x6e: {  	_ =	shalt  }
0x6f: {  	_ =	shalt  }
0x70: {  	_ =	shalt  }
0x71: {  	_ =	shalt  }
0x72: {  	_ =	shalt  }
0x73: {  	_ =	shalt  }
0x74: {  	_ =	shalt  }
0x75: {  	_ =	shalt  }
0x76: {  	_ =	shalt  }
0x77: {  	_ =	shalt  }
0x78: {  	_ =	shalt  }
0x79: {  	_ =	shalt  }
0x7a: {  	_ =	shalt  }
0x7b: {  	_ =	shalt  }
0x7c: {  	_ =	shalt  }
0x7d: {  	_ =	shalt  }
0x7e: {  	_ =	shalt  }
0x7f: {  	_ =	shalt  }
0x80: {  	_ =	shalt  }
0x81: {  	_ =	shalt  }
0x82: {  	_ =	shalt  }
0x83: {  	_ =	shalt  }
0x84: {  	_ =	shalt  }
0x85: {  	_ =	shalt  }
0x86: {  	_ =	shalt  }
0x87: {  	_ =	shalt  }
.Lfunc_end0:
.L_simem_size_0:
called_computation.3_lowered:
.L_overlay_start_0:
0x88: {  	s2 =	sld [smem:$0x3FD9]  }
0x89: {  	s3 =	sld [smem:$0x3FFE];
	_ =	sdelay $0x1  }
0x8a: {  	s1 =	srdreg.scid  }
0x8b: {  	s0 =	sand.u32 $0x1, s1  }
0x8c: {  	s15 =	sshll.u32 s0, $0xA;
	s2 =	sadd.s32 s3, s2  }
0x8d: {  	s2 =	sadd.s32 s2, s15  }
0x8e: {  	[smem:$0x3FBE] =	sst s2  }
0x8f: {  	_ = 	snop  }
0x90: {  	s2 =	sld [smem:$0x3FD0];
	_ =	sdelay $0x2  }
0x91: {  	s16 =	simm.s32 $0xB;
	s4 =	simm.s32 $0x10  }
0x92: {  	[smem:s4], [sflag:s16] =	dma.local [hbm:s2], $0x1  }
0x93: {  	_ =	swait.eq [sflag:s16], $0x1  }
0x94: {  	[sflag:s16] =	ssyncset.done $0x0  }
0x95: {  	[sflag:s16] =	ssyncadd.s32 $0xFFFFFFFF  }
0x96: {  	s17 =	sld [smem:$0x10];
	(tm) =	ssettm $0x1  }
0x97: {  	s18 =	sld [smem:$0x3FFB];
	_ =	sdelay $0x3  }
0x98: {  	_ =	strace s18  }
0x99: {  	s2 =	sld [smem:$0x3FFC];
	_ =	sdelay $0x3  }
0x9a: {  	_ =	strace s2  }
0x9b: {  	s2 =	sld [smem:$0x3FFD];
	_ =	sdelay $0x3  }
0x9c: {  	_ =	strace s2  }
0x9d: {  	_ =	strace $0x8FFFFFFF  }
0x9e: {  	s19 =	sld [smem:$0x3FDB];
	_ =	sdelay $0x1  }
0x9f: {  	s20 =	simm.s32 $_scs_section_size  }
0xa0: {  	s5 =	simm.s32 $_size__tile_overlayer_lowered;
	s6 =	simm.s32 $_tile_overlayer_lowered  }
0xa1: {  	s7 =	simm.s32 $0x1BFF;
	s21 =	sshll.u32 s6, $0x1;
	s4 =	sadd.s32 s20, s19  }
0xa2: {  	s22 =	simm.s32 $0x0;
	s5 =	sshll.u32 s5, $0x1;
	s6 =	sadd.s32 s21, s4  }
0xa3: {  	[timem:s22], [sflag:s7] =	dma.local [hbm:s6], s5  }
0xa4: {  	_ =	swait.ge [sflag:s7], s5  }
0xa5: {  	s5 =	ssub.s32 $0x0, s5;
	[sflag:s7] =	ssyncset.done $0x0  }
0xa6: {  	[sflag:s7] =	ssyncadd.s32 s5;
	_ =	sdelay $0x1  }
0xa7: {  	s23 =	simm.s32 $0x1B8B  }
0xa8: {  	_ =	swait.ge [sflag:s23], $0x1  }
0xa9: {  	[sflag:s23] =	ssyncset.done $0x0  }
0xaa: {  	[sflag:s23] =	ssyncadd.s32 $0xFFFFFFFF  }
0xab: {  	s5 =	sld [smem:$0x0]  }
0xac: {  	s6 =	sand.u32 $0xFFFFFFFE, s1  }
0xad: {  	p0 =	sne.s32 s1, s6  }
0xae: {  	s6 =	sshll.u32 @p0 s6, $0xE  }
0xaf: {  	s6 =	sadd.s32 @p0 $0x11B8D, s6;
	s7 =	sshll.u32 @p0 s5, $0x11  }
0xb0: {  	s6 =	sor.u32 @p0 s7, s6  }
0xb1: {  	[sflag:s6] =	ssyncadd.remote.s32 @p0 $0x1;
	_ =	sdelay $0x1  }
0xb2: {  	s6 =	simm.s32 @p0 $0x1B8D  }
0xb3: {  	_ =	swait.eq @p0 [sflag:s6], $0x1  }
0xb4: {  	[sflag:s6] =	ssyncadd.s32 @p0 $0xFFFFFFFF  }
0xb5: {  	s7 =	sshll.u32 @!p0 s1, $0xE  }
0xb6: {  	s7 =	sor.u32 @!p0 $0x4000, s7;
	s6 =	simm.s32 @!p0 $0x1B8D  }
0xb7: {  	s5 =	sshll.u32 @!p0 s5, $0x11;
	s7 =	sadd.s32 @!p0 $0x11B8D, s7;
	_ =	swait.eq @!p0 [sflag:s6], $0x1  }
0xb8: {  	s5 =	sor.u32 @!p0 s5, s7;
	[sflag:s6] =	ssyncadd.s32 @!p0 $0xFFFFFFFF  }
0xb9: {  	s25 =	simm.s32 $0x1B8E;
	s24 =	sld [smem:$0x3FFE];
	[sflag:s5] =	ssyncadd.remote.s32 @!p0 $0x1  }
0xba: {  	s26 =	simm.s32 $execute0_lowered;
	[smem:$0x3FD2] =	sst s25  }
0xbb: {  	s6 =	sshll.u32 s26, $0x1;
	_ =	strace $0x80000052;
	[dreg:$0x1] =	wrdreg $0xFFFFFFFF  }
0xbc: {  	s28 =	simm.s32 $_size_execute0_lowered;
	s4 =	sadd.s32 s4, s6;
	[dreg:$0x0] =	wrdreg $0x0  }
0xbd: {  	s6 =	sshll.u32 s28, $0x1;
	[dreg:$0x2] =	wrdreg s4  }
0xbe: {  	[dreg:$0x3] =	wrdreg s6  }
0xbf: {  	[dreg:$0x4] =	wrdreg $0xC0  }
0xc0: {  	_ =	task [dreg:s22], $0x5FFFF  }
0xc1: {  	[dreg:$0x1] =	wrdreg $0xFFFFFFFF  }
0xc2: {  	[dreg:$0x0] =	wrdreg $0x60  }
0xc3: {  	[dreg:$0x2] =	wrdreg s24  }
0xc4: {  	[dreg:$0x3] =	wrdreg s17  }
0xc5: {  	[dreg:$0x4] =	wrdreg $0xAC000  }
0xc6: {  	[dreg:$0x5] =	wrdreg $0x9  }
0xc7: {  	_ =	task.clear_ibuf [dreg:s22], $0x6FFFF;
	_ =	strace $0x90000052  }
0xc8: {  	s29 =	simm.s32 $0x9;
	_ =	strace $0x80000054  }
0xc9: {  	_ =	swait.ge [sflag:s29], $0x1  }
0xca: {  	[sflag:s29] =	ssyncadd.s32 $0xFFFFFFFF  }
0xcb: {  	_ =	strace $0x90000054  }
0xcc: {  	_ =	sfence  }
0xcd: {  	s30 =	sld [smem:$0x0];
	_ =	sdelay $0x2  }
0xce: {  	s31 =	sshll.u32 s1, $0xD;
	s1 =	sshrl.u32 s1, $0x2  }
0xcf: {  	s4 =	sand.u32 $0x4000, s31;
	s1 =	sadd.s32 s1, s30  }
0xd0: {  	s0 =	sor.u32 s4, s0;
	s1 =	sshll.u32 s1, $0x11  }
0xd1: {  	s0 =	sor.u32 s1, s0  }
0xd2: {  	s0 =	sadd.s32 $0x8F2B, s0  }
0xd3: {  	[sflag:s0] =	ssyncadd.remote.s32 $0x1  }
0xd4: {  	_ =	sfence.sel $0xFFFF  }
0xd5: {  	[dreg:$0x0] =	wrdreg $0xFFFFFFFF;
	(pc) =	sbr.abs _section_cstart, $3  }
0xd6: {  	[dreg:$0x1] =	wrdreg $0xFFFFFFFF  }
0xd7: {  	_ =	task.clear_ibuf [dreg:s22], $0x2FFFF;
	_ =	strace $0x9FFFFFFF  }
0xd8: {  	(tm) =	ssettm $0x7FFFFFFF  }
0xd9: {  	_ =	shalt  }
tec
execute0_lowered:
.L_overlay_start_1:
0x0: {  	(tag) =	ssettag $0x1  }
0x1: {  	s6 =	rddreg [dreg:$0x0]  }
0x2: {  	s2 =	rddreg [dreg:$0x1]  }
0x3: {  	s0 =	srdreg.scid;
	s3 =	rddreg [dreg:$0x2];
	s4 =	simm.s32 $0x0  }
0x4: {  	s16 =	simm.s32 $0x6C00;
	s17 =	simm.s32 $0x1;
	s18 =	simm.s32 $0x80  }
0x5: {  	s19 =	simm.s32 $0x2;
	s20 =	simm.s32 $0x3;
	s5 =	sand.u32 $0x1, s0  }
0x6: {  	s21 =	simm.s32 $0x4;
	s0 =	stileid.u32;
	s9 =	smul.u32 $0x13C000, s5  }
0x7: {  	s22 =	simm.s32 $0x2800;
	s23 =	simm.s32 $0x2880;
	s10 =	smul.u32 $0x13C00, s0  }
0x8: {  	s24 =	simm.s32 $0x0;
	[smem:$0x7FF] =	sst s4;
	s12 =	smul.u32 $0x4F000, s0  }
0x9: {  	s11 =	sadd.s32 $0xFABC00, s6;
	s1 =	sshll.u32 s5, $0x4;
	s26 =	smul.u32 $0x520, s5  }
0xa: {  	s25 =	ssub.s32 $0x2, s5;
	s29 =	sshll.u32 s0, $0x6;
	s30 =	smul.u32 $0x52, s0  }
0xb: {  	s7 =	sor.u32 s0, s1;
	s1 =	rddreg [dreg:$0x3];
	_ =	strace $0x80000053  }
0xc: {  	s13 =	sshrl.u32 s25, $0x1;
	s5 =	sor.u32 $0x1C05, s29;
	s8 =	smul.u32 $0x580, s7  }
0xd: {  	s9 =	sadd.s32 s10, s9;
	s14 =	smul.u32 $0x148000, s7;
	s10 =	ssub.s32 s25, s13  }
0xe: {  	s28 =	sshrl.u32 s12, $0x2;
	s7 =	smul.u32 $0x29000, s7;
	s12 =	sadd.s32 s30, s26  }
0xf: {  	s9 =	sshrl.u32 s9, $0x3;
	s15 =	sadd.s32 s28, s3;
	s12 =	sshll.u32 s12, $0xB  }
0x10: {  	s10 =	smax.u32 s10, $0x1;
	s8 =	sadd.s32 s8, s6;
	s9 =	sadd.s32 s9, s6  }
0x11: {  	s31 =	sshrl.u32 s14, $0x3;
	s7 =	sadd.s32 s11, s7;
	s12 =	sadd.s32 s12, s11  }
0x12: {  	s13 =	sshrl.u32 s15, $0x3;
	s14 =	simm.s32 $0x5;
	s15 =	simm.s32 $0x2C00  }
0x13: {  	s6 =	sadd.s32 $0xA80C00, s8;
	s8 =	sadd.s32 s11, s31;
	s9 =	sadd.s32 $0x52800, s9  }
0x14: {  	s11 =	sadd.s32 $0x1000, s12;
	s12 =	sadd.s32 $0x800, s12;
	s8 =	sadd.s32 $0x28800, s8  }
.LBB2_1:
0x15: {  	[spmem:s13], [sflag:s5] =	dma.local [hbm:s2], $0x2780  }
0x16: {  	_ =	swait.ge [sflag:s14], $0x2780  }
0x17: {  	[sflag:s14] =	ssyncset.done $0x0  }
0x18: {  	[sflag:s14] =	ssyncadd.s32 $0xFFFFD880  }
0x19: {  	[tilespmem:s4], [sflag:$0x5] =	stream.linear.gather [hbm4b:s6+s4], $0x2900, $0x38;
	[tilespmem:$0x1E800] =	vst v63  }
0x1a: {  	_ =	swait.ge [sflag:s14], $0x2900  }
0x1b: {  	[sflag:s14] =	ssyncset.done $0x0  }
0x1c: {  	[sflag:s14] =	ssyncadd.s32 $0xFFFFD700  }
0x1d: {  	[bflag:$0x0] =	sbarrier.arrive $0xFFFF  }
0x1e: {  	[tilespmem:s15], [sflag:$0x1] =	stream.linear.gather [hbm4b:s7+s4], $0x4000, $0x38;
	[tilespmem:$0x1E800] =	vst v63  }
0x1f: {  	s25 =	sadd.s32 $0x0, s12  }
0x20: {  	[tilespmem:s16], [sflag:$0x2] =	stream.linear.gather [hbm4b:s25+s4], $0x4000, $0x38;
	[tilespmem:$0x1E800] =	vst v63  }
0x21: {  	_ =	swait.ge [sflag:s17], $0x4000  }
0x22: {  	[sflag:s17] =	ssyncset.done $0x0  }
0x23: {  	[sflag:s17] =	ssyncadd.s32 $0xFFFFC000  }
0x24: {  	[spmem:s3] =	stream.indirect.scatter.add.f32 [tilespmem:s15], [sflag:$0x3], $0x80, s4, s18, $0xb8;
	[tilespmem:$0x1E800] =	vst v63  }
0x25: {  	_ =	swait.ge [sflag:s19], $0x4000  }
0x26: {  	[sflag:s19] =	ssyncset.done $0x0  }
0x27: {  	s30 =	simm.s32 $0x80;
	[sflag:s19] =	ssyncadd.s32 $0xFFFFC000  }
0x28: {  	[spmem:s3] =	stream.indirect.scatter.add.f32 [tilespmem:s16], [sflag:$0x4], $0x80, s30, s18, $0xb8;
	[tilespmem:$0x1E800] =	vst v63  }
0x29: {  	_ =	swait.ge [sflag:s20], $0x4000  }
0x2a: {  	[sflag:s20] =	ssyncset.done $0x0  }
0x2b: {  	s31 =	sadd.s32 $0x0, s11;
	[sflag:s20] =	ssyncadd.s32 $0xFFFFC000  }
0x2c: {  	[tilespmem:s15], [sflag:$0x1] =	stream.linear.gather [hbm4b:s31+s4], $0x4000, $0x38;
	[tilespmem:$0x1E800] =	vst v63  }
0x2d: {  	s28 =	simm.s32 $0x2000;
	_ =	swait.ge [sflag:s21], $0x4000  }
0x2e: {  	s26 =	simm.s32 $0x100;
	s25 =	simm.s32 $0x1000;
	[sflag:s21] =	ssyncset.done $0x0  }
.LBB2_2:
0x2f: {  	s29 =	sadd.s32 s25, s12  }
0x30: {  	[sflag:s21] =	ssyncadd.s32 $0xFFFFC000;
	s30 =	smov.u32 s28;
	s31 =	sadd.s32 $0x1000, s28  }
0x31: {  	[tilespmem:s16], [sflag:$0x2] =	stream.linear.gather [hbm4b:s29+s4], $0x4000, $0x38;
	[tilespmem:$0x1E800] =	vst v63  }
0x32: {  	p0 =	sne.s32 s28, $0x27000;
	_ =	swait.ge [sflag:s17], $0x4000  }
0x33: {  	[sflag:s17] =	ssyncset.done $0x0  }
0x34: {  	[sflag:s17] =	ssyncadd.s32 $0xFFFFC000  }
0x35: {  	[spmem:s3] =	stream.indirect.scatter.add.f32 [tilespmem:s15], [sflag:$0x3], $0x80, s26, s18, $0xb8;
	[tilespmem:$0x1E800] =	vst v63  }
0x36: {  	_ =	swait.ge [sflag:s19], $0x4000  }
0x37: {  	[sflag:s19] =	ssyncset.done $0x0  }
0x38: {  	s28 =	sadd.s32 $0x80, s26;
	[sflag:s19] =	ssyncadd.s32 $0xFFFFC000  }
0x39: {  	[spmem:s3] =	stream.indirect.scatter.add.f32 [tilespmem:s16], [sflag:$0x4], $0x80, s28, s18, $0xb8;
	[tilespmem:$0x1E800] =	vst v63  }
0x3a: {  	_ =	swait.ge [sflag:s20], $0x4000  }
.Ltmp0:
0x3b: {  	[sflag:s20] =	ssyncset.done $0x0;
	(pc) =	sbr.rel @p0 .LBB2_2-.Ltmp0, $4  }
0x3c: {  	s28 =	sadd.s32 s25, s11;
	s25 =	smov.u32 s30;
	[sflag:s20] =	ssyncadd.s32 $0xFFFFC000  }
0x3d: {  	[tilespmem:s15], [sflag:$0x1] =	stream.linear.gather [hbm4b:s28+s4], $0x4000, $0x38;
	[tilespmem:$0x1E800] =	vst v63  }
0x3e: {  	_ =	swait.ge [sflag:s21], $0x4000  }
0x3f: {  	s26 =	sadd.s32 $0x100, s26;
	s28 =	smov.u32 s31;
	[sflag:s21] =	ssyncset.done $0x0  }
0x40: {  	s28 =	sadd.s32 s25, s12;
	[sflag:s21] =	ssyncadd.s32 $0xFFFFC000  }
0x41: {  	[tilespmem:s16], [sflag:$0x2] =	stream.linear.gather [hbm4b:s28+s4], $0x4000, $0x38;
	[tilespmem:$0x1E800] =	vst v63  }
0x42: {  	_ =	swait.ge [sflag:s17], $0x4000  }
0x43: {  	[sflag:s17] =	ssyncset.done $0x0  }
0x44: {  	[sflag:s17] =	ssyncadd.s32 $0xFFFFC000  }
0x45: {  	[spmem:s3] =	stream.indirect.scatter.add.f32 [tilespmem:s15], [sflag:$0x3], $0x80, s26, s18, $0xb8;
	[tilespmem:$0x1E800] =	vst v63  }
0x46: {  	_ =	swait.ge [sflag:s19], $0x4000  }
0x47: {  	[sflag:s19] =	ssyncset.done $0x0  }
0x48: {  	s30 =	sadd.s32 $0x80, s26;
	[sflag:s19] =	ssyncadd.s32 $0xFFFFC000  }
0x49: {  	[spmem:s3] =	stream.indirect.scatter.add.f32 [tilespmem:s16], [sflag:$0x4], $0x80, s30, s18, $0xb8;
	[tilespmem:$0x1E800] =	vst v63  }
0x4a: {  	_ =	swait.ge [sflag:s20], $0x4000  }
0x4b: {  	[sflag:s20] =	ssyncset.done $0x0  }
0x4c: {  	s31 =	sadd.s32 s25, s11;
	[sflag:s20] =	ssyncadd.s32 $0xFFFFC000  }
0x4d: {  	[tilespmem:s15], [sflag:$0x1] =	stream.linear.gather [hbm4b:s31+s4], $0x4000, $0x38;
	[tilespmem:$0x1E800] =	vst v63  }
0x4e: {  	_ =	swait.ge [sflag:s21], $0x4000  }
0x4f: {  	[sflag:s21] =	ssyncset.done $0x0  }
0x50: {  	[sflag:s21] =	ssyncadd.s32 $0xFFFFC000  }
0x51: {  	[tilespmem:s16], [sflag:$0x2] =	stream.linear.gather [hbm4b:s8+s4], $0x4000, $0x38;
	[tilespmem:$0x1E800] =	vst v63  }
0x52: {  	_ =	swait.ge [sflag:s17], $0x4000  }
0x53: {  	[sflag:s17] =	ssyncset.done $0x0  }
0x54: {  	[sflag:s17] =	ssyncadd.s32 $0xFFFFC000  }
0x55: {  	[spmem:s3] =	stream.indirect.scatter.add.f32 [tilespmem:s15], [sflag:$0x3], $0x80, s22, s18, $0xb8;
	[tilespmem:$0x1E800] =	vst v63  }
0x56: {  	_ =	swait.ge [sflag:s19], $0x4000  }
0x57: {  	[sflag:s19] =	ssyncset.done $0x0  }
0x58: {  	[sflag:s19] =	ssyncadd.s32 $0xFFFFC000  }
0x59: {  	[spmem:s3] =	stream.indirect.scatter.add.f32 [tilespmem:s16], [sflag:$0x4], $0x80, s23, s18, $0xb8;
	[tilespmem:$0x1E800] =	vst v63  }
0x5a: {  	_ =	swait.ge [sflag:s20], $0x4000  }
0x5b: {  	[sflag:s20] =	ssyncset.done $0x0  }
0x5c: {  	[sflag:s20] =	ssyncadd.s32 $0xFFFFC000  }
0x5d: {  	_ =	swait.ge [sflag:s21], $0x4000  }
0x5e: {  	s24 =	sadd.s32 $0x1, s24;
	[sflag:s21] =	ssyncset.done $0x0  }
0x5f: {  	p0 =	sne.s32 s24, s10;
	[sflag:s21] =	ssyncadd.s32 $0xFFFFC000  }
.Ltmp1:
0x60: {  	[bflag:$0x0] =	sbarrier.arrive $0xFFFF;
	(pc) =	sbr.rel @p0 .LBB2_1-.Ltmp1, $4  }
0x61: {  	[hbm:s9], [sflag:s5] =	dma.local [spmem:s13], $0x2780  }
0x62: {  	_ =	swait.ge [sflag:s14], $0x2780  }
0x63: {  	[sflag:s14] =	ssyncset.done $0x0  }
0x64: {  	[sflag:s14] =	ssyncadd.s32 $0xFFFFD880  }
0x65: {  	_ =	sfence.sel $0x180000  }
0x66: {  	[bflag:$0x0] =	sbarrier.arrive $0xFFFF  }
0x67: {  	p0 =	sne.s32 s0, $0x0;
	_ =	strace $0x90000053  }
0x68: {  	s0 =	sadd.s32 @!p0 $0x100000, s1;
	[bflag:$0x2] =	sbarrier.arrive $0xFFFF  }
0x69: {  	[sflag:s0] =	ssyncadd.tile.s32 @!p0 $0x1;
	_ =	shalt  }
.Lfunc_end2:
_tile_overlayer_lowered:
.L_overlay_start_2:
0x6a: {  	(tag) =	ssettag $0x2  }
0x6b: {  	s0 =	rddreg [dreg:$0x0];
	s2 =	stileid.u32  }
0x6c: {  	s1 =	rddreg [dreg:$0x1];
	p0 =	sne.s32 s2, $0x0  }
0x6d: {  	s3 =	rddreg [dreg:$0x2];
	[bflag:$0x3] =	sbarrier.arrive $0xFFFF;
	s2 =	simm.s32 @!p0 $0x1C05  }
0x6e: {  	[timem:s3], [sflag:s2] =	dma.local @!p0 [hbm:s0], s1  }
0x6f: {  	s0 =	simm.s32 @!p0 $0x5  }
0x70: {  	_ =	swait.ge @!p0 [sflag:s0], s1  }
0x71: {  	s1 =	ssub.s32 @!p0 $0x0, s1;
	[sflag:s0] =	ssyncset.done @!p0 $0x0  }
0x72: {  	[sflag:s0] =	ssyncadd.s32 @!p0 s1  }
0x73: {  	[bflag:$0x3] =	sbarrier.arrive $0xFFFF  }
0x74: {  	_ =	shalt  }

// kernel: kernel.24.cloned.1.call-start
scs
__scs_entry_jumppad:
0x0: {  	(pc) =	sbr.rel $0x88, $3  }
0x1: {  	(tag) =	ssettag $0x0;
	lr =	simm.s32 $0x1  }
0x2: {  	[smem:$0x3F97] =	sst lr;
	_ =	strace $0xD0000000  }
0x3: {  	_ = 	snop  }
0x4: {  	_ = 	snop  }
0x5: {  	_ = 	snop  }
0x6: {  	_ = 	snop  }
0x7: {  	_ = 	snop  }
__scs_overlays_trampoline_lowered:
0x8: {  	[smem:$0x3FA6] =	sst s0  }
0x9: {  	[smem:$0x3FA7] =	sst s1  }
0xa: {  	[smem:$0x3FA8] =	sst s2  }
0xb: {  	[smem:$0x3FA9] =	sst s3  }
0xc: {  	[smem:$0x3FAA] =	sst s4  }
0xd: {  	[smem:$0x3FAB] =	sst s5  }
0xe: {  	[smem:$0x3FAC] =	sst s6  }
0xf: {  	[smem:$0x3FAD] =	sst s7  }
0x10: {  	[smem:$0x3FAE] =	sst s8  }
0x11: {  	[smem:$0x3FAF] =	sst s9;
	s0 =	simm.s32 @!p0 $0x0  }
0x12: {  	s1 =	sld [smem:$0x3F95];
	s0 =	simm.s32 @p0 $0x1  }
0x13: {  	[smem:$0x3FB0] =	sst s0;
	s0 =	simm.s32 @!p1 $0x0  }
0x14: {  	s2 =	sld [smem:$0x3F94];
	s0 =	simm.s32 @p1 $0x1  }
0x15: {  	[smem:$0x3FB1] =	sst s0;
	s0 =	simm.s32 @!p2 $0x0  }
0x16: {  	s3 =	sld [smem:$0x3FDB];
	s0 =	simm.s32 @p2 $0x1  }
0x17: {  	s4 =	simm.s32 $0x1BF5;
	[smem:$0x3FB3] =	sst s0  }
0x18: {  	s0 =	sld [smem:$0x3F96];
	_ =	swait.ge [sflag:s4], $0x0  }
0x19: {  	s7 =	sld [smem:$0x3F97]  }
0x1a: {  	s8 =	sadd.s32 $0xFFFFE003, lr  }
0x1b: {  	s9 =	sadd.s32 $0xFFFFFEF7, lr;
	s5 =	simm.s32 $0xFFFFFFFF;
	p2 =	slt.u32 s8, $0xFFFFF086  }
0x1c: {  	p1 =	slt.u32 s9, $0xF7A;
	s5 =	simm.s32 @!p2 $0x0  }
0x1d: {  	s5 =	simm.s32 @p1 $0x1;
	p0 =	seq.s32 s7, s2  }
0x1e: {  	s7 =	smul.u32 @!p0 $0xF7A, s2;
	p2 =	seq.s32 @!p0 s5, $0x0  }
0x1f: {  	s9 =	smul.u32 $0xF7A, s1;
	s8 =	simm.s32 @!p0 $0x1BF5;
	p2 =	por !p2, p0  }
0x20: {  	[sflag:s8] =	ssyncset.s32 @!p0 $0xFFFFF086;
	s6 =	sadd.s32 @!p0 s3, s7;
	s7 =	simm.s32 @!p0 $0x108  }
0x21: {  	s3 =	sadd.s32 s3, s9;
	s6 =	sadd.s32 @!p0 $0x88, s6;
	s7 =	simm.s32 @p2 $0x1082  }
0x22: {  	[simem:s7], [sflag:s8] =	dma.local @!p0 [hbm:s6], $0xF7A  }
0x23: {  	s9 =	sor.u32 $0xD0000000, s2;
	s6 =	simm.s32 $0x108;
	_ =	swait.ge @!p0 [sflag:s8], $0x0  }
0x24: {  	s3 =	sadd.s32 $0x88, s3;
	s6 =	simm.s32 @!p1 $0x1082;
	[sflag:s4] =	ssyncset.s32 $0xFFFFF086  }
0x25: {  	[simem:s6], [sflag:s4] =	dma.local [hbm:s3], $0xF7A  }
0x26: {  	[smem:$0x3F97] =	sst s1;
	(tag) =	ssettag s2;
	_ =	strace s9  }
0x27: {  	s1 =	sld [smem:$0x3FA7]  }
0x28: {  	s2 =	sld [smem:$0x3FA8]  }
0x29: {  	s4 =	sld [smem:$0x3FAA]  }
0x2a: {  	p0 =	seq.s32 s5, $0x0;
	s5 =	sld [smem:$0x3FAB]  }
0x2b: {  	s6 =	sld [smem:$0x3FAC]  }
0x2c: {  	s7 =	sld [smem:$0x3FAD]  }
0x2d: {  	s3 =	simm.s32 $0x108;
	s8 =	sld [smem:$0x3FAE]  }
0x2e: {  	s3 =	simm.s32 @!p0 $0x1082;
	s9 =	sld [smem:$0x3FAF]  }
0x2f: {  	lr =	sadd.s32 s0, s3;
	s0 =	sld [smem:$0x3FA6]  }
0x30: {  	s3 =	sld [smem:$0x3FA9]  }
0x31: {  	[smem:$0x3FB2] =	sst s10  }
0x32: {  	s10 =	sld [smem:$0x3FB0];
	_ =	sdelay $0x3  }
0x33: {  	p0 =	seq.s32 s10, $0x1;
	s10 =	sld [smem:$0x3FB2];
	_ =	sdelay $0x3  }
0x34: {  	[smem:$0x3FB2] =	sst s10  }
0x35: {  	s10 =	sld [smem:$0x3FB1];
	_ =	sdelay $0x3  }
0x36: {  	p1 =	seq.s32 s10, $0x1;
	s10 =	sld [smem:$0x3FB2];
	_ =	sdelay $0x3  }
0x37: {  	[smem:$0x3FB2] =	sst s10  }
0x38: {  	s10 =	sld [smem:$0x3FB3]  }
0x39: {  	_ = 	snop;
	(pc) =	sbr.ind lr, $3  }
0x3a: {  	_ = 	snop  }
0x3b: {  	_ = 	snop  }
0x3c: {  	p2 =	seq.s32 s10, $0x1;
	s10 =	sld [smem:$0x3FB2]  }
0x3d: {  	_ =	shalt  }
0x3e: {  	_ =	shalt  }
0x3f: {  	_ =	shalt  }
0x40: {  	_ =	shalt  }
0x41: {  	_ =	shalt  }
0x42: {  	_ =	shalt  }
0x43: {  	_ =	shalt  }
0x44: {  	_ =	shalt  }
0x45: {  	_ =	shalt  }
0x46: {  	_ =	shalt  }
0x47: {  	_ =	shalt  }
0x48: {  	_ =	shalt  }
0x49: {  	_ =	shalt  }
0x4a: {  	_ =	shalt  }
0x4b: {  	_ =	shalt  }
0x4c: {  	_ =	shalt  }
0x4d: {  	_ =	shalt  }
0x4e: {  	_ =	shalt  }
0x4f: {  	_ =	shalt  }
0x50: {  	_ =	shalt  }
0x51: {  	_ =	shalt  }
0x52: {  	_ =	shalt  }
0x53: {  	_ =	shalt  }
0x54: {  	_ =	shalt  }
0x55: {  	_ =	shalt  }
0x56: {  	_ =	shalt  }
0x57: {  	_ =	shalt  }
0x58: {  	_ =	shalt  }
0x59: {  	_ =	shalt  }
0x5a: {  	_ =	shalt  }
0x5b: {  	_ =	shalt  }
0x5c: {  	_ =	shalt  }
0x5d: {  	_ =	shalt  }
0x5e: {  	_ =	shalt  }
0x5f: {  	_ =	shalt  }
0x60: {  	_ =	shalt  }
0x61: {  	_ =	shalt  }
0x62: {  	_ =	shalt  }
0x63: {  	_ =	shalt  }
0x64: {  	_ =	shalt  }
0x65: {  	_ =	shalt  }
0x66: {  	_ =	shalt  }
0x67: {  	_ =	shalt  }
0x68: {  	_ =	shalt  }
0x69: {  	_ =	shalt  }
0x6a: {  	_ =	shalt  }
0x6b: {  	_ =	shalt  }
0x6c: {  	_ =	shalt  }
0x6d: {  	_ =	shalt  }
0x6e: {  	_ =	shalt  }
0x6f: {  	_ =	shalt  }
0x70: {  	_ =	shalt  }
0x71: {  	_ =	shalt  }
0x72: {  	_ =	shalt  }
0x73: {  	_ =	shalt  }
0x74: {  	_ =	shalt  }
0x75: {  	_ =	shalt  }
0x76: {  	_ =	shalt  }
0x77: {  	_ =	shalt  }
0x78: {  	_ =	shalt  }
0x79: {  	_ =	shalt  }
0x7a: {  	_ =	shalt  }
0x7b: {  	_ =	shalt  }
0x7c: {  	_ =	shalt  }
0x7d: {  	_ =	shalt  }
0x7e: {  	_ =	shalt  }
0x7f: {  	_ =	shalt  }
0x80: {  	_ =	shalt  }
0x81: {  	_ =	shalt  }
0x82: {  	_ =	shalt  }
0x83: {  	_ =	shalt  }
0x84: {  	_ =	shalt  }
0x85: {  	_ =	shalt  }
0x86: {  	_ =	shalt  }
0x87: {  	_ =	shalt  }
.Lfunc_end0:
.L_simem_size_0:
called_computation.4_lowered:
.L_overlay_start_0:
0x88: {  	s2 =	sld [smem:$0x3FD9]  }
0x89: {  	s3 =	sld [smem:$0x3FFE];
	_ =	sdelay $0x1  }
0x8a: {  	s1 =	srdreg.scid  }
0x8b: {  	s0 =	sand.u32 $0x1, s1  }
0x8c: {  	s14 =	sshll.u32 s0, $0xA;
	s2 =	sadd.s32 s3, s2  }
0x8d: {  	s2 =	sadd.s32 s2, s14  }
0x8e: {  	[smem:$0x3FBE] =	sst s2  }
0x8f: {  	_ = 	snop  }
0x90: {  	s2 =	sld [smem:$0x3FD0];
	_ =	sdelay $0x2  }
0x91: {  	s15 =	simm.s32 $0xB;
	s4 =	simm.s32 $0x10  }
0x92: {  	[smem:s4], [sflag:s15] =	dma.local [hbm:s2], $0x1  }
0x93: {  	_ =	swait.eq [sflag:s15], $0x1  }
0x94: {  	[sflag:s15] =	ssyncset.done $0x0  }
0x95: {  	[sflag:s15] =	ssyncadd.s32 $0xFFFFFFFF  }
0x96: {  	s16 =	sld [smem:$0x10];
	(tm) =	ssettm $0x1  }
0x97: {  	s17 =	sld [smem:$0x3FFB];
	_ =	sdelay $0x3  }
0x98: {  	_ =	strace s17  }
0x99: {  	s3 =	sld [smem:$0x3FFC];
	_ =	sdelay $0x3  }
0x9a: {  	_ =	strace s3  }
0x9b: {  	s3 =	sld [smem:$0x3FFD];
	_ =	sdelay $0x3  }
0x9c: {  	_ =	strace s3  }
0x9d: {  	_ =	strace $0x8FFFFFFF  }
0x9e: {  	s18 =	sld [smem:$0x3FDB];
	_ =	sdelay $0x1  }
0x9f: {  	s19 =	simm.s32 $_scs_section_size  }
0xa0: {  	s5 =	simm.s32 $_size__tile_overlayer_lowered;
	s6 =	simm.s32 $_tile_overlayer_lowered  }
0xa1: {  	s22 =	simm.s32 $0x1BFF;
	s21 =	sshll.u32 s6, $0x1;
	s3 =	sadd.s32 s19, s18  }
0xa2: {  	s7 =	simm.s32 $0x0;
	s20 =	sshll.u32 s5, $0x1;
	s5 =	sadd.s32 s21, s3  }
0xa3: {  	[timem:s7], [sflag:s22] =	dma.local [hbm:s5], s20  }
0xa4: {  	_ =	swait.ge [sflag:s22], s20  }
0xa5: {  	s4 =	ssub.s32 $0x0, s20;
	[sflag:s22] =	ssyncset.done $0x0  }
0xa6: {  	[sflag:s22] =	ssyncadd.s32 s4;
	_ =	sdelay $0x1  }
0xa7: {  	s23 =	simm.s32 $0x1B8B  }
0xa8: {  	_ =	swait.ge [sflag:s23], $0x1  }
0xa9: {  	[sflag:s23] =	ssyncset.done $0x0  }
0xaa: {  	s25 =	simm.s32 $0x1B8E;
	s24 =	sld [smem:$0x3FFE];
	[sflag:s23] =	ssyncadd.s32 $0xFFFFFFFF  }
0xab: {  	s26 =	simm.s32 $execute0_lowered;
	[smem:$0x3FD2] =	sst s25  }
0xac: {  	s5 =	sshll.u32 s26, $0x1;
	_ =	strace $0x8000004F;
	[dreg:$0x1] =	wrdreg $0xFFFFFFFF  }
0xad: {  	s28 =	simm.s32 $_size_execute0_lowered;
	s3 =	sadd.s32 s3, s5;
	[dreg:$0x0] =	wrdreg $0x0  }
0xae: {  	s5 =	sshll.u32 s28, $0x1;
	[dreg:$0x2] =	wrdreg s3  }
0xaf: {  	[dreg:$0x3] =	wrdreg s5  }
0xb0: {  	[dreg:$0x4] =	wrdreg $0xC0  }
0xb1: {  	_ =	task [dreg:s7], $0x5FFFF  }
0xb2: {  	[dreg:$0x1] =	wrdreg $0xFFFFFFFF  }
0xb3: {  	[dreg:$0x0] =	wrdreg $0x60  }
0xb4: {  	[dreg:$0x2] =	wrdreg s24  }
0xb5: {  	[dreg:$0x3] =	wrdreg s16  }
0xb6: {  	[dreg:$0x4] =	wrdreg $0xAC000  }
0xb7: {  	[dreg:$0x5] =	wrdreg $0xA  }
0xb8: {  	_ =	task.clear_ibuf [dreg:s7], $0x6FFFF;
	_ =	strace $0x9000004F  }
0xb9: {  	s29 =	simm.s32 $0xA;
	_ =	strace $0x80000051  }
0xba: {  	_ =	swait.ge [sflag:s29], $0x1  }
0xbb: {  	[sflag:s29] =	ssyncadd.s32 $0xFFFFFFFF  }
0xbc: {  	_ =	strace $0x90000051  }
0xbd: {  	_ =	sfence  }
0xbe: {  	s30 =	sld [smem:$0x0];
	_ =	sdelay $0x2  }
0xbf: {  	s31 =	sshll.u32 s1, $0xD;
	s1 =	sshrl.u32 s1, $0x2  }
0xc0: {  	s3 =	sand.u32 $0x4000, s31;
	s1 =	sadd.s32 s1, s30  }
0xc1: {  	s0 =	sor.u32 s3, s0;
	s1 =	sshll.u32 s1, $0x11  }
0xc2: {  	s0 =	sor.u32 s1, s0  }
0xc3: {  	s0 =	sadd.s32 $0x8F2B, s0  }
0xc4: {  	[sflag:s0] =	ssyncadd.remote.s32 $0x1  }
0xc5: {  	_ =	sfence.sel $0xFFFF  }
0xc6: {  	[dreg:$0x0] =	wrdreg $0xFFFFFFFF;
	(pc) =	sbr.abs _section_cstart, $3  }
0xc7: {  	[dreg:$0x1] =	wrdreg $0xFFFFFFFF  }
0xc8: {  	_ =	task.clear_ibuf [dreg:s7], $0x2FFFF;
	_ =	strace $0x9FFFFFFF  }
0xc9: {  	(tm) =	ssettm $0x7FFFFFFF  }
tec
execute0_lowered:
.L_overlay_start_1:
0x0: {  	(tag) =	ssettag $0x1  }
0x1: {  	s6 =	rddreg [dreg:$0x0]  }
0x2: {  	s2 =	rddreg [dreg:$0x1]  }
0x3: {  	s0 =	srdreg.scid;
	s3 =	rddreg [dreg:$0x2];
	s4 =	simm.s32 $0x0  }
0x4: {  	s16 =	simm.s32 $0x6C00;
	s17 =	simm.s32 $0x1;
	s18 =	simm.s32 $0x80  }
0x5: {  	s19 =	simm.s32 $0x2;
	s20 =	simm.s32 $0x3;
	s5 =	sand.u32 $0x1, s0  }
0x6: {  	s21 =	simm.s32 $0x4;
	s0 =	stileid.u32;
	s9 =	smul.u32 $0x13C000, s5  }
0x7: {  	s22 =	simm.s32 $0x2800;
	s23 =	simm.s32 $0x2880;
	s10 =	smul.u32 $0x13C00, s0  }
0x8: {  	s24 =	simm.s32 $0x0;
	[smem:$0x7FF] =	sst s4;
	s12 =	smul.u32 $0x4F000, s0  }
0x9: {  	s11 =	sadd.s32 $0xA8BC00, s6;
	s1 =	sshll.u32 s5, $0x4;
	s26 =	smul.u32 $0x520, s5  }
0xa: {  	s25 =	ssub.s32 $0x2, s5;
	s29 =	sshll.u32 s0, $0x6;
	s30 =	smul.u32 $0x52, s0  }
0xb: {  	s7 =	sor.u32 s0, s1;
	s1 =	rddreg [dreg:$0x3];
	_ =	strace $0x80000050  }
0xc: {  	s13 =	sshrl.u32 s25, $0x1;
	s5 =	sor.u32 $0x1C05, s29;
	s8 =	smul.u32 $0x580, s7  }
0xd: {  	s9 =	sadd.s32 s10, s9;
	s14 =	smul.u32 $0x148000, s7;
	s10 =	ssub.s32 s25, s13  }
0xe: {  	s28 =	sshrl.u32 s12, $0x2;
	s7 =	smul.u32 $0x29000, s7;
	s12 =	sadd.s32 s30, s26  }
0xf: {  	s9 =	sshrl.u32 s9, $0x3;
	s15 =	sadd.s32 s28, s3;
	s12 =	sshll.u32 s12, $0xB  }
0x10: {  	s10 =	smax.u32 s10, $0x1;
	s8 =	sadd.s32 s8, s6;
	s9 =	sadd.s32 s9, s6  }
0x11: {  	s31 =	sshrl.u32 s14, $0x3;
	s7 =	sadd.s32 s11, s7;
	s12 =	sadd.s32 s12, s11  }
0x12: {  	s13 =	sshrl.u32 s15, $0x3;
	s14 =	simm.s32 $0x5;
	s15 =	simm.s32 $0x2C00  }
0x13: {  	s6 =	sadd.s32 $0xA80C00, s8;
	s8 =	sadd.s32 s11, s31;
	s9 =	sadd.s32 $0x3800, s9  }
0x14: {  	s11 =	sadd.s32 $0x1000, s12;
	s12 =	sadd.s32 $0x800, s12;
	s8 =	sadd.s32 $0x28800, s8  }
.LBB2_1:
0x15: {  	[spmem:s13], [sflag:s5] =	dma.local [hbm:s2], $0x2780  }
0x16: {  	_ =	swait.ge [sflag:s14], $0x2780  }
0x17: {  	[sflag:s14] =	ssyncset.done $0x0  }
0x18: {  	[sflag:s14] =	ssyncadd.s32 $0xFFFFD880  }
0x19: {  	[tilespmem:s4], [sflag:$0x5] =	stream.linear.gather [hbm4b:s6+s4], $0x2900, $0x38;
	[tilespmem:$0x1E800] =	vst v63  }
0x1a: {  	_ =	swait.ge [sflag:s14], $0x2900  }
0x1b: {  	[sflag:s14] =	ssyncset.done $0x0  }
0x1c: {  	[sflag:s14] =	ssyncadd.s32 $0xFFFFD700  }
0x1d: {  	[bflag:$0x0] =	sbarrier.arrive $0xFFFF  }
0x1e: {  	[tilespmem:s15], [sflag:$0x1] =	stream.linear.gather [hbm4b:s7+s4], $0x4000, $0x38;
	[tilespmem:$0x1E800] =	vst v63  }
0x1f: {  	s25 =	sadd.s32 $0x0, s12  }
0x20: {  	[tilespmem:s16], [sflag:$0x2] =	stream.linear.gather [hbm4b:s25+s4], $0x4000, $0x38;
	[tilespmem:$0x1E800] =	vst v63  }
0x21: {  	_ =	swait.ge [sflag:s17], $0x4000  }
0x22: {  	[sflag:s17] =	ssyncset.done $0x0  }
0x23: {  	[sflag:s17] =	ssyncadd.s32 $0xFFFFC000  }
0x24: {  	[spmem:s3] =	stream.indirect.scatter.add.f32 [tilespmem:s15], [sflag:$0x3], $0x80, s4, s18, $0xb8;
	[tilespmem:$0x1E800] =	vst v63  }
0x25: {  	_ =	swait.ge [sflag:s19], $0x4000  }
0x26: {  	[sflag:s19] =	ssyncset.done $0x0  }
0x27: {  	s30 =	simm.s32 $0x80;
	[sflag:s19] =	ssyncadd.s32 $0xFFFFC000  }
0x28: {  	[spmem:s3] =	stream.indirect.scatter.add.f32 [tilespmem:s16], [sflag:$0x4], $0x80, s30, s18, $0xb8;
	[tilespmem:$0x1E800] =	vst v63  }
0x29: {  	_ =	swait.ge [sflag:s20], $0x4000  }
0x2a: {  	[sflag:s20] =	ssyncset.done $0x0  }
0x2b: {  	s31 =	sadd.s32 $0x0, s11;
	[sflag:s20] =	ssyncadd.s32 $0xFFFFC000  }
0x2c: {  	[tilespmem:s15], [sflag:$0x1] =	stream.linear.gather [hbm4b:s31+s4], $0x4000, $0x38;
	[tilespmem:$0x1E800] =	vst v63  }
0x2d: {  	s28 =	simm.s32 $0x2000;
	_ =	swait.ge [sflag:s21], $0x4000  }
0x2e: {  	s26 =	simm.s32 $0x100;
	s25 =	simm.s32 $0x1000;
	[sflag:s21] =	ssyncset.done $0x0  }
.LBB2_2:
0x2f: {  	s29 =	sadd.s32 s25, s12  }
0x30: {  	[sflag:s21] =	ssyncadd.s32 $0xFFFFC000;
	s30 =	smov.u32 s28;
	s31 =	sadd.s32 $0x1000, s28  }
0x31: {  	[tilespmem:s16], [sflag:$0x2] =	stream.linear.gather [hbm4b:s29+s4], $0x4000, $0x38;
	[tilespmem:$0x1E800] =	vst v63  }
0x32: {  	p0 =	sne.s32 s28, $0x27000;
	_ =	swait.ge [sflag:s17], $0x4000  }
0x33: {  	[sflag:s17] =	ssyncset.done $0x0  }
0x34: {  	[sflag:s17] =	ssyncadd.s32 $0xFFFFC000  }
0x35: {  	[spmem:s3] =	stream.indirect.scatter.add.f32 [tilespmem:s15], [sflag:$0x3], $0x80, s26, s18, $0xb8;
	[tilespmem:$0x1E800] =	vst v63  }
0x36: {  	_ =	swait.ge [sflag:s19], $0x4000  }
0x37: {  	[sflag:s19] =	ssyncset.done $0x0  }
0x38: {  	s28 =	sadd.s32 $0x80, s26;
	[sflag:s19] =	ssyncadd.s32 $0xFFFFC000  }
0x39: {  	[spmem:s3] =	stream.indirect.scatter.add.f32 [tilespmem:s16], [sflag:$0x4], $0x80, s28, s18, $0xb8;
	[tilespmem:$0x1E800] =	vst v63  }
0x3a: {  	_ =	swait.ge [sflag:s20], $0x4000  }
.Ltmp0:
0x3b: {  	[sflag:s20] =	ssyncset.done $0x0;
	(pc) =	sbr.rel @p0 .LBB2_2-.Ltmp0, $4  }
0x3c: {  	s28 =	sadd.s32 s25, s11;
	s25 =	smov.u32 s30;
	[sflag:s20] =	ssyncadd.s32 $0xFFFFC000  }
0x3d: {  	[tilespmem:s15], [sflag:$0x1] =	stream.linear.gather [hbm4b:s28+s4], $0x4000, $0x38;
	[tilespmem:$0x1E800] =	vst v63  }
0x3e: {  	_ =	swait.ge [sflag:s21], $0x4000  }
0x3f: {  	s26 =	sadd.s32 $0x100, s26;
	s28 =	smov.u32 s31;
	[sflag:s21] =	ssyncset.done $0x0  }
0x40: {  	s28 =	sadd.s32 s25, s12;
	[sflag:s21] =	ssyncadd.s32 $0xFFFFC000  }
0x41: {  	[tilespmem:s16], [sflag:$0x2] =	stream.linear.gather [hbm4b:s28+s4], $0x4000, $0x38;
	[tilespmem:$0x1E800] =	vst v63  }
0x42: {  	_ =	swait.ge [sflag:s17], $0x4000  }
0x43: {  	[sflag:s17] =	ssyncset.done $0x0  }
0x44: {  	[sflag:s17] =	ssyncadd.s32 $0xFFFFC000  }
0x45: {  	[spmem:s3] =	stream.indirect.scatter.add.f32 [tilespmem:s15], [sflag:$0x3], $0x80, s26, s18, $0xb8;
	[tilespmem:$0x1E800] =	vst v63  }
0x46: {  	_ =	swait.ge [sflag:s19], $0x4000  }
0x47: {  	[sflag:s19] =	ssyncset.done $0x0  }
0x48: {  	s30 =	sadd.s32 $0x80, s26;
	[sflag:s19] =	ssyncadd.s32 $0xFFFFC000  }
0x49: {  	[spmem:s3] =	stream.indirect.scatter.add.f32 [tilespmem:s16], [sflag:$0x4], $0x80, s30, s18, $0xb8;
	[tilespmem:$0x1E800] =	vst v63  }
0x4a: {  	_ =	swait.ge [sflag:s20], $0x4000  }
0x4b: {  	[sflag:s20] =	ssyncset.done $0x0  }
0x4c: {  	s31 =	sadd.s32 s25, s11;
	[sflag:s20] =	ssyncadd.s32 $0xFFFFC000  }
0x4d: {  	[tilespmem:s15], [sflag:$0x1] =	stream.linear.gather [hbm4b:s31+s4], $0x4000, $0x38;
	[tilespmem:$0x1E800] =	vst v63  }
0x4e: {  	_ =	swait.ge [sflag:s21], $0x4000  }
0x4f: {  	[sflag:s21] =	ssyncset.done $0x0  }
0x50: {  	[sflag:s21] =	ssyncadd.s32 $0xFFFFC000  }
0x51: {  	[tilespmem:s16], [sflag:$0x2] =	stream.linear.gather [hbm4b:s8+s4], $0x4000, $0x38;
	[tilespmem:$0x1E800] =	vst v63  }
0x52: {  	_ =	swait.ge [sflag:s17], $0x4000  }
0x53: {  	[sflag:s17] =	ssyncset.done $0x0  }
0x54: {  	[sflag:s17] =	ssyncadd.s32 $0xFFFFC000  }
0x55: {  	[spmem:s3] =	stream.indirect.scatter.add.f32 [tilespmem:s15], [sflag:$0x3], $0x80, s22, s18, $0xb8;
	[tilespmem:$0x1E800] =	vst v63  }
0x56: {  	_ =	swait.ge [sflag:s19], $0x4000  }
0x57: {  	[sflag:s19] =	ssyncset.done $0x0  }
0x58: {  	[sflag:s19] =	ssyncadd.s32 $0xFFFFC000  }
0x59: {  	[spmem:s3] =	stream.indirect.scatter.add.f32 [tilespmem:s16], [sflag:$0x4], $0x80, s23, s18, $0xb8;
	[tilespmem:$0x1E800] =	vst v63  }
0x5a: {  	_ =	swait.ge [sflag:s20], $0x4000  }
0x5b: {  	[sflag:s20] =	ssyncset.done $0x0  }
0x5c: {  	[sflag:s20] =	ssyncadd.s32 $0xFFFFC000  }
0x5d: {  	_ =	swait.ge [sflag:s21], $0x4000  }
0x5e: {  	s24 =	sadd.s32 $0x1, s24;
	[sflag:s21] =	ssyncset.done $0x0  }
0x5f: {  	p0 =	sne.s32 s24, s10;
	[sflag:s21] =	ssyncadd.s32 $0xFFFFC000  }
.Ltmp1:
0x60: {  	[bflag:$0x0] =	sbarrier.arrive $0xFFFF;
	(pc) =	sbr.rel @p0 .LBB2_1-.Ltmp1, $4  }
0x61: {  	[hbm:s9], [sflag:s5] =	dma.local [spmem:s13], $0x2780  }
0x62: {  	_ =	swait.ge [sflag:s14], $0x2780  }
0x63: {  	[sflag:s14] =	ssyncset.done $0x0  }
0x64: {  	[sflag:s14] =	ssyncadd.s32 $0xFFFFD880  }
0x65: {  	_ =	sfence.sel $0x180000  }
0x66: {  	[bflag:$0x0] =	sbarrier.arrive $0xFFFF  }
0x67: {  	p0 =	sne.s32 s0, $0x0;
	_ =	strace $0x90000050  }
0x68: {  	s0 =	sadd.s32 @!p0 $0x100000, s1;
	[bflag:$0x2] =	sbarrier.arrive $0xFFFF  }
0x69: {  	[sflag:s0] =	ssyncadd.tile.s32 @!p0 $0x1;
	_ =	shalt  }
.Lfunc_end2:
_tile_overlayer_lowered:
.L_overlay_start_2:
0x6a: {  	(tag) =	ssettag $0x2  }
0x6b: {  	s0 =	rddreg [dreg:$0x0];
	s2 =	stileid.u32  }
0x6c: {  	s1 =	rddreg [dreg:$0x1];
	p0 =	sne.s32 s2, $0x0  }
0x6d: {  	s3 =	rddreg [dreg:$0x2];
	[bflag:$0x3] =	sbarrier.arrive $0xFFFF;
	s2 =	simm.s32 @!p0 $0x1C05  }
0x6e: {  	[timem:s3], [sflag:s2] =	dma.local @!p0 [hbm:s0], s1  }
0x6f: {  	s0 =	simm.s32 @!p0 $0x5  }
0x70: {  	_ =	swait.ge @!p0 [sflag:s0], s1  }
0x71: {  	s1 =	ssub.s32 @!p0 $0x0, s1;
	[sflag:s0] =	ssyncset.done @!p0 $0x0  }
0x72: {  	[sflag:s0] =	ssyncadd.s32 @!p0 s1  }
0x73: {  	[bflag:$0x3] =	sbarrier.arrive $0xFFFF  }
0x74: {  	_ =	shalt  }

</sc_bundles>
